<compile_context>
chip_gen: v7x
topology: tpu7x:2x2x1
jax: 0.10.2.dev20260603
libtpu: 0.0.44.dev20260713+nightly
codegen_flags: <defaults>
</compile_context>

<pallas_src>
import functools

import jax
import jax.numpy as jnp
from jax import lax
from jax.experimental import pallas as pl
from jax.experimental.pallas import tpu as pltpu
from jax.experimental.pallas import tpu_sc as plsc

_N_NODES = 100000
_N_EDGES = 6400000
_NC = 2
_NS = 16
_NW = _NC * _NS
_B = 800
_BH = _B // 2
_NBLK = _N_EDGES // _B
_NT = _NBLK // _NW
_N_PAD = 100352
_ZSL = _N_PAD // _NS
_CSL = _N_PAD // _NW

_K = 4096
_DMAX = 14.08
_H = _DMAX / _K
_INV_H = _K / _DMAX
_TABW = _K + 16

_KEHALF = 7.199822675975274
_C1 = 1.0 / 144.0
_C2 = 1.0 / 6.0
_CUTOFF = 12.0

_mesh = plsc.VectorSubcoreMesh(
    core_axis_name="c", subcore_axis_name="s", num_cores=_NC, num_subcores=_NS
)


def _m_exact(d):
    t = d * d + 1.0
    ib = plsc.bitcast(t, jnp.int32)
    ib = jnp.int32(0x5F3759DF) - lax.shift_right_arithmetic(ib, 1)
    r = plsc.bitcast(ib, jnp.float32)
    th = 0.5 * t
    r = r * (1.5 - th * r * r)
    r = r * (1.5 - th * r * r)
    r = r * (1.5 - th * r * r)
    ds_ = t * r
    e_shd = r + (ds_ * jnp.float32(_C1) - jnp.float32(_C2))
    e_ord = 1.0 / d + (d * jnp.float32(_C1) - jnp.float32(_C2))
    x = jnp.minimum(d * 0.5, 1.0)
    x2 = x * x
    x3 = x2 * x
    w_on = x3 * ((6.0 * x2 - 15.0 * x) + 10.0)
    mix = e_shd + w_on * (e_ord - e_shd)
    return jnp.where(d <= jnp.float32(_CUTOFF),
                     jnp.float32(_KEHALF) * mix, jnp.float32(0.0))


@functools.partial(
    pl.kernel,
    out_type=(jax.ShapeDtypeStruct((_N_PAD,), jnp.float32),
              jax.ShapeDtypeStruct((_N_PAD,), jnp.float32)),
    mesh=_mesh,
    compiler_params=pltpu.CompilerParams(needs_layout_passes=False),
    scratch_types=[
        pltpu.VMEM((_N_NODES,), jnp.float32),
        pltpu.VMEM((_TABW,), jnp.float32),
        pltpu.VMEM((_B,), jnp.float32),
        pltpu.VMEM((_B,), jnp.float32),
        pltpu.VMEM((_B,), jnp.float32),
        pltpu.VMEM((_BH,), jnp.int32),
        pltpu.VMEM((_BH,), jnp.int32),
        pltpu.VMEM((_BH,), jnp.int32),
        pltpu.VMEM((_BH,), jnp.int32),
        pltpu.VMEM((_BH,), jnp.int32),
        pltpu.VMEM((_BH,), jnp.int32),
        pltpu.VMEM((_B,), jnp.int32),
        pltpu.VMEM((_B,), jnp.int32),
        pltpu.VMEM((_B,), jnp.int32),
        pltpu.VMEM((_BH,), jnp.float32),
        pltpu.VMEM((_BH,), jnp.float32),
        pltpu.VMEM((_BH,), jnp.float32),
        pltpu.VMEM((_BH,), jnp.float32),
        pltpu.VMEM((_BH,), jnp.float32),
        pltpu.VMEM((_BH,), jnp.float32),
        pltpu.VMEM_SHARED((_N_PAD,), jnp.float32),
        pltpu.SemaphoreType.DMA,
        pltpu.SemaphoreType.DMA,
        pltpu.SemaphoreType.DMA,
        pltpu.SemaphoreType.DMA,
        pltpu.SemaphoreType.DMA,
        pltpu.SemaphoreType.DMA,
    ],
)
def _sc_main(ch_hbm, d_hbm, ii_hbm, ij_hbm, out0_hbm, out1_hbm,
             table_v, mval_v,
             d0, d1, d2, ia0, ia1, ia2, ib0, ib1, ib2, j0, j1, j2,
             ea0, ea1, ea2, eb0, eb1, eb2,
             accum_sh, si0, si1, si2, ss0, ss1, ss2):
    cid = lax.axis_index("c")
    sid = lax.axis_index("s")
    wid = sid * _NC + cid
    sets = ((d0, ia0, ib0, j0, ea0, eb0, si0, ss0),
            (d1, ia1, ib1, j1, ea1, eb1, si1, ss1),
            (d2, ia2, ib2, j2, ea2, eb2, si2, ss2))

    def issue_load(t, st):
        dv, iva, ivb, jv, _, _, sin, _ = st
        off = (wid + t * _NW) * _B
        pltpu.async_copy(d_hbm.at[pl.ds(off, _B)], dv, sin)
        pltpu.async_copy(ii_hbm.at[pl.ds(off, _BH)], iva, sin)
        pltpu.async_copy(ii_hbm.at[pl.ds(off + _BH, _BH)], ivb, sin)
        pltpu.async_copy(ij_hbm.at[pl.ds(off, _B)], jv, sin)

    def wait_load(st):
        dv, iva, ivb, jv, _, _, sin, _ = st
        pltpu.make_async_copy(d_hbm.at[pl.ds(0, _B)], dv, sin).wait()
        pltpu.make_async_copy(ii_hbm.at[pl.ds(0, _BH)], iva, sin).wait()
        pltpu.make_async_copy(ii_hbm.at[pl.ds(0, _BH)], ivb, sin).wait()
        pltpu.make_async_copy(ij_hbm.at[pl.ds(0, _B)], jv, sin).wait()

    def wait_scatter(st):
        _, iva, ivb, _, eva, evb, _, ssc = st
        pltpu.make_async_copy(eva, accum_sh.at[iva], ssc).wait()
        pltpu.make_async_copy(evb, accum_sh.at[ivb], ssc).wait()

    issue_load(0, sets[0])
    issue_load(1, sets[1])

    pltpu.sync_copy(ch_hbm, table_v)

    lanes = lax.iota(jnp.int32, 16)

    def build_vals(k, _):
        node = k * 16 + lanes
        dn = (node.astype(jnp.float32) + 0.5) * jnp.float32(_H)
        mval_v[pl.ds(k * 16, 16)] = _m_exact(dn)
        return 0
    lax.fori_loop(0, _K // 16, build_vals, 0)

    def zstep(k, _):
        d0[pl.ds(k * 16, 16)] = jnp.zeros((16,), jnp.float32)
        return 0
    lax.fori_loop(0, _B // 16, zstep, 0)
    zbase = sid * _ZSL
    for c in range(7):
        pltpu.sync_copy(d0, accum_sh.at[pl.ds(zbase + c * _B, _B)])
    pltpu.sync_copy(d0.at[pl.ds(0, _ZSL - 7 * _B)],
                    accum_sh.at[pl.ds(zbase + 7 * _B, _ZSL - 7 * _B)])
    plsc.subcore_barrier()

    def substep(t, k):
        st = sets[k]
        nxt = sets[(k + 1) % 3]
        @pl.when(t >= 2)
        def _():
            wait_scatter(nxt)

        @pl.when(jnp.logical_and(t + 1 < _NT, t >= 1))
        def _():
            issue_load(t + 1, nxt)

        @pl.when(t < _NT)
        def _():
            dv, iva, ivb, jv, eva, evb, sin, ssc = st
            wait_load(st)

            def make_step(iv, ev, half):
                def step(kk, _):
                    base = kk * 64
                    for u in range(4):
                        so = base + u * 16
                        s = pl.ds(so, 16)
                        sg = pl.ds(half * _BH + so, 16)
                        d = dv[sg]
                        qi = plsc.load_gather(table_v, [iv[s]])
                        qj = plsc.load_gather(table_v, [jv[sg]])
                        uu = d * jnp.float32(_INV_H)
                        idx = jnp.minimum(uu.astype(jnp.int32), _K - 1)
                        mk = plsc.load_gather(mval_v, [idx])
                        ev[s] = (qi * qj) * mk
                    return 0
                return step
            lax.fori_loop(0, _BH // 64, make_step(iva, eva, 0), 0)
            pltpu.async_copy(eva, accum_sh.at[iva], ssc, add=True)
            lax.fori_loop(0, _BH // 64, make_step(ivb, evb, 1), 0)
            pltpu.async_copy(evb, accum_sh.at[ivb], ssc, add=True)

    def trip(g, _):
        substep(3 * g, 0)
        substep(3 * g + 1, 1)
        substep(3 * g + 2, 2)
        return 0
    lax.fori_loop(0, (_NT + 3) // 3, trip, 0)

    plsc.subcore_barrier()

    def wb(base, n):
        pltpu.sync_copy(accum_sh.at[pl.ds(base, n)], d0.at[pl.ds(0, n)])

        @pl.when(cid == 0)
        def _():
            pltpu.sync_copy(d0.at[pl.ds(0, n)], out0_hbm.at[pl.ds(base, n)])

        @pl.when(cid == 1)
        def _():
            pltpu.sync_copy(d0.at[pl.ds(0, n)], out1_hbm.at[pl.ds(base, n)])
    for c in range(7):
        wb(zbase + c * _B, _B)
    wb(zbase + 7 * _B, _ZSL - 7 * _B)


@functools.partial(
    pl.kernel,
    out_type=jax.ShapeDtypeStruct((_N_PAD,), jnp.float32),
    mesh=_mesh,
    compiler_params=pltpu.CompilerParams(needs_layout_passes=False),
    scratch_types=[
        pltpu.VMEM((_CSL,), jnp.float32),
        pltpu.VMEM((_CSL,), jnp.float32),
    ],
)
def _sc_combine(p0_hbm, p1_hbm, out_hbm, a_v, b_v):
    cid = lax.axis_index("c")
    sid = lax.axis_index("s")
    wid = sid * _NC + cid
    base = wid * _CSL
    pltpu.sync_copy(p0_hbm.at[pl.ds(base, _CSL)], a_v)
    pltpu.sync_copy(p1_hbm.at[pl.ds(base, _CSL)], b_v)

    def step(k, _):
        s = pl.ds(k * 16, 16)
        a_v[s] = a_v[s] + b_v[s]
        return 0
    lax.fori_loop(0, _CSL // 16, step, 0)
    pltpu.sync_copy(a_v, out_hbm.at[pl.ds(base, _CSL)])


def kernel(atomic_charges, distances, idx_i, idx_j):
    p0, p1 = _sc_main(atomic_charges, distances, idx_i, idx_j)
    summed = _sc_combine(p0, p1)
    return summed[:_N_NODES]

# --- scband reference (transcript-rebuilt; emitter-appended) ---
"""Pipeline reference for scband-pc-dipole-damped-electrostatics-48241072668729 (READ-ONLY COPY).

The authoritative reference and input builder live on the scoring server;
editing this copy changes nothing except your own understanding.
"""

import jax, jax.numpy as jnp
import numpy as np

CUTOFF = 12.0
CUTOFF_SR = 2.0
CUTOFF_SQ = CUTOFF * CUTOFF
KEHALF = 7.199822675975274
N_NODES = 100000
N_EDGES = 6400000


def poly6_switch(d, rc):
    # Poly6 smooth switch-off function: 1 at d=0, 0 at d>=rc
    x = jnp.clip(d / rc, 0.0, 1.0)
    return 1.0 - 6.0 * x**5 + 15.0 * x**4 - 10.0 * x**3


def setup_inputs(seed: int = 0) -> dict:
    key = jax.random.key(seed)
    k1, k2, k3, k4 = jax.random.split(key, 4)
    atomic_charges = jax.random.normal(k1, (N_NODES,), dtype=jnp.float32) * 0.2
    # distances strictly positive, spanning inside/outside both cutoffs
    distances = jax.random.uniform(k2, (N_EDGES,), dtype=jnp.float32, minval=0.5, maxval=14.0)
    idx_i = jax.random.randint(k3, (N_EDGES,), 0, N_NODES, dtype=jnp.int32)
    idx_j = jax.random.randint(k4, (N_EDGES,), 0, N_NODES, dtype=jnp.int32)
    return {"atomic_charges": atomic_charges, "distances": distances, "idx_i": idx_i, "idx_j": idx_j}


def reference(atomic_charges, distances, idx_i, idx_j):
    # gather per-pair charges
    q_i = jnp.take(atomic_charges, idx_i, axis=0)
    q_j = jnp.take(atomic_charges, idx_j, axis=0)
    # shielded distance avoids singularity at d -> 0
    d_shielded = jnp.sqrt(distances**2 + 1.0)
    w_off = poly6_switch(distances, CUTOFF_SR)
    w_on = 1.0 - w_off
    # split_distance branch (cutoff != cutoff_short_range): shifted-force Coulomb
    E_ord = 1.0 / distances + distances / CUTOFF_SQ - 2.0 / CUTOFF
    E_shd = 1.0 / d_shielded + d_shielded / CUTOFF_SQ - 2.0 / CUTOFF
    E = KEHALF * q_i * q_j * (w_off * E_shd + w_on * E_ord)
    E = jnp.where(distances <= CUTOFF, E, jnp.zeros_like(E))
    # scatter_sum over first pair index into per-atom energies
    return jax.ops.segment_sum(E, idx_i, num_segments=atomic_charges.shape[0])

if __name__ == "__main__":
    import jax
    _d = setup_inputs()
    print(jax.jit(kernel)(*tuple(_d.values())))

</pallas_src>

<mosaic_0001>
#map = affine_map<(d0, d1) -> (0)>
module attributes {stable_mosaic.version = 14 : i64} {
  func.func @_sc_combine(%arg0: i32, %arg1: i32, %arg2: memref<100352xf32, #tpu.memory_space<hbm>>, %arg3: memref<100352xf32, #tpu.memory_space<hbm>>, %arg4: memref<100352xf32, #tpu.memory_space<hbm>>, %arg5: memref<3136xf32, #tpu.memory_space<vmem>>, %arg6: memref<3136xf32, #tpu.memory_space<vmem>>) attributes {dimension_semantics = [#tpu.dimension_semantics<core_parallel>, #tpu.dimension_semantics<subcore_parallel>], iteration_bounds = array<i64: 2, 16>, scalar_prefetch = 0 : i64, scratch_operands = 2 : i64, tpu.core_type = #tpu.core_type<sc_vector_subcore>, window_params = [{transform_indices = #map}, {transform_indices = #map}, {transform_indices = #map}]} {
    %mul3A = arith.constant 2 : i32
    %mul3A_0 = arith.muli %arg1, %mul3A : i32
    %add3A = arith.addi %mul3A_0, %arg0 : i32
    %mul3A_1 = arith.constant 3136 : i32
    %mul3A_2 = arith.muli %add3A, %mul3A_1 : i32
    "tpu.region"() ({
      %run_scoped3A = tpu.sem_alloc : memref<!tpu.dma_semaphore, #tpu.memory_space<semaphore_mem>>
      %dma_start3A = tpu.memref_slice %arg2[%mul3A_2] : memref<100352xf32, #tpu.memory_space<hbm>> -> memref<3136xf32, #tpu.memory_space<hbm>>
      %dma_start3A_9 = tpu.memref_slice %arg2[%mul3A_2] : memref<100352xf32, #tpu.memory_space<hbm>> -> memref<3136xf32, #tpu.memory_space<hbm>>
      tpu.enqueue_dma source(%dma_start3A_9 : memref<3136xf32, #tpu.memory_space<hbm>>) target(%arg5 : memref<3136xf32, #tpu.memory_space<vmem>>) target_semaphore(%run_scoped3A : memref<!tpu.dma_semaphore, #tpu.memory_space<semaphore_mem>>)
      %dma_wait3A = tpu.memref_slice %arg2[%mul3A_2] : memref<100352xf32, #tpu.memory_space<hbm>> -> memref<3136xf32, #tpu.memory_space<hbm>>
      %dma_wait3A_10 = tpu.memref_slice %arg2[%mul3A_2] : memref<100352xf32, #tpu.memory_space<hbm>> -> memref<3136xf32, #tpu.memory_space<hbm>>
      tpu.wait_dma2 semaphore(%run_scoped3A : memref<!tpu.dma_semaphore, #tpu.memory_space<semaphore_mem>>) src(%dma_wait3A_10 : memref<3136xf32, #tpu.memory_space<hbm>>) dst(%arg5 : memref<3136xf32, #tpu.memory_space<vmem>>)
      tpu.yield
    }) : () -> ()
    "tpu.region"() ({
      %run_scoped3A = tpu.sem_alloc : memref<!tpu.dma_semaphore, #tpu.memory_space<semaphore_mem>>
      %dma_start3A = tpu.memref_slice %arg3[%mul3A_2] : memref<100352xf32, #tpu.memory_space<hbm>> -> memref<3136xf32, #tpu.memory_space<hbm>>
      %dma_start3A_9 = tpu.memref_slice %arg3[%mul3A_2] : memref<100352xf32, #tpu.memory_space<hbm>> -> memref<3136xf32, #tpu.memory_space<hbm>>
      tpu.enqueue_dma source(%dma_start3A_9 : memref<3136xf32, #tpu.memory_space<hbm>>) target(%arg6 : memref<3136xf32, #tpu.memory_space<vmem>>) target_semaphore(%run_scoped3A : memref<!tpu.dma_semaphore, #tpu.memory_space<semaphore_mem>>)
      %dma_wait3A = tpu.memref_slice %arg3[%mul3A_2] : memref<100352xf32, #tpu.memory_space<hbm>> -> memref<3136xf32, #tpu.memory_space<hbm>>
      %dma_wait3A_10 = tpu.memref_slice %arg3[%mul3A_2] : memref<100352xf32, #tpu.memory_space<hbm>> -> memref<3136xf32, #tpu.memory_space<hbm>>
      tpu.wait_dma2 semaphore(%run_scoped3A : memref<!tpu.dma_semaphore, #tpu.memory_space<semaphore_mem>>) src(%dma_wait3A_10 : memref<3136xf32, #tpu.memory_space<hbm>>) dst(%arg6 : memref<3136xf32, #tpu.memory_space<vmem>>)
      tpu.yield
    }) : () -> ()
    %scan3A = arith.constant 0 : i32
    %scan3A_3 = arith.constant 0 : i32
    %scan3A_4 = arith.constant 196 : i32
    %scan3A_5 = arith.addi %scan3A_3, %scan3A_4 : i32
    %scan3A_6 = arith.constant 1 : i32
    %scan3A_7 = scf.for %scan3A_9 = %scan3A_3 to %scan3A_5 step %scan3A_6 iter_args(%scan3A_10 = %scan3A) -> (i32)  : i32 {
      %mul3A_11 = arith.constant 16 : i32
      %mul3A_12 = arith.muli %scan3A_9, %mul3A_11 : i32
      %get3A = arith.index_cast %mul3A_12 : i32 to index
      %get3A_13 = tpu.vector_load %arg5[%get3A] {strides = array<i32>} : memref<3136xf32, #tpu.memory_space<vmem>>, vector<16xf32>,
      %get3A_14 = arith.index_cast %mul3A_12 : i32 to index
      %get3A_15 = tpu.vector_load %arg6[%get3A_14] {strides = array<i32>} : memref<3136xf32, #tpu.memory_space<vmem>>, vector<16xf32>,
      %add3A_16 = arith.addf %get3A_13, %get3A_15 : vector<16xf32>
      %swap3A = arith.index_cast %mul3A_12 : i32 to index
      %swap3A_17 = tpu.vector_load %arg5[%swap3A] {strides = array<i32>} : memref<3136xf32, #tpu.memory_space<vmem>>, vector<16xf32>,
      tpu.vector_store %arg5[%swap3A], %add3A_16 {strides = array<i32>} : memref<3136xf32, #tpu.memory_space<vmem>>, vector<16xf32>,
      %scan3A_18 = arith.constant 0 : i32
      scf.yield %scan3A_18 : i32
    }
    %scan3A_8 = arith.constant 196 : i32
    "tpu.region"() ({
      %run_scoped3A = tpu.sem_alloc : memref<!tpu.dma_semaphore, #tpu.memory_space<semaphore_mem>>
      %dma_start3A = tpu.memref_slice %arg4[%mul3A_2] : memref<100352xf32, #tpu.memory_space<hbm>> -> memref<3136xf32, #tpu.memory_space<hbm>>
      %dma_start3A_9 = tpu.memref_slice %arg4[%mul3A_2] : memref<100352xf32, #tpu.memory_space<hbm>> -> memref<3136xf32, #tpu.memory_space<hbm>>
      tpu.enqueue_dma source(%arg5 : memref<3136xf32, #tpu.memory_space<vmem>>) target(%dma_start3A_9 : memref<3136xf32, #tpu.memory_space<hbm>>) target_semaphore(%run_scoped3A : memref<!tpu.dma_semaphore, #tpu.memory_space<semaphore_mem>>)
      %dma_wait3A = tpu.memref_slice %arg4[%mul3A_2] : memref<100352xf32, #tpu.memory_space<hbm>> -> memref<3136xf32, #tpu.memory_space<hbm>>
      %dma_wait3A_10 = tpu.memref_slice %arg4[%mul3A_2] : memref<100352xf32, #tpu.memory_space<hbm>> -> memref<3136xf32, #tpu.memory_space<hbm>>
      tpu.wait_dma2 semaphore(%run_scoped3A : memref<!tpu.dma_semaphore, #tpu.memory_space<semaphore_mem>>) src(%arg5 : memref<3136xf32, #tpu.memory_space<vmem>>) dst(%dma_wait3A_10 : memref<3136xf32, #tpu.memory_space<hbm>>)
      tpu.yield
    }) : () -> ()
    return
  }
}

#map = affine_map<(d0, d1) -> (0)>
module attributes {stable_mosaic.version = 14 : i64} {
  func.func @_sc_main(%arg0: i32, %arg1: i32, %arg2: memref<100000xf32, #tpu.memory_space<hbm>>, %arg3: memref<6400000xf32, #tpu.memory_space<hbm>>, %arg4: memref<6400000xi32, #tpu.memory_space<hbm>>, %arg5: memref<6400000xi32, #tpu.memory_space<hbm>>, %arg6: memref<100352xf32, #tpu.memory_space<hbm>>, %arg7: memref<100352xf32, #tpu.memory_space<hbm>>, %arg8: memref<100000xf32, #tpu.memory_space<vmem>>, %arg9: memref<4112xf32, #tpu.memory_space<vmem>>, %arg10: memref<800xf32, #tpu.memory_space<vmem>>, %arg11: memref<800xf32, #tpu.memory_space<vmem>>, %arg12: memref<800xf32, #tpu.memory_space<vmem>>, %arg13: memref<400xi32, #tpu.memory_space<vmem>>, %arg14: memref<400xi32, #tpu.memory_space<vmem>>, %arg15: memref<400xi32, #tpu.memory_space<vmem>>, %arg16: memref<400xi32, #tpu.memory_space<vmem>>, %arg17: memref<400xi32, #tpu.memory_space<vmem>>, %arg18: memref<400xi32, #tpu.memory_space<vmem>>, %arg19: memref<800xi32, #tpu.memory_space<vmem>>, %arg20: memref<800xi32, #tpu.memory_space<vmem>>, %arg21: memref<800xi32, #tpu.memory_space<vmem>>, %arg22: memref<400xf32, #tpu.memory_space<vmem>>, %arg23: memref<400xf32, #tpu.memory_space<vmem>>, %arg24: memref<400xf32, #tpu.memory_space<vmem>>, %arg25: memref<400xf32, #tpu.memory_space<vmem>>, %arg26: memref<400xf32, #tpu.memory_space<vmem>>, %arg27: memref<400xf32, #tpu.memory_space<vmem>>, %arg28: memref<100352xf32, #tpu.memory_space<vmem_shared>>, %arg29: memref<!tpu.dma_semaphore, #tpu.memory_space<semaphore_mem>>, %arg30: memref<!tpu.dma_semaphore, #tpu.memory_space<semaphore_mem>>, %arg31: memref<!tpu.dma_semaphore, #tpu.memory_space<semaphore_mem>>, %arg32: memref<!tpu.dma_semaphore, #tpu.memory_space<semaphore_mem>>, %arg33: memref<!tpu.dma_semaphore, #tpu.memory_space<semaphore_mem>>, %arg34: memref<!tpu.dma_semaphore, #tpu.memory_space<semaphore_mem>>) attributes {dimension_semantics = [#tpu.dimension_semantics<core_parallel>, #tpu.dimension_semantics<subcore_parallel>], iteration_bounds = array<i64: 2, 16>, scalar_prefetch = 0 : i64, scratch_operands = 27 : i64, tpu.core_type = #tpu.core_type<sc_vector_subcore>, window_params = [{transform_indices = #map}, {transform_indices = #map}, {transform_indices = #map}, {transform_indices = #map}, {transform_indices = #map}, {transform_indices = #map}]} {
    %mul3A = arith.constant 2 : i32
    %mul3A_0 = arith.muli %arg1, %mul3A : i32
    %add3A = arith.addi %mul3A_0, %arg0 : i32
    %add3A_1 = arith.constant 0 : i32
    %add3A_2 = arith.addi %add3A, %add3A_1 : i32
    %mul3A_3 = arith.constant 800 : i32
    %mul3A_4 = arith.muli %add3A_2, %mul3A_3 : i32
    %dma_start3A = tpu.memref_slice %arg3[%mul3A_4] : memref<6400000xf32, #tpu.memory_space<hbm>> -> memref<800xf32, #tpu.memory_space<hbm>>
    %dma_start3A_5 = tpu.memref_slice %arg3[%mul3A_4] : memref<6400000xf32, #tpu.memory_space<hbm>> -> memref<800xf32, #tpu.memory_space<hbm>>
    tpu.enqueue_dma source(%dma_start3A_5 : memref<800xf32, #tpu.memory_space<hbm>>) target(%arg10 : memref<800xf32, #tpu.memory_space<vmem>>) target_semaphore(%arg29 : memref<!tpu.dma_semaphore, #tpu.memory_space<semaphore_mem>>)
    %dma_start3A_6 = tpu.memref_slice %arg4[%mul3A_4] : memref<6400000xi32, #tpu.memory_space<hbm>> -> memref<400xi32, #tpu.memory_space<hbm>>
    %dma_start3A_7 = tpu.memref_slice %arg4[%mul3A_4] : memref<6400000xi32, #tpu.memory_space<hbm>> -> memref<400xi32, #tpu.memory_space<hbm>>
    tpu.enqueue_dma source(%dma_start3A_7 : memref<400xi32, #tpu.memory_space<hbm>>) target(%arg13 : memref<400xi32, #tpu.memory_space<vmem>>) target_semaphore(%arg29 : memref<!tpu.dma_semaphore, #tpu.memory_space<semaphore_mem>>)
    %add3A_8 = arith.constant 400 : i32
    %add3A_9 = arith.addi %mul3A_4, %add3A_8 : i32
    %dma_start3A_10 = tpu.memref_slice %arg4[%add3A_9] : memref<6400000xi32, #tpu.memory_space<hbm>> -> memref<400xi32, #tpu.memory_space<hbm>>
    %dma_start3A_11 = tpu.memref_slice %arg4[%add3A_9] : memref<6400000xi32, #tpu.memory_space<hbm>> -> memref<400xi32, #tpu.memory_space<hbm>>
    tpu.enqueue_dma source(%dma_start3A_11 : memref<400xi32, #tpu.memory_space<hbm>>) target(%arg16 : memref<400xi32, #tpu.memory_space<vmem>>) target_semaphore(%arg29 : memref<!tpu.dma_semaphore, #tpu.memory_space<semaphore_mem>>)
    %dma_start3A_12 = tpu.memref_slice %arg5[%mul3A_4] : memref<6400000xi32, #tpu.memory_space<hbm>> -> memref<800xi32, #tpu.memory_space<hbm>>
    %dma_start3A_13 = tpu.memref_slice %arg5[%mul3A_4] : memref<6400000xi32, #tpu.memory_space<hbm>> -> memref<800xi32, #tpu.memory_space<hbm>>
    tpu.enqueue_dma source(%dma_start3A_13 : memref<800xi32, #tpu.memory_space<hbm>>) target(%arg19 : memref<800xi32, #tpu.memory_space<vmem>>) target_semaphore(%arg29 : memref<!tpu.dma_semaphore, #tpu.memory_space<semaphore_mem>>)
    %add3A_14 = arith.constant 32 : i32
    %add3A_15 = arith.addi %add3A, %add3A_14 : i32
    %mul3A_16 = arith.constant 800 : i32
    %mul3A_17 = arith.muli %add3A_15, %mul3A_16 : i32
    %dma_start3A_18 = tpu.memref_slice %arg3[%mul3A_17] : memref<6400000xf32, #tpu.memory_space<hbm>> -> memref<800xf32, #tpu.memory_space<hbm>>
    %dma_start3A_19 = tpu.memref_slice %arg3[%mul3A_17] : memref<6400000xf32, #tpu.memory_space<hbm>> -> memref<800xf32, #tpu.memory_space<hbm>>
    tpu.enqueue_dma source(%dma_start3A_19 : memref<800xf32, #tpu.memory_space<hbm>>) target(%arg11 : memref<800xf32, #tpu.memory_space<vmem>>) target_semaphore(%arg30 : memref<!tpu.dma_semaphore, #tpu.memory_space<semaphore_mem>>)
    %dma_start3A_20 = tpu.memref_slice %arg4[%mul3A_17] : memref<6400000xi32, #tpu.memory_space<hbm>> -> memref<400xi32, #tpu.memory_space<hbm>>
    %dma_start3A_21 = tpu.memref_slice %arg4[%mul3A_17] : memref<6400000xi32, #tpu.memory_space<hbm>> -> memref<400xi32, #tpu.memory_space<hbm>>
    tpu.enqueue_dma source(%dma_start3A_21 : memref<400xi32, #tpu.memory_space<hbm>>) target(%arg14 : memref<400xi32, #tpu.memory_space<vmem>>) target_semaphore(%arg30 : memref<!tpu.dma_semaphore, #tpu.memory_space<semaphore_mem>>)
    %add3A_22 = arith.constant 400 : i32
    %add3A_23 = arith.addi %mul3A_17, %add3A_22 : i32
    %dma_start3A_24 = tpu.memref_slice %arg4[%add3A_23] : memref<6400000xi32, #tpu.memory_space<hbm>> -> memref<400xi32, #tpu.memory_space<hbm>>
    %dma_start3A_25 = tpu.memref_slice %arg4[%add3A_23] : memref<6400000xi32, #tpu.memory_space<hbm>> -> memref<400xi32, #tpu.memory_space<hbm>>
    tpu.enqueue_dma source(%dma_start3A_25 : memref<400xi32, #tpu.memory_space<hbm>>) target(%arg17 : memref<400xi32, #tpu.memory_space<vmem>>) target_semaphore(%arg30 : memref<!tpu.dma_semaphore, #tpu.memory_space<semaphore_mem>>)
    %dma_start3A_26 = tpu.memref_slice %arg5[%mul3A_17] : memref<6400000xi32, #tpu.memory_space<hbm>> -> memref<800xi32, #tpu.memory_space<hbm>>
    %dma_start3A_27 = tpu.memref_slice %arg5[%mul3A_17] : memref<6400000xi32, #tpu.memory_space<hbm>> -> memref<800xi32, #tpu.memory_space<hbm>>
    tpu.enqueue_dma source(%dma_start3A_27 : memref<800xi32, #tpu.memory_space<hbm>>) target(%arg20 : memref<800xi32, #tpu.memory_space<vmem>>) target_semaphore(%arg30 : memref<!tpu.dma_semaphore, #tpu.memory_space<semaphore_mem>>)
    "tpu.region"() ({
      %run_scoped3A = tpu.sem_alloc : memref<!tpu.dma_semaphore, #tpu.memory_space<semaphore_mem>>
      tpu.enqueue_dma source(%arg2 : memref<100000xf32, #tpu.memory_space<hbm>>) target(%arg8 : memref<100000xf32, #tpu.memory_space<vmem>>) target_semaphore(%run_scoped3A : memref<!tpu.dma_semaphore, #tpu.memory_space<semaphore_mem>>)
      tpu.wait_dma2 semaphore(%run_scoped3A : memref<!tpu.dma_semaphore, #tpu.memory_space<semaphore_mem>>) src(%arg2 : memref<100000xf32, #tpu.memory_space<hbm>>) dst(%arg8 : memref<100000xf32, #tpu.memory_space<vmem>>)
      tpu.yield
    }) : () -> ()
    %iota3A = tpu.iota {dimensions = array<i32: 0>} : vector<16xi32>
    %scan3A = arith.constant 0 : i32
    %scan3A_28 = arith.constant 0 : i32
    %scan3A_29 = arith.constant 256 : i32
    %scan3A_30 = arith.addi %scan3A_28, %scan3A_29 : i32
    %scan3A_31 = arith.constant 1 : i32
    %scan3A_32 = scf.for %scan3A_160 = %scan3A_28 to %scan3A_30 step %scan3A_31 iter_args(%scan3A_161 = %scan3A) -> (i32)  : i32 {
      %mul3A_162 = arith.constant 16 : i32
      %mul3A_163 = arith.muli %scan3A_160, %mul3A_162 : i32
      %add3A_164 = vector.broadcast %mul3A_163 : i32 to vector<16xi32>
      %add3A_165 = arith.addi %add3A_164, %iota3A : vector<16xi32>
      %convert_element_type3A_166 = arith.sitofp %add3A_165 : vector<16xi32> to vector<16xf32>
      %add3A_167 = arith.constant 5.000000e-01 : f32
      %add3A_168 = vector.broadcast %add3A_167 : f32 to vector<16xf32>
      %add3A_169 = arith.addf %convert_element_type3A_166, %add3A_168 : vector<16xf32>
      %mul3A_170 = arith.constant 3.437500e-03 : f32
      %mul3A_171 = vector.broadcast %mul3A_170 : f32 to vector<16xf32>
      %mul3A_172 = arith.mulf %add3A_169, %mul3A_171 : vector<16xf32>
      %mul3A_173 = arith.mulf %mul3A_172, %mul3A_172 : vector<16xf32>
      %add3A_174 = arith.constant 1.000000e+00 : f32
      %add3A_175 = vector.broadcast %add3A_174 : f32 to vector<16xf32>
      %add3A_176 = arith.addf %mul3A_173, %add3A_175 : vector<16xf32>
      %bitcast3A = vector.bitcast %add3A_176 : vector<16xf32> to vector<16xi32>
      %shift_right_arithmetic3A = arith.constant 1 : i32
      %shift_right_arithmetic3A_177 = vector.broadcast %shift_right_arithmetic3A : i32 to vector<16xi32>
      %shift_right_arithmetic3A_178 = arith.shrsi %bitcast3A, %shift_right_arithmetic3A_177 : vector<16xi32>
      %sub3A = arith.constant 1597463007 : i32
      %sub3A_179 = vector.broadcast %sub3A : i32 to vector<16xi32>
      %sub3A_180 = arith.subi %sub3A_179, %shift_right_arithmetic3A_178 : vector<16xi32>
      %bitcast3A_181 = vector.bitcast %sub3A_180 : vector<16xi32> to vector<16xf32>
      %mul3A_182 = arith.constant 5.000000e-01 : f32
      %mul3A_183 = vector.broadcast %mul3A_182 : f32 to vector<16xf32>
      %mul3A_184 = arith.mulf %mul3A_183, %add3A_176 : vector<16xf32>
      %mul3A_185 = arith.mulf %mul3A_184, %bitcast3A_181 : vector<16xf32>
      %mul3A_186 = arith.mulf %mul3A_185, %bitcast3A_181 : vector<16xf32>
      %sub3A_187 = arith.constant 1.500000e+00 : f32
      %sub3A_188 = vector.broadcast %sub3A_187 : f32 to vector<16xf32>
      %sub3A_189 = arith.subf %sub3A_188, %mul3A_186 : vector<16xf32>
      %mul3A_190 = arith.mulf %bitcast3A_181, %sub3A_189 : vector<16xf32>
      %mul3A_191 = arith.mulf %mul3A_184, %mul3A_190 : vector<16xf32>
      %mul3A_192 = arith.mulf %mul3A_191, %mul3A_190 : vector<16xf32>
      %sub3A_193 = arith.constant 1.500000e+00 : f32
      %sub3A_194 = vector.broadcast %sub3A_193 : f32 to vector<16xf32>
      %sub3A_195 = arith.subf %sub3A_194, %mul3A_192 : vector<16xf32>
      %mul3A_196 = arith.mulf %mul3A_190, %sub3A_195 : vector<16xf32>
      %mul3A_197 = arith.mulf %mul3A_184, %mul3A_196 : vector<16xf32>
      %mul3A_198 = arith.mulf %mul3A_197, %mul3A_196 : vector<16xf32>
      %sub3A_199 = arith.constant 1.500000e+00 : f32
      %sub3A_200 = vector.broadcast %sub3A_199 : f32 to vector<16xf32>
      %sub3A_201 = arith.subf %sub3A_200, %mul3A_198 : vector<16xf32>
      %mul3A_202 = arith.mulf %mul3A_196, %sub3A_201 : vector<16xf32>
      %mul3A_203 = arith.mulf %add3A_176, %mul3A_202 : vector<16xf32>
      %mul3A_204 = arith.constant 0.0069444445 : f32
      %mul3A_205 = vector.broadcast %mul3A_204 : f32 to vector<16xf32>
      %mul3A_206 = arith.mulf %mul3A_203, %mul3A_205 : vector<16xf32>
      %sub3A_207 = arith.constant 0.166666672 : f32
      %sub3A_208 = vector.broadcast %sub3A_207 : f32 to vector<16xf32>
      %sub3A_209 = arith.subf %mul3A_206, %sub3A_208 : vector<16xf32>
      %add3A_210 = arith.addf %mul3A_202, %sub3A_209 : vector<16xf32>
      %div3A = arith.constant 1.000000e+00 : f32
      %div3A_211 = vector.broadcast %div3A : f32 to vector<16xf32>
      %div3A_212 = arith.divf %div3A_211, %mul3A_172 : vector<16xf32>
      %mul3A_213 = arith.constant 0.0069444445 : f32
      %mul3A_214 = vector.broadcast %mul3A_213 : f32 to vector<16xf32>
      %mul3A_215 = arith.mulf %mul3A_172, %mul3A_214 : vector<16xf32>
      %sub3A_216 = arith.constant 0.166666672 : f32
      %sub3A_217 = vector.broadcast %sub3A_216 : f32 to vector<16xf32>
      %sub3A_218 = arith.subf %mul3A_215, %sub3A_217 : vector<16xf32>
      %add3A_219 = arith.addf %div3A_212, %sub3A_218 : vector<16xf32>
      %mul3A_220 = arith.constant 5.000000e-01 : f32
      %mul3A_221 = vector.broadcast %mul3A_220 : f32 to vector<16xf32>
      %mul3A_222 = arith.mulf %mul3A_172, %mul3A_221 : vector<16xf32>
      %min3A = arith.constant 1.000000e+00 : f32
      %min3A_223 = vector.broadcast %min3A : f32 to vector<16xf32>
      %min3A_224 = arith.minimumf %mul3A_222, %min3A_223 : vector<16xf32>
      %mul3A_225 = arith.mulf %min3A_224, %min3A_224 : vector<16xf32>
      %mul3A_226 = arith.mulf %mul3A_225, %min3A_224 : vector<16xf32>
      %mul3A_227 = arith.constant 6.000000e+00 : f32
      %mul3A_228 = vector.broadcast %mul3A_227 : f32 to vector<16xf32>
      %mul3A_229 = arith.mulf %mul3A_228, %mul3A_225 : vector<16xf32>
      %mul3A_230 = arith.constant 1.500000e+01 : f32
      %mul3A_231 = vector.broadcast %mul3A_230 : f32 to vector<16xf32>
      %mul3A_232 = arith.mulf %mul3A_231, %min3A_224 : vector<16xf32>
      %sub3A_233 = arith.subf %mul3A_229, %mul3A_232 : vector<16xf32>
      %add3A_234 = arith.constant 1.000000e+01 : f32
      %add3A_235 = vector.broadcast %add3A_234 : f32 to vector<16xf32>
      %add3A_236 = arith.addf %sub3A_233, %add3A_235 : vector<16xf32>
      %mul3A_237 = arith.mulf %mul3A_226, %add3A_236 : vector<16xf32>
      %sub3A_238 = arith.subf %add3A_219, %add3A_210 : vector<16xf32>
      %mul3A_239 = arith.mulf %mul3A_237, %sub3A_238 : vector<16xf32>
      %add3A_240 = arith.addf %add3A_210, %mul3A_239 : vector<16xf32>
      %le3A = arith.constant 1.200000e+01 : f32
      %le3A_241 = vector.broadcast %le3A : f32 to vector<16xf32>
      %le3A_242 = arith.cmpf ole, %mul3A_172, %le3A_241 : vector<16xf32>
      %mul3A_243 = arith.constant 7.1998229 : f32
      %mul3A_244 = vector.broadcast %mul3A_243 : f32 to vector<16xf32>
      %mul3A_245 = arith.mulf %mul3A_244, %add3A_240 : vector<16xf32>
      %jit3A = arith.constant 0.000000e+00 : f32
      %broadcast_in_dim3A = vector.broadcast %jit3A : f32 to vector<16xf32>
      %select_n3A = arith.select %le3A_242, %mul3A_245, %broadcast_in_dim3A : vector<16xi1>, vector<16xf32>
      %mul3A_246 = arith.constant 16 : i32
      %mul3A_247 = arith.muli %scan3A_160, %mul3A_246 : i32
      %swap3A = arith.index_cast %mul3A_247 : i32 to index
      %swap3A_248 = tpu.vector_load %arg9[%swap3A] {strides = array<i32>} : memref<4112xf32, #tpu.memory_space<vmem>>, vector<16xf32>,
      tpu.vector_store %arg9[%swap3A], %select_n3A {strides = array<i32>} : memref<4112xf32, #tpu.memory_space<vmem>>, vector<16xf32>,
      %scan3A_249 = arith.constant 0 : i32
      scf.yield %scan3A_249 : i32
    }
    %scan3A_33 = arith.constant 256 : i32
    %scan3A_34 = arith.constant 0 : i32
    %scan3A_35 = arith.constant 0 : i32
    %scan3A_36 = arith.constant 50 : i32
    %scan3A_37 = arith.addi %scan3A_35, %scan3A_36 : i32
    %scan3A_38 = arith.constant 1 : i32
    %scan3A_39 = scf.for %scan3A_160 = %scan3A_35 to %scan3A_37 step %scan3A_38 iter_args(%scan3A_161 = %scan3A_34) -> (i32)  : i32 {
      %broadcast_in_dim3A = arith.constant 0.000000e+00 : f32
      %broadcast_in_dim3A_162 = vector.broadcast %broadcast_in_dim3A : f32 to vector<16xf32>
      %mul3A_163 = arith.constant 16 : i32
      %mul3A_164 = arith.muli %scan3A_160, %mul3A_163 : i32
      %swap3A = arith.index_cast %mul3A_164 : i32 to index
      %swap3A_165 = tpu.vector_load %arg10[%swap3A] {strides = array<i32>} : memref<800xf32, #tpu.memory_space<vmem>>, vector<16xf32>,
      tpu.vector_store %arg10[%swap3A], %broadcast_in_dim3A_162 {strides = array<i32>} : memref<800xf32, #tpu.memory_space<vmem>>, vector<16xf32>,
      %scan3A_166 = arith.constant 0 : i32
      scf.yield %scan3A_166 : i32
    }
    %scan3A_40 = arith.constant 50 : i32
    %mul3A_41 = arith.constant 6272 : i32
    %mul3A_42 = arith.muli %arg1, %mul3A_41 : i32
    %add3A_43 = arith.constant 0 : i32
    %add3A_44 = arith.addi %mul3A_42, %add3A_43 : i32
    "tpu.region"() ({
      %run_scoped3A = tpu.sem_alloc : memref<!tpu.dma_semaphore, #tpu.memory_space<semaphore_mem>>
      %dma_start3A_160 = tpu.memref_slice %arg28[%add3A_44] : memref<100352xf32, #tpu.memory_space<vmem_shared>> -> memref<800xf32, #tpu.memory_space<vmem_shared>>
      %dma_start3A_161 = tpu.memref_slice %arg28[%add3A_44] : memref<100352xf32, #tpu.memory_space<vmem_shared>> -> memref<800xf32, #tpu.memory_space<vmem_shared>>
      tpu.enqueue_dma source(%arg10 : memref<800xf32, #tpu.memory_space<vmem>>) target(%dma_start3A_161 : memref<800xf32, #tpu.memory_space<vmem_shared>>) target_semaphore(%run_scoped3A : memref<!tpu.dma_semaphore, #tpu.memory_space<semaphore_mem>>)
      %dma_wait3A = tpu.memref_slice %arg28[%add3A_44] : memref<100352xf32, #tpu.memory_space<vmem_shared>> -> memref<800xf32, #tpu.memory_space<vmem_shared>>
      %dma_wait3A_162 = tpu.memref_slice %arg28[%add3A_44] : memref<100352xf32, #tpu.memory_space<vmem_shared>> -> memref<800xf32, #tpu.memory_space<vmem_shared>>
      tpu.wait_dma2 semaphore(%run_scoped3A : memref<!tpu.dma_semaphore, #tpu.memory_space<semaphore_mem>>) src(%arg10 : memref<800xf32, #tpu.memory_space<vmem>>) dst(%dma_wait3A_162 : memref<800xf32, #tpu.memory_space<vmem_shared>>)
      tpu.yield
    }) : () -> ()
    %add3A_45 = arith.constant 800 : i32
    %add3A_46 = arith.addi %mul3A_42, %add3A_45 : i32
    "tpu.region"() ({
      %run_scoped3A = tpu.sem_alloc : memref<!tpu.dma_semaphore, #tpu.memory_space<semaphore_mem>>
      %dma_start3A_160 = tpu.memref_slice %arg28[%add3A_46] : memref<100352xf32, #tpu.memory_space<vmem_shared>> -> memref<800xf32, #tpu.memory_space<vmem_shared>>
      %dma_start3A_161 = tpu.memref_slice %arg28[%add3A_46] : memref<100352xf32, #tpu.memory_space<vmem_shared>> -> memref<800xf32, #tpu.memory_space<vmem_shared>>
      tpu.enqueue_dma source(%arg10 : memref<800xf32, #tpu.memory_space<vmem>>) target(%dma_start3A_161 : memref<800xf32, #tpu.memory_space<vmem_shared>>) target_semaphore(%run_scoped3A : memref<!tpu.dma_semaphore, #tpu.memory_space<semaphore_mem>>)
      %dma_wait3A = tpu.memref_slice %arg28[%add3A_46] : memref<100352xf32, #tpu.memory_space<vmem_shared>> -> memref<800xf32, #tpu.memory_space<vmem_shared>>
      %dma_wait3A_162 = tpu.memref_slice %arg28[%add3A_46] : memref<100352xf32, #tpu.memory_space<vmem_shared>> -> memref<800xf32, #tpu.memory_space<vmem_shared>>
      tpu.wait_dma2 semaphore(%run_scoped3A : memref<!tpu.dma_semaphore, #tpu.memory_space<semaphore_mem>>) src(%arg10 : memref<800xf32, #tpu.memory_space<vmem>>) dst(%dma_wait3A_162 : memref<800xf32, #tpu.memory_space<vmem_shared>>)
      tpu.yield
    }) : () -> ()
    %add3A_47 = arith.constant 1600 : i32
    %add3A_48 = arith.addi %mul3A_42, %add3A_47 : i32
    "tpu.region"() ({
      %run_scoped3A = tpu.sem_alloc : memref<!tpu.dma_semaphore, #tpu.memory_space<semaphore_mem>>
      %dma_start3A_160 = tpu.memref_slice %arg28[%add3A_48] : memref<100352xf32, #tpu.memory_space<vmem_shared>> -> memref<800xf32, #tpu.memory_space<vmem_shared>>
      %dma_start3A_161 = tpu.memref_slice %arg28[%add3A_48] : memref<100352xf32, #tpu.memory_space<vmem_shared>> -> memref<800xf32, #tpu.memory_space<vmem_shared>>
      tpu.enqueue_dma source(%arg10 : memref<800xf32, #tpu.memory_space<vmem>>) target(%dma_start3A_161 : memref<800xf32, #tpu.memory_space<vmem_shared>>) target_semaphore(%run_scoped3A : memref<!tpu.dma_semaphore, #tpu.memory_space<semaphore_mem>>)
      %dma_wait3A = tpu.memref_slice %arg28[%add3A_48] : memref<100352xf32, #tpu.memory_space<vmem_shared>> -> memref<800xf32, #tpu.memory_space<vmem_shared>>
      %dma_wait3A_162 = tpu.memref_slice %arg28[%add3A_48] : memref<100352xf32, #tpu.memory_space<vmem_shared>> -> memref<800xf32, #tpu.memory_space<vmem_shared>>
      tpu.wait_dma2 semaphore(%run_scoped3A : memref<!tpu.dma_semaphore, #tpu.memory_space<semaphore_mem>>) src(%arg10 : memref<800xf32, #tpu.memory_space<vmem>>) dst(%dma_wait3A_162 : memref<800xf32, #tpu.memory_space<vmem_shared>>)
      tpu.yield
    }) : () -> ()
    %add3A_49 = arith.constant 2400 : i32
    %add3A_50 = arith.addi %mul3A_42, %add3A_49 : i32
    "tpu.region"() ({
      %run_scoped3A = tpu.sem_alloc : memref<!tpu.dma_semaphore, #tpu.memory_space<semaphore_mem>>
      %dma_start3A_160 = tpu.memref_slice %arg28[%add3A_50] : memref<100352xf32, #tpu.memory_space<vmem_shared>> -> memref<800xf32, #tpu.memory_space<vmem_shared>>
      %dma_start3A_161 = tpu.memref_slice %arg28[%add3A_50] : memref<100352xf32, #tpu.memory_space<vmem_shared>> -> memref<800xf32, #tpu.memory_space<vmem_shared>>
      tpu.enqueue_dma source(%arg10 : memref<800xf32, #tpu.memory_space<vmem>>) target(%dma_start3A_161 : memref<800xf32, #tpu.memory_space<vmem_shared>>) target_semaphore(%run_scoped3A : memref<!tpu.dma_semaphore, #tpu.memory_space<semaphore_mem>>)
      %dma_wait3A = tpu.memref_slice %arg28[%add3A_50] : memref<100352xf32, #tpu.memory_space<vmem_shared>> -> memref<800xf32, #tpu.memory_space<vmem_shared>>
      %dma_wait3A_162 = tpu.memref_slice %arg28[%add3A_50] : memref<100352xf32, #tpu.memory_space<vmem_shared>> -> memref<800xf32, #tpu.memory_space<vmem_shared>>
      tpu.wait_dma2 semaphore(%run_scoped3A : memref<!tpu.dma_semaphore, #tpu.memory_space<semaphore_mem>>) src(%arg10 : memref<800xf32, #tpu.memory_space<vmem>>) dst(%dma_wait3A_162 : memref<800xf32, #tpu.memory_space<vmem_shared>>)
      tpu.yield
    }) : () -> ()
    %add3A_51 = arith.constant 3200 : i32
    %add3A_52 = arith.addi %mul3A_42, %add3A_51 : i32
    "tpu.region"() ({
      %run_scoped3A = tpu.sem_alloc : memref<!tpu.dma_semaphore, #tpu.memory_space<semaphore_mem>>
      %dma_start3A_160 = tpu.memref_slice %arg28[%add3A_52] : memref<100352xf32, #tpu.memory_space<vmem_shared>> -> memref<800xf32, #tpu.memory_space<vmem_shared>>
      %dma_start3A_161 = tpu.memref_slice %arg28[%add3A_52] : memref<100352xf32, #tpu.memory_space<vmem_shared>> -> memref<800xf32, #tpu.memory_space<vmem_shared>>
      tpu.enqueue_dma source(%arg10 : memref<800xf32, #tpu.memory_space<vmem>>) target(%dma_start3A_161 : memref<800xf32, #tpu.memory_space<vmem_shared>>) target_semaphore(%run_scoped3A : memref<!tpu.dma_semaphore, #tpu.memory_space<semaphore_mem>>)
      %dma_wait3A = tpu.memref_slice %arg28[%add3A_52] : memref<100352xf32, #tpu.memory_space<vmem_shared>> -> memref<800xf32, #tpu.memory_space<vmem_shared>>
      %dma_wait3A_162 = tpu.memref_slice %arg28[%add3A_52] : memref<100352xf32, #tpu.memory_space<vmem_shared>> -> memref<800xf32, #tpu.memory_space<vmem_shared>>
      tpu.wait_dma2 semaphore(%run_scoped3A : memref<!tpu.dma_semaphore, #tpu.memory_space<semaphore_mem>>) src(%arg10 : memref<800xf32, #tpu.memory_space<vmem>>) dst(%dma_wait3A_162 : memref<800xf32, #tpu.memory_space<vmem_shared>>)
      tpu.yield
    }) : () -> ()
    %add3A_53 = arith.constant 4000 : i32
    %add3A_54 = arith.addi %mul3A_42, %add3A_53 : i32
    "tpu.region"() ({
      %run_scoped3A = tpu.sem_alloc : memref<!tpu.dma_semaphore, #tpu.memory_space<semaphore_mem>>
      %dma_start3A_160 = tpu.memref_slice %arg28[%add3A_54] : memref<100352xf32, #tpu.memory_space<vmem_shared>> -> memref<800xf32, #tpu.memory_space<vmem_shared>>
      %dma_start3A_161 = tpu.memref_slice %arg28[%add3A_54] : memref<100352xf32, #tpu.memory_space<vmem_shared>> -> memref<800xf32, #tpu.memory_space<vmem_shared>>
      tpu.enqueue_dma source(%arg10 : memref<800xf32, #tpu.memory_space<vmem>>) target(%dma_start3A_161 : memref<800xf32, #tpu.memory_space<vmem_shared>>) target_semaphore(%run_scoped3A : memref<!tpu.dma_semaphore, #tpu.memory_space<semaphore_mem>>)
      %dma_wait3A = tpu.memref_slice %arg28[%add3A_54] : memref<100352xf32, #tpu.memory_space<vmem_shared>> -> memref<800xf32, #tpu.memory_space<vmem_shared>>
      %dma_wait3A_162 = tpu.memref_slice %arg28[%add3A_54] : memref<100352xf32, #tpu.memory_space<vmem_shared>> -> memref<800xf32, #tpu.memory_space<vmem_shared>>
      tpu.wait_dma2 semaphore(%run_scoped3A : memref<!tpu.dma_semaphore, #tpu.memory_space<semaphore_mem>>) src(%arg10 : memref<800xf32, #tpu.memory_space<vmem>>) dst(%dma_wait3A_162 : memref<800xf32, #tpu.memory_space<vmem_shared>>)
      tpu.yield
    }) : () -> ()
    %add3A_55 = arith.constant 4800 : i32
    %add3A_56 = arith.addi %mul3A_42, %add3A_55 : i32
    "tpu.region"() ({
      %run_scoped3A = tpu.sem_alloc : memref<!tpu.dma_semaphore, #tpu.memory_space<semaphore_mem>>
      %dma_start3A_160 = tpu.memref_slice %arg28[%add3A_56] : memref<100352xf32, #tpu.memory_space<vmem_shared>> -> memref<800xf32, #tpu.memory_space<vmem_shared>>
      %dma_start3A_161 = tpu.memref_slice %arg28[%add3A_56] : memref<100352xf32, #tpu.memory_space<vmem_shared>> -> memref<800xf32, #tpu.memory_space<vmem_shared>>
      tpu.enqueue_dma source(%arg10 : memref<800xf32, #tpu.memory_space<vmem>>) target(%dma_start3A_161 : memref<800xf32, #tpu.memory_space<vmem_shared>>) target_semaphore(%run_scoped3A : memref<!tpu.dma_semaphore, #tpu.memory_space<semaphore_mem>>)
      %dma_wait3A = tpu.memref_slice %arg28[%add3A_56] : memref<100352xf32, #tpu.memory_space<vmem_shared>> -> memref<800xf32, #tpu.memory_space<vmem_shared>>
      %dma_wait3A_162 = tpu.memref_slice %arg28[%add3A_56] : memref<100352xf32, #tpu.memory_space<vmem_shared>> -> memref<800xf32, #tpu.memory_space<vmem_shared>>
      tpu.wait_dma2 semaphore(%run_scoped3A : memref<!tpu.dma_semaphore, #tpu.memory_space<semaphore_mem>>) src(%arg10 : memref<800xf32, #tpu.memory_space<vmem>>) dst(%dma_wait3A_162 : memref<800xf32, #tpu.memory_space<vmem_shared>>)
      tpu.yield
    }) : () -> ()
    %add3A_57 = arith.constant 5600 : i32
    %add3A_58 = arith.addi %mul3A_42, %add3A_57 : i32
    "tpu.region"() ({
      %run_scoped3A = tpu.sem_alloc : memref<!tpu.dma_semaphore, #tpu.memory_space<semaphore_mem>>
      %dma_start3A_160 = arith.constant 0 : i32
      %dma_start3A_161 = tpu.memref_slice %arg10[%dma_start3A_160] : memref<800xf32, #tpu.memory_space<vmem>> -> memref<672xf32, #tpu.memory_space<vmem>>
      %dma_start3A_162 = tpu.memref_slice %arg28[%add3A_58] : memref<100352xf32, #tpu.memory_space<vmem_shared>> -> memref<672xf32, #tpu.memory_space<vmem_shared>>
      %dma_start3A_163 = tpu.memref_slice %arg28[%add3A_58] : memref<100352xf32, #tpu.memory_space<vmem_shared>> -> memref<672xf32, #tpu.memory_space<vmem_shared>>
      %dma_start3A_164 = arith.constant 0 : i32
      %dma_start3A_165 = tpu.memref_slice %arg10[%dma_start3A_164] : memref<800xf32, #tpu.memory_space<vmem>> -> memref<672xf32, #tpu.memory_space<vmem>>
      tpu.enqueue_dma source(%dma_start3A_165 : memref<672xf32, #tpu.memory_space<vmem>>) target(%dma_start3A_163 : memref<672xf32, #tpu.memory_space<vmem_shared>>) target_semaphore(%run_scoped3A : memref<!tpu.dma_semaphore, #tpu.memory_space<semaphore_mem>>)
      %dma_wait3A = arith.constant 0 : i32
      %dma_wait3A_166 = tpu.memref_slice %arg10[%dma_wait3A] : memref<800xf32, #tpu.memory_space<vmem>> -> memref<672xf32, #tpu.memory_space<vmem>>
      %dma_wait3A_167 = tpu.memref_slice %arg28[%add3A_58] : memref<100352xf32, #tpu.memory_space<vmem_shared>> -> memref<672xf32, #tpu.memory_space<vmem_shared>>
      %dma_wait3A_168 = tpu.memref_slice %arg28[%add3A_58] : memref<100352xf32, #tpu.memory_space<vmem_shared>> -> memref<672xf32, #tpu.memory_space<vmem_shared>>
      %dma_wait3A_169 = arith.constant 0 : i32
      %dma_wait3A_170 = tpu.memref_slice %arg10[%dma_wait3A_169] : memref<800xf32, #tpu.memory_space<vmem>> -> memref<672xf32, #tpu.memory_space<vmem>>
      tpu.wait_dma2 semaphore(%run_scoped3A : memref<!tpu.dma_semaphore, #tpu.memory_space<semaphore_mem>>) src(%dma_wait3A_170 : memref<672xf32, #tpu.memory_space<vmem>>) dst(%dma_wait3A_168 : memref<672xf32, #tpu.memory_space<vmem_shared>>)
      tpu.yield
    }) : () -> ()
    %barrier3A = arith.constant 0 : index
    tpu.barrier barrier_id(%barrier3A)
    %scan3A_59 = arith.constant 0 : i32
    %scan3A_60 = arith.constant 0 : i32
    %scan3A_61 = arith.constant 84 : i32
    %scan3A_62 = arith.addi %scan3A_60, %scan3A_61 : i32
    %scan3A_63 = arith.constant 1 : i32
    %scan3A_64 = scf.for %scan3A_160 = %scan3A_60 to %scan3A_62 step %scan3A_63 iter_args(%scan3A_161 = %scan3A_59) -> (i32)  : i32 {
      %mul3A_162 = arith.constant 3 : i32
      %mul3A_163 = arith.muli %mul3A_162, %scan3A_160 : i32
      %ge3A = arith.constant 2 : i32
      %ge3A_164 = arith.cmpi sge, %mul3A_163, %ge3A : i32
      %convert_element_type3A_165 = arith.extui %ge3A_164 : i1 to i32
      %cond3A_166 = arith.constant 0 : i32
      %cond3A_167 = arith.cmpi ne, %convert_element_type3A_165, %cond3A_166 : i32
      scf.if %cond3A_167 {
        %dma_wait3A = arith.constant 0 : i32
        %dma_wait3A_230 = tpu.memref_slice %arg28[%dma_wait3A] : memref<100352xf32, #tpu.memory_space<vmem_shared>> -> memref<100352xf32, #tpu.memory_space<vmem_shared>>
        tpu.wait_indirect_dma semaphore(%arg33 : memref<!tpu.dma_semaphore, #tpu.memory_space<semaphore_mem>>) src(%arg23 : memref<400xf32, #tpu.memory_space<vmem>>) dst(%dma_wait3A_230 : memref<100352xf32, #tpu.memory_space<vmem_shared>>)
        %dma_wait3A_231 = arith.constant 0 : i32
        %dma_wait3A_232 = tpu.memref_slice %arg28[%dma_wait3A_231] : memref<100352xf32, #tpu.memory_space<vmem_shared>> -> memref<100352xf32, #tpu.memory_space<vmem_shared>>
        tpu.wait_indirect_dma semaphore(%arg33 : memref<!tpu.dma_semaphore, #tpu.memory_space<semaphore_mem>>) src(%arg26 : memref<400xf32, #tpu.memory_space<vmem>>) dst(%dma_wait3A_232 : memref<100352xf32, #tpu.memory_space<vmem_shared>>)
      } else {
      }
      %add3A_168 = arith.constant 1 : i32
      %add3A_169 = arith.addi %mul3A_163, %add3A_168 : i32
      %lt3A = arith.constant 250 : i32
      %lt3A_170 = arith.cmpi slt, %add3A_169, %lt3A : i32
      %ge3A_171 = arith.constant 1 : i32
      %ge3A_172 = arith.cmpi sge, %mul3A_163, %ge3A_171 : i32
      %and3A = arith.andi %lt3A_170, %ge3A_172 : i1
      %convert_element_type3A_173 = arith.extui %and3A : i1 to i32
      %cond3A_174 = arith.constant 0 : i32
      %cond3A_175 = arith.cmpi ne, %convert_element_type3A_173, %cond3A_174 : i32
      scf.if %cond3A_175 {
        %add3A_230 = arith.constant 1 : i32
        %add3A_231 = arith.addi %mul3A_163, %add3A_230 : i32
        %mul3A_232 = arith.constant 32 : i32
        %mul3A_233 = arith.muli %add3A_231, %mul3A_232 : i32
        %add3A_234 = arith.addi %add3A, %mul3A_233 : i32
        %mul3A_235 = arith.constant 800 : i32
        %mul3A_236 = arith.muli %add3A_234, %mul3A_235 : i32
        %dma_start3A_237 = tpu.memref_slice %arg3[%mul3A_236] : memref<6400000xf32, #tpu.memory_space<hbm>> -> memref<800xf32, #tpu.memory_space<hbm>>
        %dma_start3A_238 = tpu.memref_slice %arg3[%mul3A_236] : memref<6400000xf32, #tpu.memory_space<hbm>> -> memref<800xf32, #tpu.memory_space<hbm>>
        tpu.enqueue_dma source(%dma_start3A_238 : memref<800xf32, #tpu.memory_space<hbm>>) target(%arg11 : memref<800xf32, #tpu.memory_space<vmem>>) target_semaphore(%arg30 : memref<!tpu.dma_semaphore, #tpu.memory_space<semaphore_mem>>)
        %dma_start3A_239 = tpu.memref_slice %arg4[%mul3A_236] : memref<6400000xi32, #tpu.memory_space<hbm>> -> memref<400xi32, #tpu.memory_space<hbm>>
        %dma_start3A_240 = tpu.memref_slice %arg4[%mul3A_236] : memref<6400000xi32, #tpu.memory_space<hbm>> -> memref<400xi32, #tpu.memory_space<hbm>>
        tpu.enqueue_dma source(%dma_start3A_240 : memref<400xi32, #tpu.memory_space<hbm>>) target(%arg14 : memref<400xi32, #tpu.memory_space<vmem>>) target_semaphore(%arg30 : memref<!tpu.dma_semaphore, #tpu.memory_space<semaphore_mem>>)
        %add3A_241 = arith.constant 400 : i32
        %add3A_242 = arith.addi %mul3A_236, %add3A_241 : i32
        %dma_start3A_243 = tpu.memref_slice %arg4[%add3A_242] : memref<6400000xi32, #tpu.memory_space<hbm>> -> memref<400xi32, #tpu.memory_space<hbm>>
        %dma_start3A_244 = tpu.memref_slice %arg4[%add3A_242] : memref<6400000xi32, #tpu.memory_space<hbm>> -> memref<400xi32, #tpu.memory_space<hbm>>
        tpu.enqueue_dma source(%dma_start3A_244 : memref<400xi32, #tpu.memory_space<hbm>>) target(%arg17 : memref<400xi32, #tpu.memory_space<vmem>>) target_semaphore(%arg30 : memref<!tpu.dma_semaphore, #tpu.memory_space<semaphore_mem>>)
        %dma_start3A_245 = tpu.memref_slice %arg5[%mul3A_236] : memref<6400000xi32, #tpu.memory_space<hbm>> -> memref<800xi32, #tpu.memory_space<hbm>>
        %dma_start3A_246 = tpu.memref_slice %arg5[%mul3A_236] : memref<6400000xi32, #tpu.memory_space<hbm>> -> memref<800xi32, #tpu.memory_space<hbm>>
        tpu.enqueue_dma source(%dma_start3A_246 : memref<800xi32, #tpu.memory_space<hbm>>) target(%arg20 : memref<800xi32, #tpu.memory_space<vmem>>) target_semaphore(%arg30 : memref<!tpu.dma_semaphore, #tpu.memory_space<semaphore_mem>>)
      } else {
      }
      %lt3A_176 = arith.constant 250 : i32
      %lt3A_177 = arith.cmpi slt, %mul3A_163, %lt3A_176 : i32
      %convert_element_type3A_178 = arith.extui %lt3A_177 : i1 to i32
      %cond3A_179 = arith.constant 0 : i32
      %cond3A_180 = arith.cmpi ne, %convert_element_type3A_178, %cond3A_179 : i32
      scf.if %cond3A_180 {
        %dma_wait3A = arith.constant 0 : i32
        %dma_wait3A_230 = tpu.memref_slice %arg3[%dma_wait3A] : memref<6400000xf32, #tpu.memory_space<hbm>> -> memref<800xf32, #tpu.memory_space<hbm>>
        %dma_wait3A_231 = arith.constant 0 : i32
        %dma_wait3A_232 = tpu.memref_slice %arg3[%dma_wait3A_231] : memref<6400000xf32, #tpu.memory_space<hbm>> -> memref<800xf32, #tpu.memory_space<hbm>>
        tpu.wait_dma2 semaphore(%arg29 : memref<!tpu.dma_semaphore, #tpu.memory_space<semaphore_mem>>) src(%dma_wait3A_232 : memref<800xf32, #tpu.memory_space<hbm>>) dst(%arg10 : memref<800xf32, #tpu.memory_space<vmem>>)
        %dma_wait3A_233 = arith.constant 0 : i32
        %dma_wait3A_234 = tpu.memref_slice %arg4[%dma_wait3A_233] : memref<6400000xi32, #tpu.memory_space<hbm>> -> memref<400xi32, #tpu.memory_space<hbm>>
        %dma_wait3A_235 = arith.constant 0 : i32
        %dma_wait3A_236 = tpu.memref_slice %arg4[%dma_wait3A_235] : memref<6400000xi32, #tpu.memory_space<hbm>> -> memref<400xi32, #tpu.memory_space<hbm>>
        tpu.wait_dma2 semaphore(%arg29 : memref<!tpu.dma_semaphore, #tpu.memory_space<semaphore_mem>>) src(%dma_wait3A_236 : memref<400xi32, #tpu.memory_space<hbm>>) dst(%arg13 : memref<400xi32, #tpu.memory_space<vmem>>)
        %dma_wait3A_237 = arith.constant 0 : i32
        %dma_wait3A_238 = tpu.memref_slice %arg4[%dma_wait3A_237] : memref<6400000xi32, #tpu.memory_space<hbm>> -> memref<400xi32, #tpu.memory_space<hbm>>
        %dma_wait3A_239 = arith.constant 0 : i32
        %dma_wait3A_240 = tpu.memref_slice %arg4[%dma_wait3A_239] : memref<6400000xi32, #tpu.memory_space<hbm>> -> memref<400xi32, #tpu.memory_space<hbm>>
        tpu.wait_dma2 semaphore(%arg29 : memref<!tpu.dma_semaphore, #tpu.memory_space<semaphore_mem>>) src(%dma_wait3A_240 : memref<400xi32, #tpu.memory_space<hbm>>) dst(%arg16 : memref<400xi32, #tpu.memory_space<vmem>>)
        %dma_wait3A_241 = arith.constant 0 : i32
        %dma_wait3A_242 = tpu.memref_slice %arg5[%dma_wait3A_241] : memref<6400000xi32, #tpu.memory_space<hbm>> -> memref<800xi32, #tpu.memory_space<hbm>>
        %dma_wait3A_243 = arith.constant 0 : i32
        %dma_wait3A_244 = tpu.memref_slice %arg5[%dma_wait3A_243] : memref<6400000xi32, #tpu.memory_space<hbm>> -> memref<800xi32, #tpu.memory_space<hbm>>
        tpu.wait_dma2 semaphore(%arg29 : memref<!tpu.dma_semaphore, #tpu.memory_space<semaphore_mem>>) src(%dma_wait3A_244 : memref<800xi32, #tpu.memory_space<hbm>>) dst(%arg19 : memref<800xi32, #tpu.memory_space<vmem>>)
        %scan3A_245 = arith.constant 0 : i32
        %scan3A_246 = arith.constant 0 : i32
        %scan3A_247 = arith.constant 6 : i32
        %scan3A_248 = arith.addi %scan3A_246, %scan3A_247 : i32
        %scan3A_249 = arith.constant 1 : i32
        %scan3A_250 = scf.for %scan3A_263 = %scan3A_246 to %scan3A_248 step %scan3A_249 iter_args(%scan3A_264 = %scan3A_245) -> (i32)  : i32 {
          %mul3A_265 = arith.constant 64 : i32
          %mul3A_266 = arith.muli %scan3A_263, %mul3A_265 : i32
          %add3A_267 = arith.constant 0 : i32
          %add3A_268 = arith.addi %mul3A_266, %add3A_267 : i32
          %add3A_269 = arith.constant 0 : i32
          %add3A_270 = arith.addi %add3A_269, %add3A_268 : i32
          %get3A = arith.index_cast %add3A_270 : i32 to index
          %get3A_271 = tpu.vector_load %arg10[%get3A] {strides = array<i32>} : memref<800xf32, #tpu.memory_space<vmem>>, vector<16xf32>,
          %get3A_272 = arith.index_cast %add3A_268 : i32 to index
          %get3A_273 = tpu.vector_load %arg13[%get3A_272] {strides = array<i32>} : memref<400xi32, #tpu.memory_space<vmem>>, vector<16xi32>,
          %gather3A = tpu.vector_load_idx %arg8[%get3A_273] : memref<100000xf32, #tpu.memory_space<vmem>>[vector<16xi32>], vector<16xf32>,
          %get3A_274 = arith.index_cast %add3A_270 : i32 to index
          %get3A_275 = tpu.vector_load %arg19[%get3A_274] {strides = array<i32>} : memref<800xi32, #tpu.memory_space<vmem>>, vector<16xi32>,
          %gather3A_276 = tpu.vector_load_idx %arg8[%get3A_275] : memref<100000xf32, #tpu.memory_space<vmem>>[vector<16xi32>], vector<16xf32>,
          %mul3A_277 = arith.constant 290.909088 : f32
          %mul3A_278 = vector.broadcast %mul3A_277 : f32 to vector<16xf32>
          %mul3A_279 = arith.mulf %get3A_271, %mul3A_278 : vector<16xf32>
          %convert_element_type3A_280 = arith.fptosi %mul3A_279 : vector<16xf32> to vector<16xi32>
          %min3A = arith.constant 4095 : i32
          %min3A_281 = vector.broadcast %min3A : i32 to vector<16xi32>
          %min3A_282 = arith.minsi %convert_element_type3A_280, %min3A_281 : vector<16xi32>
          %gather3A_283 = tpu.vector_load_idx %arg9[%min3A_282] : memref<4112xf32, #tpu.memory_space<vmem>>[vector<16xi32>], vector<16xf32>,
          %mul3A_284 = arith.mulf %gather3A, %gather3A_276 : vector<16xf32>
          %mul3A_285 = arith.mulf %mul3A_284, %gather3A_283 : vector<16xf32>
          %swap3A = arith.index_cast %add3A_268 : i32 to index
          %swap3A_286 = tpu.vector_load %arg22[%swap3A] {strides = array<i32>} : memref<400xf32, #tpu.memory_space<vmem>>, vector<16xf32>,
          tpu.vector_store %arg22[%swap3A], %mul3A_285 {strides = array<i32>} : memref<400xf32, #tpu.memory_space<vmem>>, vector<16xf32>,
          %add3A_287 = arith.constant 16 : i32
          %add3A_288 = arith.addi %mul3A_266, %add3A_287 : i32
          %add3A_289 = arith.constant 0 : i32
          %add3A_290 = arith.addi %add3A_289, %add3A_288 : i32
          %get3A_291 = arith.index_cast %add3A_290 : i32 to index
          %get3A_292 = tpu.vector_load %arg10[%get3A_291] {strides = array<i32>} : memref<800xf32, #tpu.memory_space<vmem>>, vector<16xf32>,
          %get3A_293 = arith.index_cast %add3A_288 : i32 to index
          %get3A_294 = tpu.vector_load %arg13[%get3A_293] {strides = array<i32>} : memref<400xi32, #tpu.memory_space<vmem>>, vector<16xi32>,
          %gather3A_295 = tpu.vector_load_idx %arg8[%get3A_294] : memref<100000xf32, #tpu.memory_space<vmem>>[vector<16xi32>], vector<16xf32>,
          %get3A_296 = arith.index_cast %add3A_290 : i32 to index
          %get3A_297 = tpu.vector_load %arg19[%get3A_296] {strides = array<i32>} : memref<800xi32, #tpu.memory_space<vmem>>, vector<16xi32>,
          %gather3A_298 = tpu.vector_load_idx %arg8[%get3A_297] : memref<100000xf32, #tpu.memory_space<vmem>>[vector<16xi32>], vector<16xf32>,
          %mul3A_299 = arith.constant 290.909088 : f32
          %mul3A_300 = vector.broadcast %mul3A_299 : f32 to vector<16xf32>
          %mul3A_301 = arith.mulf %get3A_292, %mul3A_300 : vector<16xf32>
          %convert_element_type3A_302 = arith.fptosi %mul3A_301 : vector<16xf32> to vector<16xi32>
          %min3A_303 = arith.constant 4095 : i32
          %min3A_304 = vector.broadcast %min3A_303 : i32 to vector<16xi32>
          %min3A_305 = arith.minsi %convert_element_type3A_302, %min3A_304 : vector<16xi32>
          %gather3A_306 = tpu.vector_load_idx %arg9[%min3A_305] : memref<4112xf32, #tpu.memory_space<vmem>>[vector<16xi32>], vector<16xf32>,
          %mul3A_307 = arith.mulf %gather3A_295, %gather3A_298 : vector<16xf32>
          %mul3A_308 = arith.mulf %mul3A_307, %gather3A_306 : vector<16xf32>
          %swap3A_309 = arith.index_cast %add3A_288 : i32 to index
          %swap3A_310 = tpu.vector_load %arg22[%swap3A_309] {strides = array<i32>} : memref<400xf32, #tpu.memory_space<vmem>>, vector<16xf32>,
          tpu.vector_store %arg22[%swap3A_309], %mul3A_308 {strides = array<i32>} : memref<400xf32, #tpu.memory_space<vmem>>, vector<16xf32>,
          %add3A_311 = arith.constant 32 : i32
          %add3A_312 = arith.addi %mul3A_266, %add3A_311 : i32
          %add3A_313 = arith.constant 0 : i32
          %add3A_314 = arith.addi %add3A_313, %add3A_312 : i32
          %get3A_315 = arith.index_cast %add3A_314 : i32 to index
          %get3A_316 = tpu.vector_load %arg10[%get3A_315] {strides = array<i32>} : memref<800xf32, #tpu.memory_space<vmem>>, vector<16xf32>,
          %get3A_317 = arith.index_cast %add3A_312 : i32 to index
          %get3A_318 = tpu.vector_load %arg13[%get3A_317] {strides = array<i32>} : memref<400xi32, #tpu.memory_space<vmem>>, vector<16xi32>,
          %gather3A_319 = tpu.vector_load_idx %arg8[%get3A_318] : memref<100000xf32, #tpu.memory_space<vmem>>[vector<16xi32>], vector<16xf32>,
          %get3A_320 = arith.index_cast %add3A_314 : i32 to index
          %get3A_321 = tpu.vector_load %arg19[%get3A_320] {strides = array<i32>} : memref<800xi32, #tpu.memory_space<vmem>>, vector<16xi32>,
          %gather3A_322 = tpu.vector_load_idx %arg8[%get3A_321] : memref<100000xf32, #tpu.memory_space<vmem>>[vector<16xi32>], vector<16xf32>,
          %mul3A_323 = arith.constant 290.909088 : f32
          %mul3A_324 = vector.broadcast %mul3A_323 : f32 to vector<16xf32>
          %mul3A_325 = arith.mulf %get3A_316, %mul3A_324 : vector<16xf32>
          %convert_element_type3A_326 = arith.fptosi %mul3A_325 : vector<16xf32> to vector<16xi32>
          %min3A_327 = arith.constant 4095 : i32
          %min3A_328 = vector.broadcast %min3A_327 : i32 to vector<16xi32>
          %min3A_329 = arith.minsi %convert_element_type3A_326, %min3A_328 : vector<16xi32>
          %gather3A_330 = tpu.vector_load_idx %arg9[%min3A_329] : memref<4112xf32, #tpu.memory_space<vmem>>[vector<16xi32>], vector<16xf32>,
          %mul3A_331 = arith.mulf %gather3A_319, %gather3A_322 : vector<16xf32>
          %mul3A_332 = arith.mulf %mul3A_331, %gather3A_330 : vector<16xf32>
          %swap3A_333 = arith.index_cast %add3A_312 : i32 to index
          %swap3A_334 = tpu.vector_load %arg22[%swap3A_333] {strides = array<i32>} : memref<400xf32, #tpu.memory_space<vmem>>, vector<16xf32>,
          tpu.vector_store %arg22[%swap3A_333], %mul3A_332 {strides = array<i32>} : memref<400xf32, #tpu.memory_space<vmem>>, vector<16xf32>,
          %add3A_335 = arith.constant 48 : i32
          %add3A_336 = arith.addi %mul3A_266, %add3A_335 : i32
          %add3A_337 = arith.constant 0 : i32
          %add3A_338 = arith.addi %add3A_337, %add3A_336 : i32
          %get3A_339 = arith.index_cast %add3A_338 : i32 to index
          %get3A_340 = tpu.vector_load %arg10[%get3A_339] {strides = array<i32>} : memref<800xf32, #tpu.memory_space<vmem>>, vector<16xf32>,
          %get3A_341 = arith.index_cast %add3A_336 : i32 to index
          %get3A_342 = tpu.vector_load %arg13[%get3A_341] {strides = array<i32>} : memref<400xi32, #tpu.memory_space<vmem>>, vector<16xi32>,
          %gather3A_343 = tpu.vector_load_idx %arg8[%get3A_342] : memref<100000xf32, #tpu.memory_space<vmem>>[vector<16xi32>], vector<16xf32>,
          %get3A_344 = arith.index_cast %add3A_338 : i32 to index
          %get3A_345 = tpu.vector_load %arg19[%get3A_344] {strides = array<i32>} : memref<800xi32, #tpu.memory_space<vmem>>, vector<16xi32>,
          %gather3A_346 = tpu.vector_load_idx %arg8[%get3A_345] : memref<100000xf32, #tpu.memory_space<vmem>>[vector<16xi32>], vector<16xf32>,
          %mul3A_347 = arith.constant 290.909088 : f32
          %mul3A_348 = vector.broadcast %mul3A_347 : f32 to vector<16xf32>
          %mul3A_349 = arith.mulf %get3A_340, %mul3A_348 : vector<16xf32>
          %convert_element_type3A_350 = arith.fptosi %mul3A_349 : vector<16xf32> to vector<16xi32>
          %min3A_351 = arith.constant 4095 : i32
          %min3A_352 = vector.broadcast %min3A_351 : i32 to vector<16xi32>
          %min3A_353 = arith.minsi %convert_element_type3A_350, %min3A_352 : vector<16xi32>
          %gather3A_354 = tpu.vector_load_idx %arg9[%min3A_353] : memref<4112xf32, #tpu.memory_space<vmem>>[vector<16xi32>], vector<16xf32>,
          %mul3A_355 = arith.mulf %gather3A_343, %gather3A_346 : vector<16xf32>
          %mul3A_356 = arith.mulf %mul3A_355, %gather3A_354 : vector<16xf32>
          %swap3A_357 = arith.index_cast %add3A_336 : i32 to index
          %swap3A_358 = tpu.vector_load %arg22[%swap3A_357] {strides = array<i32>} : memref<400xf32, #tpu.memory_space<vmem>>, vector<16xf32>,
          tpu.vector_store %arg22[%swap3A_357], %mul3A_356 {strides = array<i32>} : memref<400xf32, #tpu.memory_space<vmem>>, vector<16xf32>,
          %scan3A_359 = arith.constant 0 : i32
          scf.yield %scan3A_359 : i32
        }
        %scan3A_251 = arith.constant 6 : i32
        %dma_start3A_252 = arith.constant 0 : i32
        %dma_start3A_253 = tpu.memref_slice %arg28[%dma_start3A_252] : memref<100352xf32, #tpu.memory_space<vmem_shared>> -> memref<100352xf32, #tpu.memory_space<vmem_shared>>
        tpu.enqueue_indirect_dma source(%arg22 : memref<400xf32, #tpu.memory_space<vmem>>) target(%dma_start3A_253 : memref<100352xf32, #tpu.memory_space<vmem_shared>>) offsets(%arg13 : memref<400xi32, #tpu.memory_space<vmem>>) semaphore(%arg32 : memref<!tpu.dma_semaphore, #tpu.memory_space<semaphore_mem>>) {add = true}
        %scan3A_254 = arith.constant 0 : i32
        %scan3A_255 = arith.constant 0 : i32
        %scan3A_256 = arith.constant 6 : i32
        %scan3A_257 = arith.addi %scan3A_255, %scan3A_256 : i32
        %scan3A_258 = arith.constant 1 : i32
        %scan3A_259 = scf.for %scan3A_263 = %scan3A_255 to %scan3A_257 step %scan3A_258 iter_args(%scan3A_264 = %scan3A_254) -> (i32)  : i32 {
          %mul3A_265 = arith.constant 64 : i32
          %mul3A_266 = arith.muli %scan3A_263, %mul3A_265 : i32
          %add3A_267 = arith.constant 0 : i32
          %add3A_268 = arith.addi %mul3A_266, %add3A_267 : i32
          %add3A_269 = arith.constant 400 : i32
          %add3A_270 = arith.addi %add3A_269, %add3A_268 : i32
          %get3A = arith.index_cast %add3A_270 : i32 to index
          %get3A_271 = tpu.vector_load %arg10[%get3A] {strides = array<i32>} : memref<800xf32, #tpu.memory_space<vmem>>, vector<16xf32>,
          %get3A_272 = arith.index_cast %add3A_268 : i32 to index
          %get3A_273 = tpu.vector_load %arg16[%get3A_272] {strides = array<i32>} : memref<400xi32, #tpu.memory_space<vmem>>, vector<16xi32>,
          %gather3A = tpu.vector_load_idx %arg8[%get3A_273] : memref<100000xf32, #tpu.memory_space<vmem>>[vector<16xi32>], vector<16xf32>,
          %get3A_274 = arith.index_cast %add3A_270 : i32 to index
          %get3A_275 = tpu.vector_load %arg19[%get3A_274] {strides = array<i32>} : memref<800xi32, #tpu.memory_space<vmem>>, vector<16xi32>,
          %gather3A_276 = tpu.vector_load_idx %arg8[%get3A_275] : memref<100000xf32, #tpu.memory_space<vmem>>[vector<16xi32>], vector<16xf32>,
          %mul3A_277 = arith.constant 290.909088 : f32
          %mul3A_278 = vector.broadcast %mul3A_277 : f32 to vector<16xf32>
          %mul3A_279 = arith.mulf %get3A_271, %mul3A_278 : vector<16xf32>
          %convert_element_type3A_280 = arith.fptosi %mul3A_279 : vector<16xf32> to vector<16xi32>
          %min3A = arith.constant 4095 : i32
          %min3A_281 = vector.broadcast %min3A : i32 to vector<16xi32>
          %min3A_282 = arith.minsi %convert_element_type3A_280, %min3A_281 : vector<16xi32>
          %gather3A_283 = tpu.vector_load_idx %arg9[%min3A_282] : memref<4112xf32, #tpu.memory_space<vmem>>[vector<16xi32>], vector<16xf32>,
          %mul3A_284 = arith.mulf %gather3A, %gather3A_276 : vector<16xf32>
          %mul3A_285 = arith.mulf %mul3A_284, %gather3A_283 : vector<16xf32>
          %swap3A = arith.index_cast %add3A_268 : i32 to index
          %swap3A_286 = tpu.vector_load %arg25[%swap3A] {strides = array<i32>} : memref<400xf32, #tpu.memory_space<vmem>>, vector<16xf32>,
          tpu.vector_store %arg25[%swap3A], %mul3A_285 {strides = array<i32>} : memref<400xf32, #tpu.memory_space<vmem>>, vector<16xf32>,
          %add3A_287 = arith.constant 16 : i32
          %add3A_288 = arith.addi %mul3A_266, %add3A_287 : i32
          %add3A_289 = arith.constant 400 : i32
          %add3A_290 = arith.addi %add3A_289, %add3A_288 : i32
          %get3A_291 = arith.index_cast %add3A_290 : i32 to index
          %get3A_292 = tpu.vector_load %arg10[%get3A_291] {strides = array<i32>} : memref<800xf32, #tpu.memory_space<vmem>>, vector<16xf32>,
          %get3A_293 = arith.index_cast %add3A_288 : i32 to index
          %get3A_294 = tpu.vector_load %arg16[%get3A_293] {strides = array<i32>} : memref<400xi32, #tpu.memory_space<vmem>>, vector<16xi32>,
          %gather3A_295 = tpu.vector_load_idx %arg8[%get3A_294] : memref<100000xf32, #tpu.memory_space<vmem>>[vector<16xi32>], vector<16xf32>,
          %get3A_296 = arith.index_cast %add3A_290 : i32 to index
          %get3A_297 = tpu.vector_load %arg19[%get3A_296] {strides = array<i32>} : memref<800xi32, #tpu.memory_space<vmem>>, vector<16xi32>,
          %gather3A_298 = tpu.vector_load_idx %arg8[%get3A_297] : memref<100000xf32, #tpu.memory_space<vmem>>[vector<16xi32>], vector<16xf32>,
          %mul3A_299 = arith.constant 290.909088 : f32
          %mul3A_300 = vector.broadcast %mul3A_299 : f32 to vector<16xf32>
          %mul3A_301 = arith.mulf %get3A_292, %mul3A_300 : vector<16xf32>
          %convert_element_type3A_302 = arith.fptosi %mul3A_301 : vector<16xf32> to vector<16xi32>
          %min3A_303 = arith.constant 4095 : i32
          %min3A_304 = vector.broadcast %min3A_303 : i32 to vector<16xi32>
          %min3A_305 = arith.minsi %convert_element_type3A_302, %min3A_304 : vector<16xi32>
          %gather3A_306 = tpu.vector_load_idx %arg9[%min3A_305] : memref<4112xf32, #tpu.memory_space<vmem>>[vector<16xi32>], vector<16xf32>,
          %mul3A_307 = arith.mulf %gather3A_295, %gather3A_298 : vector<16xf32>
          %mul3A_308 = arith.mulf %mul3A_307, %gather3A_306 : vector<16xf32>
          %swap3A_309 = arith.index_cast %add3A_288 : i32 to index
          %swap3A_310 = tpu.vector_load %arg25[%swap3A_309] {strides = array<i32>} : memref<400xf32, #tpu.memory_space<vmem>>, vector<16xf32>,
          tpu.vector_store %arg25[%swap3A_309], %mul3A_308 {strides = array<i32>} : memref<400xf32, #tpu.memory_space<vmem>>, vector<16xf32>,
          %add3A_311 = arith.constant 32 : i32
          %add3A_312 = arith.addi %mul3A_266, %add3A_311 : i32
          %add3A_313 = arith.constant 400 : i32
          %add3A_314 = arith.addi %add3A_313, %add3A_312 : i32
          %get3A_315 = arith.index_cast %add3A_314 : i32 to index
          %get3A_316 = tpu.vector_load %arg10[%get3A_315] {strides = array<i32>} : memref<800xf32, #tpu.memory_space<vmem>>, vector<16xf32>,
          %get3A_317 = arith.index_cast %add3A_312 : i32 to index
          %get3A_318 = tpu.vector_load %arg16[%get3A_317] {strides = array<i32>} : memref<400xi32, #tpu.memory_space<vmem>>, vector<16xi32>,
          %gather3A_319 = tpu.vector_load_idx %arg8[%get3A_318] : memref<100000xf32, #tpu.memory_space<vmem>>[vector<16xi32>], vector<16xf32>,
          %get3A_320 = arith.index_cast %add3A_314 : i32 to index
          %get3A_321 = tpu.vector_load %arg19[%get3A_320] {strides = array<i32>} : memref<800xi32, #tpu.memory_space<vmem>>, vector<16xi32>,
          %gather3A_322 = tpu.vector_load_idx %arg8[%get3A_321] : memref<100000xf32, #tpu.memory_space<vmem>>[vector<16xi32>], vector<16xf32>,
          %mul3A_323 = arith.constant 290.909088 : f32
          %mul3A_324 = vector.broadcast %mul3A_323 : f32 to vector<16xf32>
          %mul3A_325 = arith.mulf %get3A_316, %mul3A_324 : vector<16xf32>
          %convert_element_type3A_326 = arith.fptosi %mul3A_325 : vector<16xf32> to vector<16xi32>
          %min3A_327 = arith.constant 4095 : i32
          %min3A_328 = vector.broadcast %min3A_327 : i32 to vector<16xi32>
          %min3A_329 = arith.minsi %convert_element_type3A_326, %min3A_328 : vector<16xi32>
          %gather3A_330 = tpu.vector_load_idx %arg9[%min3A_329] : memref<4112xf32, #tpu.memory_space<vmem>>[vector<16xi32>], vector<16xf32>,
          %mul3A_331 = arith.mulf %gather3A_319, %gather3A_322 : vector<16xf32>
          %mul3A_332 = arith.mulf %mul3A_331, %gather3A_330 : vector<16xf32>
          %swap3A_333 = arith.index_cast %add3A_312 : i32 to index
          %swap3A_334 = tpu.vector_load %arg25[%swap3A_333] {strides = array<i32>} : memref<400xf32, #tpu.memory_space<vmem>>, vector<16xf32>,
          tpu.vector_store %arg25[%swap3A_333], %mul3A_332 {strides = array<i32>} : memref<400xf32, #tpu.memory_space<vmem>>, vector<16xf32>,
          %add3A_335 = arith.constant 48 : i32
          %add3A_336 = arith.addi %mul3A_266, %add3A_335 : i32
          %add3A_337 = arith.constant 400 : i32
          %add3A_338 = arith.addi %add3A_337, %add3A_336 : i32
          %get3A_339 = arith.index_cast %add3A_338 : i32 to index
          %get3A_340 = tpu.vector_load %arg10[%get3A_339] {strides = array<i32>} : memref<800xf32, #tpu.memory_space<vmem>>, vector<16xf32>,
          %get3A_341 = arith.index_cast %add3A_336 : i32 to index
          %get3A_342 = tpu.vector_load %arg16[%get3A_341] {strides = array<i32>} : memref<400xi32, #tpu.memory_space<vmem>>, vector<16xi32>,
          %gather3A_343 = tpu.vector_load_idx %arg8[%get3A_342] : memref<100000xf32, #tpu.memory_space<vmem>>[vector<16xi32>], vector<16xf32>,
          %get3A_344 = arith.index_cast %add3A_338 : i32 to index
          %get3A_345 = tpu.vector_load %arg19[%get3A_344] {strides = array<i32>} : memref<800xi32, #tpu.memory_space<vmem>>, vector<16xi32>,
          %gather3A_346 = tpu.vector_load_idx %arg8[%get3A_345] : memref<100000xf32, #tpu.memory_space<vmem>>[vector<16xi32>], vector<16xf32>,
          %mul3A_347 = arith.constant 290.909088 : f32
          %mul3A_348 = vector.broadcast %mul3A_347 : f32 to vector<16xf32>
          %mul3A_349 = arith.mulf %get3A_340, %mul3A_348 : vector<16xf32>
          %convert_element_type3A_350 = arith.fptosi %mul3A_349 : vector<16xf32> to vector<16xi32>
          %min3A_351 = arith.constant 4095 : i32
          %min3A_352 = vector.broadcast %min3A_351 : i32 to vector<16xi32>
          %min3A_353 = arith.minsi %convert_element_type3A_350, %min3A_352 : vector<16xi32>
          %gather3A_354 = tpu.vector_load_idx %arg9[%min3A_353] : memref<4112xf32, #tpu.memory_space<vmem>>[vector<16xi32>], vector<16xf32>,
          %mul3A_355 = arith.mulf %gather3A_343, %gather3A_346 : vector<16xf32>
          %mul3A_356 = arith.mulf %mul3A_355, %gather3A_354 : vector<16xf32>
          %swap3A_357 = arith.index_cast %add3A_336 : i32 to index
          %swap3A_358 = tpu.vector_load %arg25[%swap3A_357] {strides = array<i32>} : memref<400xf32, #tpu.memory_space<vmem>>, vector<16xf32>,
          tpu.vector_store %arg25[%swap3A_357], %mul3A_356 {strides = array<i32>} : memref<400xf32, #tpu.memory_space<vmem>>, vector<16xf32>,
          %scan3A_359 = arith.constant 0 : i32
          scf.yield %scan3A_359 : i32
        }
        %scan3A_260 = arith.constant 6 : i32
        %dma_start3A_261 = arith.constant 0 : i32
        %dma_start3A_262 = tpu.memref_slice %arg28[%dma_start3A_261] : memref<100352xf32, #tpu.memory_space<vmem_shared>> -> memref<100352xf32, #tpu.memory_space<vmem_shared>>
        tpu.enqueue_indirect_dma source(%arg25 : memref<400xf32, #tpu.memory_space<vmem>>) target(%dma_start3A_262 : memref<100352xf32, #tpu.memory_space<vmem_shared>>) offsets(%arg16 : memref<400xi32, #tpu.memory_space<vmem>>) semaphore(%arg32 : memref<!tpu.dma_semaphore, #tpu.memory_space<semaphore_mem>>) {add = true}
      } else {
      }
      %mul3A_181 = arith.constant 3 : i32
      %mul3A_182 = arith.muli %mul3A_181, %scan3A_160 : i32
      %add3A_183 = arith.constant 1 : i32
      %add3A_184 = arith.addi %mul3A_182, %add3A_183 : i32
      %ge3A_185 = arith.constant 2 : i32
      %ge3A_186 = arith.cmpi sge, %add3A_184, %ge3A_185 : i32
      %convert_element_type3A_187 = arith.extui %ge3A_186 : i1 to i32
      %cond3A_188 = arith.constant 0 : i32
      %cond3A_189 = arith.cmpi ne, %convert_element_type3A_187, %cond3A_188 : i32
      scf.if %cond3A_189 {
        %dma_wait3A = arith.constant 0 : i32
        %dma_wait3A_230 = tpu.memref_slice %arg28[%dma_wait3A] : memref<100352xf32, #tpu.memory_space<vmem_shared>> -> memref<100352xf32, #tpu.memory_space<vmem_shared>>
        tpu.wait_indirect_dma semaphore(%arg34 : memref<!tpu.dma_semaphore, #tpu.memory_space<semaphore_mem>>) src(%arg24 : memref<400xf32, #tpu.memory_space<vmem>>) dst(%dma_wait3A_230 : memref<100352xf32, #tpu.memory_space<vmem_shared>>)
        %dma_wait3A_231 = arith.constant 0 : i32
        %dma_wait3A_232 = tpu.memref_slice %arg28[%dma_wait3A_231] : memref<100352xf32, #tpu.memory_space<vmem_shared>> -> memref<100352xf32, #tpu.memory_space<vmem_shared>>
        tpu.wait_indirect_dma semaphore(%arg34 : memref<!tpu.dma_semaphore, #tpu.memory_space<semaphore_mem>>) src(%arg27 : memref<400xf32, #tpu.memory_space<vmem>>) dst(%dma_wait3A_232 : memref<100352xf32, #tpu.memory_space<vmem_shared>>)
      } else {
      }
      %add3A_190 = arith.constant 1 : i32
      %add3A_191 = arith.addi %add3A_184, %add3A_190 : i32
      %lt3A_192 = arith.constant 250 : i32
      %lt3A_193 = arith.cmpi slt, %add3A_191, %lt3A_192 : i32
      %ge3A_194 = arith.constant 1 : i32
      %ge3A_195 = arith.cmpi sge, %add3A_184, %ge3A_194 : i32
      %and3A_196 = arith.andi %lt3A_193, %ge3A_195 : i1
      %convert_element_type3A_197 = arith.extui %and3A_196 : i1 to i32
      %cond3A_198 = arith.constant 0 : i32
      %cond3A_199 = arith.cmpi ne, %convert_element_type3A_197, %cond3A_198 : i32
      scf.if %cond3A_199 {
        %add3A_230 = arith.constant 1 : i32
        %add3A_231 = arith.addi %add3A_184, %add3A_230 : i32
        %mul3A_232 = arith.constant 32 : i32
        %mul3A_233 = arith.muli %add3A_231, %mul3A_232 : i32
        %add3A_234 = arith.addi %add3A, %mul3A_233 : i32
        %mul3A_235 = arith.constant 800 : i32
        %mul3A_236 = arith.muli %add3A_234, %mul3A_235 : i32
        %dma_start3A_237 = tpu.memref_slice %arg3[%mul3A_236] : memref<6400000xf32, #tpu.memory_space<hbm>> -> memref<800xf32, #tpu.memory_space<hbm>>
        %dma_start3A_238 = tpu.memref_slice %arg3[%mul3A_236] : memref<6400000xf32, #tpu.memory_space<hbm>> -> memref<800xf32, #tpu.memory_space<hbm>>
        tpu.enqueue_dma source(%dma_start3A_238 : memref<800xf32, #tpu.memory_space<hbm>>) target(%arg12 : memref<800xf32, #tpu.memory_space<vmem>>) target_semaphore(%arg31 : memref<!tpu.dma_semaphore, #tpu.memory_space<semaphore_mem>>)
        %dma_start3A_239 = tpu.memref_slice %arg4[%mul3A_236] : memref<6400000xi32, #tpu.memory_space<hbm>> -> memref<400xi32, #tpu.memory_space<hbm>>
        %dma_start3A_240 = tpu.memref_slice %arg4[%mul3A_236] : memref<6400000xi32, #tpu.memory_space<hbm>> -> memref<400xi32, #tpu.memory_space<hbm>>
        tpu.enqueue_dma source(%dma_start3A_240 : memref<400xi32, #tpu.memory_space<hbm>>) target(%arg15 : memref<400xi32, #tpu.memory_space<vmem>>) target_semaphore(%arg31 : memref<!tpu.dma_semaphore, #tpu.memory_space<semaphore_mem>>)
        %add3A_241 = arith.constant 400 : i32
        %add3A_242 = arith.addi %mul3A_236, %add3A_241 : i32
        %dma_start3A_243 = tpu.memref_slice %arg4[%add3A_242] : memref<6400000xi32, #tpu.memory_space<hbm>> -> memref<400xi32, #tpu.memory_space<hbm>>
        %dma_start3A_244 = tpu.memref_slice %arg4[%add3A_242] : memref<6400000xi32, #tpu.memory_space<hbm>> -> memref<400xi32, #tpu.memory_space<hbm>>
        tpu.enqueue_dma source(%dma_start3A_244 : memref<400xi32, #tpu.memory_space<hbm>>) target(%arg18 : memref<400xi32, #tpu.memory_space<vmem>>) target_semaphore(%arg31 : memref<!tpu.dma_semaphore, #tpu.memory_space<semaphore_mem>>)
        %dma_start3A_245 = tpu.memref_slice %arg5[%mul3A_236] : memref<6400000xi32, #tpu.memory_space<hbm>> -> memref<800xi32, #tpu.memory_space<hbm>>
        %dma_start3A_246 = tpu.memref_slice %arg5[%mul3A_236] : memref<6400000xi32, #tpu.memory_space<hbm>> -> memref<800xi32, #tpu.memory_space<hbm>>
        tpu.enqueue_dma source(%dma_start3A_246 : memref<800xi32, #tpu.memory_space<hbm>>) target(%arg21 : memref<800xi32, #tpu.memory_space<vmem>>) target_semaphore(%arg31 : memref<!tpu.dma_semaphore, #tpu.memory_space<semaphore_mem>>)
      } else {
      }
      %lt3A_200 = arith.constant 250 : i32
      %lt3A_201 = arith.cmpi slt, %add3A_184, %lt3A_200 : i32
      %convert_element_type3A_202 = arith.extui %lt3A_201 : i1 to i32
      %cond3A_203 = arith.constant 0 : i32
      %cond3A_204 = arith.cmpi ne, %convert_element_type3A_202, %cond3A_203 : i32
      scf.if %cond3A_204 {
        %dma_wait3A = arith.constant 0 : i32
        %dma_wait3A_230 = tpu.memref_slice %arg3[%dma_wait3A] : memref<6400000xf32, #tpu.memory_space<hbm>> -> memref<800xf32, #tpu.memory_space<hbm>>
        %dma_wait3A_231 = arith.constant 0 : i32
        %dma_wait3A_232 = tpu.memref_slice %arg3[%dma_wait3A_231] : memref<6400000xf32, #tpu.memory_space<hbm>> -> memref<800xf32, #tpu.memory_space<hbm>>
        tpu.wait_dma2 semaphore(%arg30 : memref<!tpu.dma_semaphore, #tpu.memory_space<semaphore_mem>>) src(%dma_wait3A_232 : memref<800xf32, #tpu.memory_space<hbm>>) dst(%arg11 : memref<800xf32, #tpu.memory_space<vmem>>)
        %dma_wait3A_233 = arith.constant 0 : i32
        %dma_wait3A_234 = tpu.memref_slice %arg4[%dma_wait3A_233] : memref<6400000xi32, #tpu.memory_space<hbm>> -> memref<400xi32, #tpu.memory_space<hbm>>
        %dma_wait3A_235 = arith.constant 0 : i32
        %dma_wait3A_236 = tpu.memref_slice %arg4[%dma_wait3A_235] : memref<6400000xi32, #tpu.memory_space<hbm>> -> memref<400xi32, #tpu.memory_space<hbm>>
        tpu.wait_dma2 semaphore(%arg30 : memref<!tpu.dma_semaphore, #tpu.memory_space<semaphore_mem>>) src(%dma_wait3A_236 : memref<400xi32, #tpu.memory_space<hbm>>) dst(%arg14 : memref<400xi32, #tpu.memory_space<vmem>>)
        %dma_wait3A_237 = arith.constant 0 : i32
        %dma_wait3A_238 = tpu.memref_slice %arg4[%dma_wait3A_237] : memref<6400000xi32, #tpu.memory_space<hbm>> -> memref<400xi32, #tpu.memory_space<hbm>>
        %dma_wait3A_239 = arith.constant 0 : i32
        %dma_wait3A_240 = tpu.memref_slice %arg4[%dma_wait3A_239] : memref<6400000xi32, #tpu.memory_space<hbm>> -> memref<400xi32, #tpu.memory_space<hbm>>
        tpu.wait_dma2 semaphore(%arg30 : memref<!tpu.dma_semaphore, #tpu.memory_space<semaphore_mem>>) src(%dma_wait3A_240 : memref<400xi32, #tpu.memory_space<hbm>>) dst(%arg17 : memref<400xi32, #tpu.memory_space<vmem>>)
        %dma_wait3A_241 = arith.constant 0 : i32
        %dma_wait3A_242 = tpu.memref_slice %arg5[%dma_wait3A_241] : memref<6400000xi32, #tpu.memory_space<hbm>> -> memref<800xi32, #tpu.memory_space<hbm>>
        %dma_wait3A_243 = arith.constant 0 : i32
        %dma_wait3A_244 = tpu.memref_slice %arg5[%dma_wait3A_243] : memref<6400000xi32, #tpu.memory_space<hbm>> -> memref<800xi32, #tpu.memory_space<hbm>>
        tpu.wait_dma2 semaphore(%arg30 : memref<!tpu.dma_semaphore, #tpu.memory_space<semaphore_mem>>) src(%dma_wait3A_244 : memref<800xi32, #tpu.memory_space<hbm>>) dst(%arg20 : memref<800xi32, #tpu.memory_space<vmem>>)
        %scan3A_245 = arith.constant 0 : i32
        %scan3A_246 = arith.constant 0 : i32
        %scan3A_247 = arith.constant 6 : i32
        %scan3A_248 = arith.addi %scan3A_246, %scan3A_247 : i32
        %scan3A_249 = arith.constant 1 : i32
        %scan3A_250 = scf.for %scan3A_263 = %scan3A_246 to %scan3A_248 step %scan3A_249 iter_args(%scan3A_264 = %scan3A_245) -> (i32)  : i32 {
          %mul3A_265 = arith.constant 64 : i32
          %mul3A_266 = arith.muli %scan3A_263, %mul3A_265 : i32
          %add3A_267 = arith.constant 0 : i32
          %add3A_268 = arith.addi %mul3A_266, %add3A_267 : i32
          %add3A_269 = arith.constant 0 : i32
          %add3A_270 = arith.addi %add3A_269, %add3A_268 : i32
          %get3A = arith.index_cast %add3A_270 : i32 to index
          %get3A_271 = tpu.vector_load %arg11[%get3A] {strides = array<i32>} : memref<800xf32, #tpu.memory_space<vmem>>, vector<16xf32>,
          %get3A_272 = arith.index_cast %add3A_268 : i32 to index
          %get3A_273 = tpu.vector_load %arg14[%get3A_272] {strides = array<i32>} : memref<400xi32, #tpu.memory_space<vmem>>, vector<16xi32>,
          %gather3A = tpu.vector_load_idx %arg8[%get3A_273] : memref<100000xf32, #tpu.memory_space<vmem>>[vector<16xi32>], vector<16xf32>,
          %get3A_274 = arith.index_cast %add3A_270 : i32 to index
          %get3A_275 = tpu.vector_load %arg20[%get3A_274] {strides = array<i32>} : memref<800xi32, #tpu.memory_space<vmem>>, vector<16xi32>,
          %gather3A_276 = tpu.vector_load_idx %arg8[%get3A_275] : memref<100000xf32, #tpu.memory_space<vmem>>[vector<16xi32>], vector<16xf32>,
          %mul3A_277 = arith.constant 290.909088 : f32
          %mul3A_278 = vector.broadcast %mul3A_277 : f32 to vector<16xf32>
          %mul3A_279 = arith.mulf %get3A_271, %mul3A_278 : vector<16xf32>
          %convert_element_type3A_280 = arith.fptosi %mul3A_279 : vector<16xf32> to vector<16xi32>
          %min3A = arith.constant 4095 : i32
          %min3A_281 = vector.broadcast %min3A : i32 to vector<16xi32>
          %min3A_282 = arith.minsi %convert_element_type3A_280, %min3A_281 : vector<16xi32>
          %gather3A_283 = tpu.vector_load_idx %arg9[%min3A_282] : memref<4112xf32, #tpu.memory_space<vmem>>[vector<16xi32>], vector<16xf32>,
          %mul3A_284 = arith.mulf %gather3A, %gather3A_276 : vector<16xf32>
          %mul3A_285 = arith.mulf %mul3A_284, %gather3A_283 : vector<16xf32>
          %swap3A = arith.index_cast %add3A_268 : i32 to index
          %swap3A_286 = tpu.vector_load %arg23[%swap3A] {strides = array<i32>} : memref<400xf32, #tpu.memory_space<vmem>>, vector<16xf32>,
          tpu.vector_store %arg23[%swap3A], %mul3A_285 {strides = array<i32>} : memref<400xf32, #tpu.memory_space<vmem>>, vector<16xf32>,
          %add3A_287 = arith.constant 16 : i32
          %add3A_288 = arith.addi %mul3A_266, %add3A_287 : i32
          %add3A_289 = arith.constant 0 : i32
          %add3A_290 = arith.addi %add3A_289, %add3A_288 : i32
          %get3A_291 = arith.index_cast %add3A_290 : i32 to index
          %get3A_292 = tpu.vector_load %arg11[%get3A_291] {strides = array<i32>} : memref<800xf32, #tpu.memory_space<vmem>>, vector<16xf32>,
          %get3A_293 = arith.index_cast %add3A_288 : i32 to index
          %get3A_294 = tpu.vector_load %arg14[%get3A_293] {strides = array<i32>} : memref<400xi32, #tpu.memory_space<vmem>>, vector<16xi32>,
          %gather3A_295 = tpu.vector_load_idx %arg8[%get3A_294] : memref<100000xf32, #tpu.memory_space<vmem>>[vector<16xi32>], vector<16xf32>,
          %get3A_296 = arith.index_cast %add3A_290 : i32 to index
          %get3A_297 = tpu.vector_load %arg20[%get3A_296] {strides = array<i32>} : memref<800xi32, #tpu.memory_space<vmem>>, vector<16xi32>,
          %gather3A_298 = tpu.vector_load_idx %arg8[%get3A_297] : memref<100000xf32, #tpu.memory_space<vmem>>[vector<16xi32>], vector<16xf32>,
          %mul3A_299 = arith.constant 290.909088 : f32
          %mul3A_300 = vector.broadcast %mul3A_299 : f32 to vector<16xf32>
          %mul3A_301 = arith.mulf %get3A_292, %mul3A_300 : vector<16xf32>
          %convert_element_type3A_302 = arith.fptosi %mul3A_301 : vector<16xf32> to vector<16xi32>
          %min3A_303 = arith.constant 4095 : i32
          %min3A_304 = vector.broadcast %min3A_303 : i32 to vector<16xi32>
          %min3A_305 = arith.minsi %convert_element_type3A_302, %min3A_304 : vector<16xi32>
          %gather3A_306 = tpu.vector_load_idx %arg9[%min3A_305] : memref<4112xf32, #tpu.memory_space<vmem>>[vector<16xi32>], vector<16xf32>,
          %mul3A_307 = arith.mulf %gather3A_295, %gather3A_298 : vector<16xf32>
          %mul3A_308 = arith.mulf %mul3A_307, %gather3A_306 : vector<16xf32>
          %swap3A_309 = arith.index_cast %add3A_288 : i32 to index
          %swap3A_310 = tpu.vector_load %arg23[%swap3A_309] {strides = array<i32>} : memref<400xf32, #tpu.memory_space<vmem>>, vector<16xf32>,
          tpu.vector_store %arg23[%swap3A_309], %mul3A_308 {strides = array<i32>} : memref<400xf32, #tpu.memory_space<vmem>>, vector<16xf32>,
          %add3A_311 = arith.constant 32 : i32
          %add3A_312 = arith.addi %mul3A_266, %add3A_311 : i32
          %add3A_313 = arith.constant 0 : i32
          %add3A_314 = arith.addi %add3A_313, %add3A_312 : i32
          %get3A_315 = arith.index_cast %add3A_314 : i32 to index
          %get3A_316 = tpu.vector_load %arg11[%get3A_315] {strides = array<i32>} : memref<800xf32, #tpu.memory_space<vmem>>, vector<16xf32>,
          %get3A_317 = arith.index_cast %add3A_312 : i32 to index
          %get3A_318 = tpu.vector_load %arg14[%get3A_317] {strides = array<i32>} : memref<400xi32, #tpu.memory_space<vmem>>, vector<16xi32>,
          %gather3A_319 = tpu.vector_load_idx %arg8[%get3A_318] : memref<100000xf32, #tpu.memory_space<vmem>>[vector<16xi32>], vector<16xf32>,
          %get3A_320 = arith.index_cast %add3A_314 : i32 to index
          %get3A_321 = tpu.vector_load %arg20[%get3A_320] {strides = array<i32>} : memref<800xi32, #tpu.memory_space<vmem>>, vector<16xi32>,
          %gather3A_322 = tpu.vector_load_idx %arg8[%get3A_321] : memref<100000xf32, #tpu.memory_space<vmem>>[vector<16xi32>], vector<16xf32>,
          %mul3A_323 = arith.constant 290.909088 : f32
          %mul3A_324 = vector.broadcast %mul3A_323 : f32 to vector<16xf32>
          %mul3A_325 = arith.mulf %get3A_316, %mul3A_324 : vector<16xf32>
          %convert_element_type3A_326 = arith.fptosi %mul3A_325 : vector<16xf32> to vector<16xi32>
          %min3A_327 = arith.constant 4095 : i32
          %min3A_328 = vector.broadcast %min3A_327 : i32 to vector<16xi32>
          %min3A_329 = arith.minsi %convert_element_type3A_326, %min3A_328 : vector<16xi32>
          %gather3A_330 = tpu.vector_load_idx %arg9[%min3A_329] : memref<4112xf32, #tpu.memory_space<vmem>>[vector<16xi32>], vector<16xf32>,
          %mul3A_331 = arith.mulf %gather3A_319, %gather3A_322 : vector<16xf32>
          %mul3A_332 = arith.mulf %mul3A_331, %gather3A_330 : vector<16xf32>
          %swap3A_333 = arith.index_cast %add3A_312 : i32 to index
          %swap3A_334 = tpu.vector_load %arg23[%swap3A_333] {strides = array<i32>} : memref<400xf32, #tpu.memory_space<vmem>>, vector<16xf32>,
          tpu.vector_store %arg23[%swap3A_333], %mul3A_332 {strides = array<i32>} : memref<400xf32, #tpu.memory_space<vmem>>, vector<16xf32>,
          %add3A_335 = arith.constant 48 : i32
          %add3A_336 = arith.addi %mul3A_266, %add3A_335 : i32
          %add3A_337 = arith.constant 0 : i32
          %add3A_338 = arith.addi %add3A_337, %add3A_336 : i32
          %get3A_339 = arith.index_cast %add3A_338 : i32 to index
          %get3A_340 = tpu.vector_load %arg11[%get3A_339] {strides = array<i32>} : memref<800xf32, #tpu.memory_space<vmem>>, vector<16xf32>,
          %get3A_341 = arith.index_cast %add3A_336 : i32 to index
          %get3A_342 = tpu.vector_load %arg14[%get3A_341] {strides = array<i32>} : memref<400xi32, #tpu.memory_space<vmem>>, vector<16xi32>,
          %gather3A_343 = tpu.vector_load_idx %arg8[%get3A_342] : memref<100000xf32, #tpu.memory_space<vmem>>[vector<16xi32>], vector<16xf32>,
          %get3A_344 = arith.index_cast %add3A_338 : i32 to index
          %get3A_345 = tpu.vector_load %arg20[%get3A_344] {strides = array<i32>} : memref<800xi32, #tpu.memory_space<vmem>>, vector<16xi32>,
          %gather3A_346 = tpu.vector_load_idx %arg8[%get3A_345] : memref<100000xf32, #tpu.memory_space<vmem>>[vector<16xi32>], vector<16xf32>,
          %mul3A_347 = arith.constant 290.909088 : f32
          %mul3A_348 = vector.broadcast %mul3A_347 : f32 to vector<16xf32>
          %mul3A_349 = arith.mulf %get3A_340, %mul3A_348 : vector<16xf32>
          %convert_element_type3A_350 = arith.fptosi %mul3A_349 : vector<16xf32> to vector<16xi32>
          %min3A_351 = arith.constant 4095 : i32
          %min3A_352 = vector.broadcast %min3A_351 : i32 to vector<16xi32>
          %min3A_353 = arith.minsi %convert_element_type3A_350, %min3A_352 : vector<16xi32>
          %gather3A_354 = tpu.vector_load_idx %arg9[%min3A_353] : memref<4112xf32, #tpu.memory_space<vmem>>[vector<16xi32>], vector<16xf32>,
          %mul3A_355 = arith.mulf %gather3A_343, %gather3A_346 : vector<16xf32>
          %mul3A_356 = arith.mulf %mul3A_355, %gather3A_354 : vector<16xf32>
          %swap3A_357 = arith.index_cast %add3A_336 : i32 to index
          %swap3A_358 = tpu.vector_load %arg23[%swap3A_357] {strides = array<i32>} : memref<400xf32, #tpu.memory_space<vmem>>, vector<16xf32>,
          tpu.vector_store %arg23[%swap3A_357], %mul3A_356 {strides = array<i32>} : memref<400xf32, #tpu.memory_space<vmem>>, vector<16xf32>,
          %scan3A_359 = arith.constant 0 : i32
          scf.yield %scan3A_359 : i32
        }
        %scan3A_251 = arith.constant 6 : i32
        %dma_start3A_252 = arith.constant 0 : i32
        %dma_start3A_253 = tpu.memref_slice %arg28[%dma_start3A_252] : memref<100352xf32, #tpu.memory_space<vmem_shared>> -> memref<100352xf32, #tpu.memory_space<vmem_shared>>
        tpu.enqueue_indirect_dma source(%arg23 : memref<400xf32, #tpu.memory_space<vmem>>) target(%dma_start3A_253 : memref<100352xf32, #tpu.memory_space<vmem_shared>>) offsets(%arg14 : memref<400xi32, #tpu.memory_space<vmem>>) semaphore(%arg33 : memref<!tpu.dma_semaphore, #tpu.memory_space<semaphore_mem>>) {add = true}
        %scan3A_254 = arith.constant 0 : i32
        %scan3A_255 = arith.constant 0 : i32
        %scan3A_256 = arith.constant 6 : i32
        %scan3A_257 = arith.addi %scan3A_255, %scan3A_256 : i32
        %scan3A_258 = arith.constant 1 : i32
        %scan3A_259 = scf.for %scan3A_263 = %scan3A_255 to %scan3A_257 step %scan3A_258 iter_args(%scan3A_264 = %scan3A_254) -> (i32)  : i32 {
          %mul3A_265 = arith.constant 64 : i32
          %mul3A_266 = arith.muli %scan3A_263, %mul3A_265 : i32
          %add3A_267 = arith.constant 0 : i32
          %add3A_268 = arith.addi %mul3A_266, %add3A_267 : i32
          %add3A_269 = arith.constant 400 : i32
          %add3A_270 = arith.addi %add3A_269, %add3A_268 : i32
          %get3A = arith.index_cast %add3A_270 : i32 to index
          %get3A_271 = tpu.vector_load %arg11[%get3A] {strides = array<i32>} : memref<800xf32, #tpu.memory_space<vmem>>, vector<16xf32>,
          %get3A_272 = arith.index_cast %add3A_268 : i32 to index
          %get3A_273 = tpu.vector_load %arg17[%get3A_272] {strides = array<i32>} : memref<400xi32, #tpu.memory_space<vmem>>, vector<16xi32>,
          %gather3A = tpu.vector_load_idx %arg8[%get3A_273] : memref<100000xf32, #tpu.memory_space<vmem>>[vector<16xi32>], vector<16xf32>,
          %get3A_274 = arith.index_cast %add3A_270 : i32 to index
          %get3A_275 = tpu.vector_load %arg20[%get3A_274] {strides = array<i32>} : memref<800xi32, #tpu.memory_space<vmem>>, vector<16xi32>,
          %gather3A_276 = tpu.vector_load_idx %arg8[%get3A_275] : memref<100000xf32, #tpu.memory_space<vmem>>[vector<16xi32>], vector<16xf32>,
          %mul3A_277 = arith.constant 290.909088 : f32
          %mul3A_278 = vector.broadcast %mul3A_277 : f32 to vector<16xf32>
          %mul3A_279 = arith.mulf %get3A_271, %mul3A_278 : vector<16xf32>
          %convert_element_type3A_280 = arith.fptosi %mul3A_279 : vector<16xf32> to vector<16xi32>
          %min3A = arith.constant 4095 : i32
          %min3A_281 = vector.broadcast %min3A : i32 to vector<16xi32>
          %min3A_282 = arith.minsi %convert_element_type3A_280, %min3A_281 : vector<16xi32>
          %gather3A_283 = tpu.vector_load_idx %arg9[%min3A_282] : memref<4112xf32, #tpu.memory_space<vmem>>[vector<16xi32>], vector<16xf32>,
          %mul3A_284 = arith.mulf %gather3A, %gather3A_276 : vector<16xf32>
          %mul3A_285 = arith.mulf %mul3A_284, %gather3A_283 : vector<16xf32>
          %swap3A = arith.index_cast %add3A_268 : i32 to index
          %swap3A_286 = tpu.vector_load %arg26[%swap3A] {strides = array<i32>} : memref<400xf32, #tpu.memory_space<vmem>>, vector<16xf32>,
          tpu.vector_store %arg26[%swap3A], %mul3A_285 {strides = array<i32>} : memref<400xf32, #tpu.memory_space<vmem>>, vector<16xf32>,
          %add3A_287 = arith.constant 16 : i32
          %add3A_288 = arith.addi %mul3A_266, %add3A_287 : i32
          %add3A_289 = arith.constant 400 : i32
          %add3A_290 = arith.addi %add3A_289, %add3A_288 : i32
          %get3A_291 = arith.index_cast %add3A_290 : i32 to index
          %get3A_292 = tpu.vector_load %arg11[%get3A_291] {strides = array<i32>} : memref<800xf32, #tpu.memory_space<vmem>>, vector<16xf32>,
          %get3A_293 = arith.index_cast %add3A_288 : i32 to index
          %get3A_294 = tpu.vector_load %arg17[%get3A_293] {strides = array<i32>} : memref<400xi32, #tpu.memory_space<vmem>>, vector<16xi32>,
          %gather3A_295 = tpu.vector_load_idx %arg8[%get3A_294] : memref<100000xf32, #tpu.memory_space<vmem>>[vector<16xi32>], vector<16xf32>,
          %get3A_296 = arith.index_cast %add3A_290 : i32 to index
          %get3A_297 = tpu.vector_load %arg20[%get3A_296] {strides = array<i32>} : memref<800xi32, #tpu.memory_space<vmem>>, vector<16xi32>,
          %gather3A_298 = tpu.vector_load_idx %arg8[%get3A_297] : memref<100000xf32, #tpu.memory_space<vmem>>[vector<16xi32>], vector<16xf32>,
          %mul3A_299 = arith.constant 290.909088 : f32
          %mul3A_300 = vector.broadcast %mul3A_299 : f32 to vector<16xf32>
          %mul3A_301 = arith.mulf %get3A_292, %mul3A_300 : vector<16xf32>
          %convert_element_type3A_302 = arith.fptosi %mul3A_301 : vector<16xf32> to vector<16xi32>
          %min3A_303 = arith.constant 4095 : i32
          %min3A_304 = vector.broadcast %min3A_303 : i32 to vector<16xi32>
          %min3A_305 = arith.minsi %convert_element_type3A_302, %min3A_304 : vector<16xi32>
          %gather3A_306 = tpu.vector_load_idx %arg9[%min3A_305] : memref<4112xf32, #tpu.memory_space<vmem>>[vector<16xi32>], vector<16xf32>,
          %mul3A_307 = arith.mulf %gather3A_295, %gather3A_298 : vector<16xf32>
          %mul3A_308 = arith.mulf %mul3A_307, %gather3A_306 : vector<16xf32>
          %swap3A_309 = arith.index_cast %add3A_288 : i32 to index
          %swap3A_310 = tpu.vector_load %arg26[%swap3A_309] {strides = array<i32>} : memref<400xf32, #tpu.memory_space<vmem>>, vector<16xf32>,
          tpu.vector_store %arg26[%swap3A_309], %mul3A_308 {strides = array<i32>} : memref<400xf32, #tpu.memory_space<vmem>>, vector<16xf32>,
          %add3A_311 = arith.constant 32 : i32
          %add3A_312 = arith.addi %mul3A_266, %add3A_311 : i32
          %add3A_313 = arith.constant 400 : i32
          %add3A_314 = arith.addi %add3A_313, %add3A_312 : i32
          %get3A_315 = arith.index_cast %add3A_314 : i32 to index
          %get3A_316 = tpu.vector_load %arg11[%get3A_315] {strides = array<i32>} : memref<800xf32, #tpu.memory_space<vmem>>, vector<16xf32>,
          %get3A_317 = arith.index_cast %add3A_312 : i32 to index
          %get3A_318 = tpu.vector_load %arg17[%get3A_317] {strides = array<i32>} : memref<400xi32, #tpu.memory_space<vmem>>, vector<16xi32>,
          %gather3A_319 = tpu.vector_load_idx %arg8[%get3A_318] : memref<100000xf32, #tpu.memory_space<vmem>>[vector<16xi32>], vector<16xf32>,
          %get3A_320 = arith.index_cast %add3A_314 : i32 to index
          %get3A_321 = tpu.vector_load %arg20[%get3A_320] {strides = array<i32>} : memref<800xi32, #tpu.memory_space<vmem>>, vector<16xi32>,
          %gather3A_322 = tpu.vector_load_idx %arg8[%get3A_321] : memref<100000xf32, #tpu.memory_space<vmem>>[vector<16xi32>], vector<16xf32>,
          %mul3A_323 = arith.constant 290.909088 : f32
          %mul3A_324 = vector.broadcast %mul3A_323 : f32 to vector<16xf32>
          %mul3A_325 = arith.mulf %get3A_316, %mul3A_324 : vector<16xf32>
          %convert_element_type3A_326 = arith.fptosi %mul3A_325 : vector<16xf32> to vector<16xi32>
          %min3A_327 = arith.constant 4095 : i32
          %min3A_328 = vector.broadcast %min3A_327 : i32 to vector<16xi32>
          %min3A_329 = arith.minsi %convert_element_type3A_326, %min3A_328 : vector<16xi32>
          %gather3A_330 = tpu.vector_load_idx %arg9[%min3A_329] : memref<4112xf32, #tpu.memory_space<vmem>>[vector<16xi32>], vector<16xf32>,
          %mul3A_331 = arith.mulf %gather3A_319, %gather3A_322 : vector<16xf32>
          %mul3A_332 = arith.mulf %mul3A_331, %gather3A_330 : vector<16xf32>
          %swap3A_333 = arith.index_cast %add3A_312 : i32 to index
          %swap3A_334 = tpu.vector_load %arg26[%swap3A_333] {strides = array<i32>} : memref<400xf32, #tpu.memory_space<vmem>>, vector<16xf32>,
          tpu.vector_store %arg26[%swap3A_333], %mul3A_332 {strides = array<i32>} : memref<400xf32, #tpu.memory_space<vmem>>, vector<16xf32>,
          %add3A_335 = arith.constant 48 : i32
          %add3A_336 = arith.addi %mul3A_266, %add3A_335 : i32
          %add3A_337 = arith.constant 400 : i32
          %add3A_338 = arith.addi %add3A_337, %add3A_336 : i32
          %get3A_339 = arith.index_cast %add3A_338 : i32 to index
          %get3A_340 = tpu.vector_load %arg11[%get3A_339] {strides = array<i32>} : memref<800xf32, #tpu.memory_space<vmem>>, vector<16xf32>,
          %get3A_341 = arith.index_cast %add3A_336 : i32 to index
          %get3A_342 = tpu.vector_load %arg17[%get3A_341] {strides = array<i32>} : memref<400xi32, #tpu.memory_space<vmem>>, vector<16xi32>,
          %gather3A_343 = tpu.vector_load_idx %arg8[%get3A_342] : memref<100000xf32, #tpu.memory_space<vmem>>[vector<16xi32>], vector<16xf32>,
          %get3A_344 = arith.index_cast %add3A_338 : i32 to index
          %get3A_345 = tpu.vector_load %arg20[%get3A_344] {strides = array<i32>} : memref<800xi32, #tpu.memory_space<vmem>>, vector<16xi32>,
          %gather3A_346 = tpu.vector_load_idx %arg8[%get3A_345] : memref<100000xf32, #tpu.memory_space<vmem>>[vector<16xi32>], vector<16xf32>,
          %mul3A_347 = arith.constant 290.909088 : f32
          %mul3A_348 = vector.broadcast %mul3A_347 : f32 to vector<16xf32>
          %mul3A_349 = arith.mulf %get3A_340, %mul3A_348 : vector<16xf32>
          %convert_element_type3A_350 = arith.fptosi %mul3A_349 : vector<16xf32> to vector<16xi32>
          %min3A_351 = arith.constant 4095 : i32
          %min3A_352 = vector.broadcast %min3A_351 : i32 to vector<16xi32>
          %min3A_353 = arith.minsi %convert_element_type3A_350, %min3A_352 : vector<16xi32>
          %gather3A_354 = tpu.vector_load_idx %arg9[%min3A_353] : memref<4112xf32, #tpu.memory_space<vmem>>[vector<16xi32>], vector<16xf32>,
          %mul3A_355 = arith.mulf %gather3A_343, %gather3A_346 : vector<16xf32>
          %mul3A_356 = arith.mulf %mul3A_355, %gather3A_354 : vector<16xf32>
          %swap3A_357 = arith.index_cast %add3A_336 : i32 to index
          %swap3A_358 = tpu.vector_load %arg26[%swap3A_357] {strides = array<i32>} : memref<400xf32, #tpu.memory_space<vmem>>, vector<16xf32>,
          tpu.vector_store %arg26[%swap3A_357], %mul3A_356 {strides = array<i32>} : memref<400xf32, #tpu.memory_space<vmem>>, vector<16xf32>,
          %scan3A_359 = arith.constant 0 : i32
          scf.yield %scan3A_359 : i32
        }
        %scan3A_260 = arith.constant 6 : i32
        %dma_start3A_261 = arith.constant 0 : i32
        %dma_start3A_262 = tpu.memref_slice %arg28[%dma_start3A_261] : memref<100352xf32, #tpu.memory_space<vmem_shared>> -> memref<100352xf32, #tpu.memory_space<vmem_shared>>
        tpu.enqueue_indirect_dma source(%arg26 : memref<400xf32, #tpu.memory_space<vmem>>) target(%dma_start3A_262 : memref<100352xf32, #tpu.memory_space<vmem_shared>>) offsets(%arg17 : memref<400xi32, #tpu.memory_space<vmem>>) semaphore(%arg33 : memref<!tpu.dma_semaphore, #tpu.memory_space<semaphore_mem>>) {add = true}
      } else {
      }
      %mul3A_205 = arith.constant 3 : i32
      %mul3A_206 = arith.muli %mul3A_205, %scan3A_160 : i32
      %add3A_207 = arith.constant 2 : i32
      %add3A_208 = arith.addi %mul3A_206, %add3A_207 : i32
      %ge3A_209 = arith.constant 2 : i32
      %ge3A_210 = arith.cmpi sge, %add3A_208, %ge3A_209 : i32
      %convert_element_type3A_211 = arith.extui %ge3A_210 : i1 to i32
      %cond3A_212 = arith.constant 0 : i32
      %cond3A_213 = arith.cmpi ne, %convert_element_type3A_211, %cond3A_212 : i32
      scf.if %cond3A_213 {
        %dma_wait3A = arith.constant 0 : i32
        %dma_wait3A_230 = tpu.memref_slice %arg28[%dma_wait3A] : memref<100352xf32, #tpu.memory_space<vmem_shared>> -> memref<100352xf32, #tpu.memory_space<vmem_shared>>
        tpu.wait_indirect_dma semaphore(%arg32 : memref<!tpu.dma_semaphore, #tpu.memory_space<semaphore_mem>>) src(%arg22 : memref<400xf32, #tpu.memory_space<vmem>>) dst(%dma_wait3A_230 : memref<100352xf32, #tpu.memory_space<vmem_shared>>)
        %dma_wait3A_231 = arith.constant 0 : i32
        %dma_wait3A_232 = tpu.memref_slice %arg28[%dma_wait3A_231] : memref<100352xf32, #tpu.memory_space<vmem_shared>> -> memref<100352xf32, #tpu.memory_space<vmem_shared>>
        tpu.wait_indirect_dma semaphore(%arg32 : memref<!tpu.dma_semaphore, #tpu.memory_space<semaphore_mem>>) src(%arg25 : memref<400xf32, #tpu.memory_space<vmem>>) dst(%dma_wait3A_232 : memref<100352xf32, #tpu.memory_space<vmem_shared>>)
      } else {
      }
      %add3A_214 = arith.constant 1 : i32
      %add3A_215 = arith.addi %add3A_208, %add3A_214 : i32
      %lt3A_216 = arith.constant 250 : i32
      %lt3A_217 = arith.cmpi slt, %add3A_215, %lt3A_216 : i32
      %ge3A_218 = arith.constant 1 : i32
      %ge3A_219 = arith.cmpi sge, %add3A_208, %ge3A_218 : i32
      %and3A_220 = arith.andi %lt3A_217, %ge3A_219 : i1
      %convert_element_type3A_221 = arith.extui %and3A_220 : i1 to i32
      %cond3A_222 = arith.constant 0 : i32
      %cond3A_223 = arith.cmpi ne, %convert_element_type3A_221, %cond3A_222 : i32
      scf.if %cond3A_223 {
        %add3A_230 = arith.constant 1 : i32
        %add3A_231 = arith.addi %add3A_208, %add3A_230 : i32
        %mul3A_232 = arith.constant 32 : i32
        %mul3A_233 = arith.muli %add3A_231, %mul3A_232 : i32
        %add3A_234 = arith.addi %add3A, %mul3A_233 : i32
        %mul3A_235 = arith.constant 800 : i32
        %mul3A_236 = arith.muli %add3A_234, %mul3A_235 : i32
        %dma_start3A_237 = tpu.memref_slice %arg3[%mul3A_236] : memref<6400000xf32, #tpu.memory_space<hbm>> -> memref<800xf32, #tpu.memory_space<hbm>>
        %dma_start3A_238 = tpu.memref_slice %arg3[%mul3A_236] : memref<6400000xf32, #tpu.memory_space<hbm>> -> memref<800xf32, #tpu.memory_space<hbm>>
        tpu.enqueue_dma source(%dma_start3A_238 : memref<800xf32, #tpu.memory_space<hbm>>) target(%arg10 : memref<800xf32, #tpu.memory_space<vmem>>) target_semaphore(%arg29 : memref<!tpu.dma_semaphore, #tpu.memory_space<semaphore_mem>>)
        %dma_start3A_239 = tpu.memref_slice %arg4[%mul3A_236] : memref<6400000xi32, #tpu.memory_space<hbm>> -> memref<400xi32, #tpu.memory_space<hbm>>
        %dma_start3A_240 = tpu.memref_slice %arg4[%mul3A_236] : memref<6400000xi32, #tpu.memory_space<hbm>> -> memref<400xi32, #tpu.memory_space<hbm>>
        tpu.enqueue_dma source(%dma_start3A_240 : memref<400xi32, #tpu.memory_space<hbm>>) target(%arg13 : memref<400xi32, #tpu.memory_space<vmem>>) target_semaphore(%arg29 : memref<!tpu.dma_semaphore, #tpu.memory_space<semaphore_mem>>)
        %add3A_241 = arith.constant 400 : i32
        %add3A_242 = arith.addi %mul3A_236, %add3A_241 : i32
        %dma_start3A_243 = tpu.memref_slice %arg4[%add3A_242] : memref<6400000xi32, #tpu.memory_space<hbm>> -> memref<400xi32, #tpu.memory_space<hbm>>
        %dma_start3A_244 = tpu.memref_slice %arg4[%add3A_242] : memref<6400000xi32, #tpu.memory_space<hbm>> -> memref<400xi32, #tpu.memory_space<hbm>>
        tpu.enqueue_dma source(%dma_start3A_244 : memref<400xi32, #tpu.memory_space<hbm>>) target(%arg16 : memref<400xi32, #tpu.memory_space<vmem>>) target_semaphore(%arg29 : memref<!tpu.dma_semaphore, #tpu.memory_space<semaphore_mem>>)
        %dma_start3A_245 = tpu.memref_slice %arg5[%mul3A_236] : memref<6400000xi32, #tpu.memory_space<hbm>> -> memref<800xi32, #tpu.memory_space<hbm>>
        %dma_start3A_246 = tpu.memref_slice %arg5[%mul3A_236] : memref<6400000xi32, #tpu.memory_space<hbm>> -> memref<800xi32, #tpu.memory_space<hbm>>
        tpu.enqueue_dma source(%dma_start3A_246 : memref<800xi32, #tpu.memory_space<hbm>>) target(%arg19 : memref<800xi32, #tpu.memory_space<vmem>>) target_semaphore(%arg29 : memref<!tpu.dma_semaphore, #tpu.memory_space<semaphore_mem>>)
      } else {
      }
      %lt3A_224 = arith.constant 250 : i32
      %lt3A_225 = arith.cmpi slt, %add3A_208, %lt3A_224 : i32
      %convert_element_type3A_226 = arith.extui %lt3A_225 : i1 to i32
      %cond3A_227 = arith.constant 0 : i32
      %cond3A_228 = arith.cmpi ne, %convert_element_type3A_226, %cond3A_227 : i32
      scf.if %cond3A_228 {
        %dma_wait3A = arith.constant 0 : i32
        %dma_wait3A_230 = tpu.memref_slice %arg3[%dma_wait3A] : memref<6400000xf32, #tpu.memory_space<hbm>> -> memref<800xf32, #tpu.memory_space<hbm>>
        %dma_wait3A_231 = arith.constant 0 : i32
        %dma_wait3A_232 = tpu.memref_slice %arg3[%dma_wait3A_231] : memref<6400000xf32, #tpu.memory_space<hbm>> -> memref<800xf32, #tpu.memory_space<hbm>>
        tpu.wait_dma2 semaphore(%arg31 : memref<!tpu.dma_semaphore, #tpu.memory_space<semaphore_mem>>) src(%dma_wait3A_232 : memref<800xf32, #tpu.memory_space<hbm>>) dst(%arg12 : memref<800xf32, #tpu.memory_space<vmem>>)
        %dma_wait3A_233 = arith.constant 0 : i32
        %dma_wait3A_234 = tpu.memref_slice %arg4[%dma_wait3A_233] : memref<6400000xi32, #tpu.memory_space<hbm>> -> memref<400xi32, #tpu.memory_space<hbm>>
        %dma_wait3A_235 = arith.constant 0 : i32
        %dma_wait3A_236 = tpu.memref_slice %arg4[%dma_wait3A_235] : memref<6400000xi32, #tpu.memory_space<hbm>> -> memref<400xi32, #tpu.memory_space<hbm>>
        tpu.wait_dma2 semaphore(%arg31 : memref<!tpu.dma_semaphore, #tpu.memory_space<semaphore_mem>>) src(%dma_wait3A_236 : memref<400xi32, #tpu.memory_space<hbm>>) dst(%arg15 : memref<400xi32, #tpu.memory_space<vmem>>)
        %dma_wait3A_237 = arith.constant 0 : i32
        %dma_wait3A_238 = tpu.memref_slice %arg4[%dma_wait3A_237] : memref<6400000xi32, #tpu.memory_space<hbm>> -> memref<400xi32, #tpu.memory_space<hbm>>
        %dma_wait3A_239 = arith.constant 0 : i32
        %dma_wait3A_240 = tpu.memref_slice %arg4[%dma_wait3A_239] : memref<6400000xi32, #tpu.memory_space<hbm>> -> memref<400xi32, #tpu.memory_space<hbm>>
        tpu.wait_dma2 semaphore(%arg31 : memref<!tpu.dma_semaphore, #tpu.memory_space<semaphore_mem>>) src(%dma_wait3A_240 : memref<400xi32, #tpu.memory_space<hbm>>) dst(%arg18 : memref<400xi32, #tpu.memory_space<vmem>>)
        %dma_wait3A_241 = arith.constant 0 : i32
        %dma_wait3A_242 = tpu.memref_slice %arg5[%dma_wait3A_241] : memref<6400000xi32, #tpu.memory_space<hbm>> -> memref<800xi32, #tpu.memory_space<hbm>>
        %dma_wait3A_243 = arith.constant 0 : i32
        %dma_wait3A_244 = tpu.memref_slice %arg5[%dma_wait3A_243] : memref<6400000xi32, #tpu.memory_space<hbm>> -> memref<800xi32, #tpu.memory_space<hbm>>
        tpu.wait_dma2 semaphore(%arg31 : memref<!tpu.dma_semaphore, #tpu.memory_space<semaphore_mem>>) src(%dma_wait3A_244 : memref<800xi32, #tpu.memory_space<hbm>>) dst(%arg21 : memref<800xi32, #tpu.memory_space<vmem>>)
        %scan3A_245 = arith.constant 0 : i32
        %scan3A_246 = arith.constant 0 : i32
        %scan3A_247 = arith.constant 6 : i32
        %scan3A_248 = arith.addi %scan3A_246, %scan3A_247 : i32
        %scan3A_249 = arith.constant 1 : i32
        %scan3A_250 = scf.for %scan3A_263 = %scan3A_246 to %scan3A_248 step %scan3A_249 iter_args(%scan3A_264 = %scan3A_245) -> (i32)  : i32 {
          %mul3A_265 = arith.constant 64 : i32
          %mul3A_266 = arith.muli %scan3A_263, %mul3A_265 : i32
          %add3A_267 = arith.constant 0 : i32
          %add3A_268 = arith.addi %mul3A_266, %add3A_267 : i32
          %add3A_269 = arith.constant 0 : i32
          %add3A_270 = arith.addi %add3A_269, %add3A_268 : i32
          %get3A = arith.index_cast %add3A_270 : i32 to index
          %get3A_271 = tpu.vector_load %arg12[%get3A] {strides = array<i32>} : memref<800xf32, #tpu.memory_space<vmem>>, vector<16xf32>,
          %get3A_272 = arith.index_cast %add3A_268 : i32 to index
          %get3A_273 = tpu.vector_load %arg15[%get3A_272] {strides = array<i32>} : memref<400xi32, #tpu.memory_space<vmem>>, vector<16xi32>,
          %gather3A = tpu.vector_load_idx %arg8[%get3A_273] : memref<100000xf32, #tpu.memory_space<vmem>>[vector<16xi32>], vector<16xf32>,
          %get3A_274 = arith.index_cast %add3A_270 : i32 to index
          %get3A_275 = tpu.vector_load %arg21[%get3A_274] {strides = array<i32>} : memref<800xi32, #tpu.memory_space<vmem>>, vector<16xi32>,
          %gather3A_276 = tpu.vector_load_idx %arg8[%get3A_275] : memref<100000xf32, #tpu.memory_space<vmem>>[vector<16xi32>], vector<16xf32>,
          %mul3A_277 = arith.constant 290.909088 : f32
          %mul3A_278 = vector.broadcast %mul3A_277 : f32 to vector<16xf32>
          %mul3A_279 = arith.mulf %get3A_271, %mul3A_278 : vector<16xf32>
          %convert_element_type3A_280 = arith.fptosi %mul3A_279 : vector<16xf32> to vector<16xi32>
          %min3A = arith.constant 4095 : i32
          %min3A_281 = vector.broadcast %min3A : i32 to vector<16xi32>
          %min3A_282 = arith.minsi %convert_element_type3A_280, %min3A_281 : vector<16xi32>
          %gather3A_283 = tpu.vector_load_idx %arg9[%min3A_282] : memref<4112xf32, #tpu.memory_space<vmem>>[vector<16xi32>], vector<16xf32>,
          %mul3A_284 = arith.mulf %gather3A, %gather3A_276 : vector<16xf32>
          %mul3A_285 = arith.mulf %mul3A_284, %gather3A_283 : vector<16xf32>
          %swap3A = arith.index_cast %add3A_268 : i32 to index
          %swap3A_286 = tpu.vector_load %arg24[%swap3A] {strides = array<i32>} : memref<400xf32, #tpu.memory_space<vmem>>, vector<16xf32>,
          tpu.vector_store %arg24[%swap3A], %mul3A_285 {strides = array<i32>} : memref<400xf32, #tpu.memory_space<vmem>>, vector<16xf32>,
          %add3A_287 = arith.constant 16 : i32
          %add3A_288 = arith.addi %mul3A_266, %add3A_287 : i32
          %add3A_289 = arith.constant 0 : i32
          %add3A_290 = arith.addi %add3A_289, %add3A_288 : i32
          %get3A_291 = arith.index_cast %add3A_290 : i32 to index
          %get3A_292 = tpu.vector_load %arg12[%get3A_291] {strides = array<i32>} : memref<800xf32, #tpu.memory_space<vmem>>, vector<16xf32>,
          %get3A_293 = arith.index_cast %add3A_288 : i32 to index
          %get3A_294 = tpu.vector_load %arg15[%get3A_293] {strides = array<i32>} : memref<400xi32, #tpu.memory_space<vmem>>, vector<16xi32>,
          %gather3A_295 = tpu.vector_load_idx %arg8[%get3A_294] : memref<100000xf32, #tpu.memory_space<vmem>>[vector<16xi32>], vector<16xf32>,
          %get3A_296 = arith.index_cast %add3A_290 : i32 to index
          %get3A_297 = tpu.vector_load %arg21[%get3A_296] {strides = array<i32>} : memref<800xi32, #tpu.memory_space<vmem>>, vector<16xi32>,
          %gather3A_298 = tpu.vector_load_idx %arg8[%get3A_297] : memref<100000xf32, #tpu.memory_space<vmem>>[vector<16xi32>], vector<16xf32>,
          %mul3A_299 = arith.constant 290.909088 : f32
          %mul3A_300 = vector.broadcast %mul3A_299 : f32 to vector<16xf32>
          %mul3A_301 = arith.mulf %get3A_292, %mul3A_300 : vector<16xf32>
          %convert_element_type3A_302 = arith.fptosi %mul3A_301 : vector<16xf32> to vector<16xi32>
          %min3A_303 = arith.constant 4095 : i32
          %min3A_304 = vector.broadcast %min3A_303 : i32 to vector<16xi32>
          %min3A_305 = arith.minsi %convert_element_type3A_302, %min3A_304 : vector<16xi32>
          %gather3A_306 = tpu.vector_load_idx %arg9[%min3A_305] : memref<4112xf32, #tpu.memory_space<vmem>>[vector<16xi32>], vector<16xf32>,
          %mul3A_307 = arith.mulf %gather3A_295, %gather3A_298 : vector<16xf32>
          %mul3A_308 = arith.mulf %mul3A_307, %gather3A_306 : vector<16xf32>
          %swap3A_309 = arith.index_cast %add3A_288 : i32 to index
          %swap3A_310 = tpu.vector_load %arg24[%swap3A_309] {strides = array<i32>} : memref<400xf32, #tpu.memory_space<vmem>>, vector<16xf32>,
          tpu.vector_store %arg24[%swap3A_309], %mul3A_308 {strides = array<i32>} : memref<400xf32, #tpu.memory_space<vmem>>, vector<16xf32>,
          %add3A_311 = arith.constant 32 : i32
          %add3A_312 = arith.addi %mul3A_266, %add3A_311 : i32
          %add3A_313 = arith.constant 0 : i32
          %add3A_314 = arith.addi %add3A_313, %add3A_312 : i32
          %get3A_315 = arith.index_cast %add3A_314 : i32 to index
          %get3A_316 = tpu.vector_load %arg12[%get3A_315] {strides = array<i32>} : memref<800xf32, #tpu.memory_space<vmem>>, vector<16xf32>,
          %get3A_317 = arith.index_cast %add3A_312 : i32 to index
          %get3A_318 = tpu.vector_load %arg15[%get3A_317] {strides = array<i32>} : memref<400xi32, #tpu.memory_space<vmem>>, vector<16xi32>,
          %gather3A_319 = tpu.vector_load_idx %arg8[%get3A_318] : memref<100000xf32, #tpu.memory_space<vmem>>[vector<16xi32>], vector<16xf32>,
          %get3A_320 = arith.index_cast %add3A_314 : i32 to index
          %get3A_321 = tpu.vector_load %arg21[%get3A_320] {strides = array<i32>} : memref<800xi32, #tpu.memory_space<vmem>>, vector<16xi32>,
          %gather3A_322 = tpu.vector_load_idx %arg8[%get3A_321] : memref<100000xf32, #tpu.memory_space<vmem>>[vector<16xi32>], vector<16xf32>,
          %mul3A_323 = arith.constant 290.909088 : f32
          %mul3A_324 = vector.broadcast %mul3A_323 : f32 to vector<16xf32>
          %mul3A_325 = arith.mulf %get3A_316, %mul3A_324 : vector<16xf32>
          %convert_element_type3A_326 = arith.fptosi %mul3A_325 : vector<16xf32> to vector<16xi32>
          %min3A_327 = arith.constant 4095 : i32
          %min3A_328 = vector.broadcast %min3A_327 : i32 to vector<16xi32>
          %min3A_329 = arith.minsi %convert_element_type3A_326, %min3A_328 : vector<16xi32>
          %gather3A_330 = tpu.vector_load_idx %arg9[%min3A_329] : memref<4112xf32, #tpu.memory_space<vmem>>[vector<16xi32>], vector<16xf32>,
          %mul3A_331 = arith.mulf %gather3A_319, %gather3A_322 : vector<16xf32>
          %mul3A_332 = arith.mulf %mul3A_331, %gather3A_330 : vector<16xf32>
          %swap3A_333 = arith.index_cast %add3A_312 : i32 to index
          %swap3A_334 = tpu.vector_load %arg24[%swap3A_333] {strides = array<i32>} : memref<400xf32, #tpu.memory_space<vmem>>, vector<16xf32>,
          tpu.vector_store %arg24[%swap3A_333], %mul3A_332 {strides = array<i32>} : memref<400xf32, #tpu.memory_space<vmem>>, vector<16xf32>,
          %add3A_335 = arith.constant 48 : i32
          %add3A_336 = arith.addi %mul3A_266, %add3A_335 : i32
          %add3A_337 = arith.constant 0 : i32
          %add3A_338 = arith.addi %add3A_337, %add3A_336 : i32
          %get3A_339 = arith.index_cast %add3A_338 : i32 to index
          %get3A_340 = tpu.vector_load %arg12[%get3A_339] {strides = array<i32>} : memref<800xf32, #tpu.memory_space<vmem>>, vector<16xf32>,
          %get3A_341 = arith.index_cast %add3A_336 : i32 to index
          %get3A_342 = tpu.vector_load %arg15[%get3A_341] {strides = array<i32>} : memref<400xi32, #tpu.memory_space<vmem>>, vector<16xi32>,
          %gather3A_343 = tpu.vector_load_idx %arg8[%get3A_342] : memref<100000xf32, #tpu.memory_space<vmem>>[vector<16xi32>], vector<16xf32>,
          %get3A_344 = arith.index_cast %add3A_338 : i32 to index
          %get3A_345 = tpu.vector_load %arg21[%get3A_344] {strides = array<i32>} : memref<800xi32, #tpu.memory_space<vmem>>, vector<16xi32>,
          %gather3A_346 = tpu.vector_load_idx %arg8[%get3A_345] : memref<100000xf32, #tpu.memory_space<vmem>>[vector<16xi32>], vector<16xf32>,
          %mul3A_347 = arith.constant 290.909088 : f32
          %mul3A_348 = vector.broadcast %mul3A_347 : f32 to vector<16xf32>
          %mul3A_349 = arith.mulf %get3A_340, %mul3A_348 : vector<16xf32>
          %convert_element_type3A_350 = arith.fptosi %mul3A_349 : vector<16xf32> to vector<16xi32>
          %min3A_351 = arith.constant 4095 : i32
          %min3A_352 = vector.broadcast %min3A_351 : i32 to vector<16xi32>
          %min3A_353 = arith.minsi %convert_element_type3A_350, %min3A_352 : vector<16xi32>
          %gather3A_354 = tpu.vector_load_idx %arg9[%min3A_353] : memref<4112xf32, #tpu.memory_space<vmem>>[vector<16xi32>], vector<16xf32>,
          %mul3A_355 = arith.mulf %gather3A_343, %gather3A_346 : vector<16xf32>
          %mul3A_356 = arith.mulf %mul3A_355, %gather3A_354 : vector<16xf32>
          %swap3A_357 = arith.index_cast %add3A_336 : i32 to index
          %swap3A_358 = tpu.vector_load %arg24[%swap3A_357] {strides = array<i32>} : memref<400xf32, #tpu.memory_space<vmem>>, vector<16xf32>,
          tpu.vector_store %arg24[%swap3A_357], %mul3A_356 {strides = array<i32>} : memref<400xf32, #tpu.memory_space<vmem>>, vector<16xf32>,
          %scan3A_359 = arith.constant 0 : i32
          scf.yield %scan3A_359 : i32
        }
        %scan3A_251 = arith.constant 6 : i32
        %dma_start3A_252 = arith.constant 0 : i32
        %dma_start3A_253 = tpu.memref_slice %arg28[%dma_start3A_252] : memref<100352xf32, #tpu.memory_space<vmem_shared>> -> memref<100352xf32, #tpu.memory_space<vmem_shared>>
        tpu.enqueue_indirect_dma source(%arg24 : memref<400xf32, #tpu.memory_space<vmem>>) target(%dma_start3A_253 : memref<100352xf32, #tpu.memory_space<vmem_shared>>) offsets(%arg15 : memref<400xi32, #tpu.memory_space<vmem>>) semaphore(%arg34 : memref<!tpu.dma_semaphore, #tpu.memory_space<semaphore_mem>>) {add = true}
        %scan3A_254 = arith.constant 0 : i32
        %scan3A_255 = arith.constant 0 : i32
        %scan3A_256 = arith.constant 6 : i32
        %scan3A_257 = arith.addi %scan3A_255, %scan3A_256 : i32
        %scan3A_258 = arith.constant 1 : i32
        %scan3A_259 = scf.for %scan3A_263 = %scan3A_255 to %scan3A_257 step %scan3A_258 iter_args(%scan3A_264 = %scan3A_254) -> (i32)  : i32 {
          %mul3A_265 = arith.constant 64 : i32
          %mul3A_266 = arith.muli %scan3A_263, %mul3A_265 : i32
          %add3A_267 = arith.constant 0 : i32
          %add3A_268 = arith.addi %mul3A_266, %add3A_267 : i32
          %add3A_269 = arith.constant 400 : i32
          %add3A_270 = arith.addi %add3A_269, %add3A_268 : i32
          %get3A = arith.index_cast %add3A_270 : i32 to index
          %get3A_271 = tpu.vector_load %arg12[%get3A] {strides = array<i32>} : memref<800xf32, #tpu.memory_space<vmem>>, vector<16xf32>,
          %get3A_272 = arith.index_cast %add3A_268 : i32 to index
          %get3A_273 = tpu.vector_load %arg18[%get3A_272] {strides = array<i32>} : memref<400xi32, #tpu.memory_space<vmem>>, vector<16xi32>,
          %gather3A = tpu.vector_load_idx %arg8[%get3A_273] : memref<100000xf32, #tpu.memory_space<vmem>>[vector<16xi32>], vector<16xf32>,
          %get3A_274 = arith.index_cast %add3A_270 : i32 to index
          %get3A_275 = tpu.vector_load %arg21[%get3A_274] {strides = array<i32>} : memref<800xi32, #tpu.memory_space<vmem>>, vector<16xi32>,
          %gather3A_276 = tpu.vector_load_idx %arg8[%get3A_275] : memref<100000xf32, #tpu.memory_space<vmem>>[vector<16xi32>], vector<16xf32>,
          %mul3A_277 = arith.constant 290.909088 : f32
          %mul3A_278 = vector.broadcast %mul3A_277 : f32 to vector<16xf32>
          %mul3A_279 = arith.mulf %get3A_271, %mul3A_278 : vector<16xf32>
          %convert_element_type3A_280 = arith.fptosi %mul3A_279 : vector<16xf32> to vector<16xi32>
          %min3A = arith.constant 4095 : i32
          %min3A_281 = vector.broadcast %min3A : i32 to vector<16xi32>
          %min3A_282 = arith.minsi %convert_element_type3A_280, %min3A_281 : vector<16xi32>
          %gather3A_283 = tpu.vector_load_idx %arg9[%min3A_282] : memref<4112xf32, #tpu.memory_space<vmem>>[vector<16xi32>], vector<16xf32>,
          %mul3A_284 = arith.mulf %gather3A, %gather3A_276 : vector<16xf32>
          %mul3A_285 = arith.mulf %mul3A_284, %gather3A_283 : vector<16xf32>
          %swap3A = arith.index_cast %add3A_268 : i32 to index
          %swap3A_286 = tpu.vector_load %arg27[%swap3A] {strides = array<i32>} : memref<400xf32, #tpu.memory_space<vmem>>, vector<16xf32>,
          tpu.vector_store %arg27[%swap3A], %mul3A_285 {strides = array<i32>} : memref<400xf32, #tpu.memory_space<vmem>>, vector<16xf32>,
          %add3A_287 = arith.constant 16 : i32
          %add3A_288 = arith.addi %mul3A_266, %add3A_287 : i32
          %add3A_289 = arith.constant 400 : i32
          %add3A_290 = arith.addi %add3A_289, %add3A_288 : i32
          %get3A_291 = arith.index_cast %add3A_290 : i32 to index
          %get3A_292 = tpu.vector_load %arg12[%get3A_291] {strides = array<i32>} : memref<800xf32, #tpu.memory_space<vmem>>, vector<16xf32>,
          %get3A_293 = arith.index_cast %add3A_288 : i32 to index
          %get3A_294 = tpu.vector_load %arg18[%get3A_293] {strides = array<i32>} : memref<400xi32, #tpu.memory_space<vmem>>, vector<16xi32>,
          %gather3A_295 = tpu.vector_load_idx %arg8[%get3A_294] : memref<100000xf32, #tpu.memory_space<vmem>>[vector<16xi32>], vector<16xf32>,
          %get3A_296 = arith.index_cast %add3A_290 : i32 to index
          %get3A_297 = tpu.vector_load %arg21[%get3A_296] {strides = array<i32>} : memref<800xi32, #tpu.memory_space<vmem>>, vector<16xi32>,
          %gather3A_298 = tpu.vector_load_idx %arg8[%get3A_297] : memref<100000xf32, #tpu.memory_space<vmem>>[vector<16xi32>], vector<16xf32>,
          %mul3A_299 = arith.constant 290.909088 : f32
          %mul3A_300 = vector.broadcast %mul3A_299 : f32 to vector<16xf32>
          %mul3A_301 = arith.mulf %get3A_292, %mul3A_300 : vector<16xf32>
          %convert_element_type3A_302 = arith.fptosi %mul3A_301 : vector<16xf32> to vector<16xi32>
          %min3A_303 = arith.constant 4095 : i32
          %min3A_304 = vector.broadcast %min3A_303 : i32 to vector<16xi32>
          %min3A_305 = arith.minsi %convert_element_type3A_302, %min3A_304 : vector<16xi32>
          %gather3A_306 = tpu.vector_load_idx %arg9[%min3A_305] : memref<4112xf32, #tpu.memory_space<vmem>>[vector<16xi32>], vector<16xf32>,
          %mul3A_307 = arith.mulf %gather3A_295, %gather3A_298 : vector<16xf32>
          %mul3A_308 = arith.mulf %mul3A_307, %gather3A_306 : vector<16xf32>
          %swap3A_309 = arith.index_cast %add3A_288 : i32 to index
          %swap3A_310 = tpu.vector_load %arg27[%swap3A_309] {strides = array<i32>} : memref<400xf32, #tpu.memory_space<vmem>>, vector<16xf32>,
          tpu.vector_store %arg27[%swap3A_309], %mul3A_308 {strides = array<i32>} : memref<400xf32, #tpu.memory_space<vmem>>, vector<16xf32>,
          %add3A_311 = arith.constant 32 : i32
          %add3A_312 = arith.addi %mul3A_266, %add3A_311 : i32
          %add3A_313 = arith.constant 400 : i32
          %add3A_314 = arith.addi %add3A_313, %add3A_312 : i32
          %get3A_315 = arith.index_cast %add3A_314 : i32 to index
          %get3A_316 = tpu.vector_load %arg12[%get3A_315] {strides = array<i32>} : memref<800xf32, #tpu.memory_space<vmem>>, vector<16xf32>,
          %get3A_317 = arith.index_cast %add3A_312 : i32 to index
          %get3A_318 = tpu.vector_load %arg18[%get3A_317] {strides = array<i32>} : memref<400xi32, #tpu.memory_space<vmem>>, vector<16xi32>,
          %gather3A_319 = tpu.vector_load_idx %arg8[%get3A_318] : memref<100000xf32, #tpu.memory_space<vmem>>[vector<16xi32>], vector<16xf32>,
          %get3A_320 = arith.index_cast %add3A_314 : i32 to index
          %get3A_321 = tpu.vector_load %arg21[%get3A_320] {strides = array<i32>} : memref<800xi32, #tpu.memory_space<vmem>>, vector<16xi32>,
          %gather3A_322 = tpu.vector_load_idx %arg8[%get3A_321] : memref<100000xf32, #tpu.memory_space<vmem>>[vector<16xi32>], vector<16xf32>,
          %mul3A_323 = arith.constant 290.909088 : f32
          %mul3A_324 = vector.broadcast %mul3A_323 : f32 to vector<16xf32>
          %mul3A_325 = arith.mulf %get3A_316, %mul3A_324 : vector<16xf32>
          %convert_element_type3A_326 = arith.fptosi %mul3A_325 : vector<16xf32> to vector<16xi32>
          %min3A_327 = arith.constant 4095 : i32
          %min3A_328 = vector.broadcast %min3A_327 : i32 to vector<16xi32>
          %min3A_329 = arith.minsi %convert_element_type3A_326, %min3A_328 : vector<16xi32>
          %gather3A_330 = tpu.vector_load_idx %arg9[%min3A_329] : memref<4112xf32, #tpu.memory_space<vmem>>[vector<16xi32>], vector<16xf32>,
          %mul3A_331 = arith.mulf %gather3A_319, %gather3A_322 : vector<16xf32>
          %mul3A_332 = arith.mulf %mul3A_331, %gather3A_330 : vector<16xf32>
          %swap3A_333 = arith.index_cast %add3A_312 : i32 to index
          %swap3A_334 = tpu.vector_load %arg27[%swap3A_333] {strides = array<i32>} : memref<400xf32, #tpu.memory_space<vmem>>, vector<16xf32>,
          tpu.vector_store %arg27[%swap3A_333], %mul3A_332 {strides = array<i32>} : memref<400xf32, #tpu.memory_space<vmem>>, vector<16xf32>,
          %add3A_335 = arith.constant 48 : i32
          %add3A_336 = arith.addi %mul3A_266, %add3A_335 : i32
          %add3A_337 = arith.constant 400 : i32
          %add3A_338 = arith.addi %add3A_337, %add3A_336 : i32
          %get3A_339 = arith.index_cast %add3A_338 : i32 to index
          %get3A_340 = tpu.vector_load %arg12[%get3A_339] {strides = array<i32>} : memref<800xf32, #tpu.memory_space<vmem>>, vector<16xf32>,
          %get3A_341 = arith.index_cast %add3A_336 : i32 to index
          %get3A_342 = tpu.vector_load %arg18[%get3A_341] {strides = array<i32>} : memref<400xi32, #tpu.memory_space<vmem>>, vector<16xi32>,
          %gather3A_343 = tpu.vector_load_idx %arg8[%get3A_342] : memref<100000xf32, #tpu.memory_space<vmem>>[vector<16xi32>], vector<16xf32>,
          %get3A_344 = arith.index_cast %add3A_338 : i32 to index
          %get3A_345 = tpu.vector_load %arg21[%get3A_344] {strides = array<i32>} : memref<800xi32, #tpu.memory_space<vmem>>, vector<16xi32>,
          %gather3A_346 = tpu.vector_load_idx %arg8[%get3A_345] : memref<100000xf32, #tpu.memory_space<vmem>>[vector<16xi32>], vector<16xf32>,
          %mul3A_347 = arith.constant 290.909088 : f32
          %mul3A_348 = vector.broadcast %mul3A_347 : f32 to vector<16xf32>
          %mul3A_349 = arith.mulf %get3A_340, %mul3A_348 : vector<16xf32>
          %convert_element_type3A_350 = arith.fptosi %mul3A_349 : vector<16xf32> to vector<16xi32>
          %min3A_351 = arith.constant 4095 : i32
          %min3A_352 = vector.broadcast %min3A_351 : i32 to vector<16xi32>
          %min3A_353 = arith.minsi %convert_element_type3A_350, %min3A_352 : vector<16xi32>
          %gather3A_354 = tpu.vector_load_idx %arg9[%min3A_353] : memref<4112xf32, #tpu.memory_space<vmem>>[vector<16xi32>], vector<16xf32>,
          %mul3A_355 = arith.mulf %gather3A_343, %gather3A_346 : vector<16xf32>
          %mul3A_356 = arith.mulf %mul3A_355, %gather3A_354 : vector<16xf32>
          %swap3A_357 = arith.index_cast %add3A_336 : i32 to index
          %swap3A_358 = tpu.vector_load %arg27[%swap3A_357] {strides = array<i32>} : memref<400xf32, #tpu.memory_space<vmem>>, vector<16xf32>,
          tpu.vector_store %arg27[%swap3A_357], %mul3A_356 {strides = array<i32>} : memref<400xf32, #tpu.memory_space<vmem>>, vector<16xf32>,
          %scan3A_359 = arith.constant 0 : i32
          scf.yield %scan3A_359 : i32
        }
        %scan3A_260 = arith.constant 6 : i32
        %dma_start3A_261 = arith.constant 0 : i32
        %dma_start3A_262 = tpu.memref_slice %arg28[%dma_start3A_261] : memref<100352xf32, #tpu.memory_space<vmem_shared>> -> memref<100352xf32, #tpu.memory_space<vmem_shared>>
        tpu.enqueue_indirect_dma source(%arg27 : memref<400xf32, #tpu.memory_space<vmem>>) target(%dma_start3A_262 : memref<100352xf32, #tpu.memory_space<vmem_shared>>) offsets(%arg18 : memref<400xi32, #tpu.memory_space<vmem>>) semaphore(%arg34 : memref<!tpu.dma_semaphore, #tpu.memory_space<semaphore_mem>>) {add = true}
      } else {
      }
      %scan3A_229 = arith.constant 0 : i32
      scf.yield %scan3A_229 : i32
    }
    %scan3A_65 = arith.constant 84 : i32
    %barrier3A_66 = arith.constant 0 : index
    tpu.barrier barrier_id(%barrier3A_66)
    %add3A_67 = arith.constant 0 : i32
    %add3A_68 = arith.addi %mul3A_42, %add3A_67 : i32
    "tpu.region"() ({
      %run_scoped3A = tpu.sem_alloc : memref<!tpu.dma_semaphore, #tpu.memory_space<semaphore_mem>>
      %dma_start3A_160 = arith.constant 0 : i32
      %dma_start3A_161 = tpu.memref_slice %arg10[%dma_start3A_160] : memref<800xf32, #tpu.memory_space<vmem>> -> memref<800xf32, #tpu.memory_space<vmem>>
      %dma_start3A_162 = tpu.memref_slice %arg28[%add3A_68] : memref<100352xf32, #tpu.memory_space<vmem_shared>> -> memref<800xf32, #tpu.memory_space<vmem_shared>>
      %dma_start3A_163 = arith.constant 0 : i32
      %dma_start3A_164 = tpu.memref_slice %arg10[%dma_start3A_163] : memref<800xf32, #tpu.memory_space<vmem>> -> memref<800xf32, #tpu.memory_space<vmem>>
      %dma_start3A_165 = tpu.memref_slice %arg28[%add3A_68] : memref<100352xf32, #tpu.memory_space<vmem_shared>> -> memref<800xf32, #tpu.memory_space<vmem_shared>>
      tpu.enqueue_dma source(%dma_start3A_165 : memref<800xf32, #tpu.memory_space<vmem_shared>>) target(%dma_start3A_164 : memref<800xf32, #tpu.memory_space<vmem>>) target_semaphore(%run_scoped3A : memref<!tpu.dma_semaphore, #tpu.memory_space<semaphore_mem>>)
      %dma_wait3A = arith.constant 0 : i32
      %dma_wait3A_166 = tpu.memref_slice %arg10[%dma_wait3A] : memref<800xf32, #tpu.memory_space<vmem>> -> memref<800xf32, #tpu.memory_space<vmem>>
      %dma_wait3A_167 = tpu.memref_slice %arg28[%add3A_68] : memref<100352xf32, #tpu.memory_space<vmem_shared>> -> memref<800xf32, #tpu.memory_space<vmem_shared>>
      %dma_wait3A_168 = arith.constant 0 : i32
      %dma_wait3A_169 = tpu.memref_slice %arg10[%dma_wait3A_168] : memref<800xf32, #tpu.memory_space<vmem>> -> memref<800xf32, #tpu.memory_space<vmem>>
      %dma_wait3A_170 = tpu.memref_slice %arg28[%add3A_68] : memref<100352xf32, #tpu.memory_space<vmem_shared>> -> memref<800xf32, #tpu.memory_space<vmem_shared>>
      tpu.wait_dma2 semaphore(%run_scoped3A : memref<!tpu.dma_semaphore, #tpu.memory_space<semaphore_mem>>) src(%dma_wait3A_170 : memref<800xf32, #tpu.memory_space<vmem_shared>>) dst(%dma_wait3A_169 : memref<800xf32, #tpu.memory_space<vmem>>)
      tpu.yield
    }) : () -> ()
    %eq3A = arith.constant 0 : i32
    %eq3A_69 = arith.cmpi eq, %arg0, %eq3A : i32
    %convert_element_type3A = arith.extui %eq3A_69 : i1 to i32
    %cond3A = arith.constant 0 : i32
    %cond3A_70 = arith.cmpi ne, %convert_element_type3A, %cond3A : i32
    scf.if %cond3A_70 {
      "tpu.region"() ({
        %run_scoped3A = tpu.sem_alloc : memref<!tpu.dma_semaphore, #tpu.memory_space<semaphore_mem>>
        %dma_start3A_160 = arith.constant 0 : i32
        %dma_start3A_161 = tpu.memref_slice %arg10[%dma_start3A_160] : memref<800xf32, #tpu.memory_space<vmem>> -> memref<800xf32, #tpu.memory_space<vmem>>
        %dma_start3A_162 = tpu.memref_slice %arg6[%add3A_68] : memref<100352xf32, #tpu.memory_space<hbm>> -> memref<800xf32, #tpu.memory_space<hbm>>
        %dma_start3A_163 = tpu.memref_slice %arg6[%add3A_68] : memref<100352xf32, #tpu.memory_space<hbm>> -> memref<800xf32, #tpu.memory_space<hbm>>
        %dma_start3A_164 = arith.constant 0 : i32
        %dma_start3A_165 = tpu.memref_slice %arg10[%dma_start3A_164] : memref<800xf32, #tpu.memory_space<vmem>> -> memref<800xf32, #tpu.memory_space<vmem>>
        tpu.enqueue_dma source(%dma_start3A_165 : memref<800xf32, #tpu.memory_space<vmem>>) target(%dma_start3A_163 : memref<800xf32, #tpu.memory_space<hbm>>) target_semaphore(%run_scoped3A : memref<!tpu.dma_semaphore, #tpu.memory_space<semaphore_mem>>)
        %dma_wait3A = arith.constant 0 : i32
        %dma_wait3A_166 = tpu.memref_slice %arg10[%dma_wait3A] : memref<800xf32, #tpu.memory_space<vmem>> -> memref<800xf32, #tpu.memory_space<vmem>>
        %dma_wait3A_167 = tpu.memref_slice %arg6[%add3A_68] : memref<100352xf32, #tpu.memory_space<hbm>> -> memref<800xf32, #tpu.memory_space<hbm>>
        %dma_wait3A_168 = tpu.memref_slice %arg6[%add3A_68] : memref<100352xf32, #tpu.memory_space<hbm>> -> memref<800xf32, #tpu.memory_space<hbm>>
        %dma_wait3A_169 = arith.constant 0 : i32
        %dma_wait3A_170 = tpu.memref_slice %arg10[%dma_wait3A_169] : memref<800xf32, #tpu.memory_space<vmem>> -> memref<800xf32, #tpu.memory_space<vmem>>
        tpu.wait_dma2 semaphore(%run_scoped3A : memref<!tpu.dma_semaphore, #tpu.memory_space<semaphore_mem>>) src(%dma_wait3A_170 : memref<800xf32, #tpu.memory_space<vmem>>) dst(%dma_wait3A_168 : memref<800xf32, #tpu.memory_space<hbm>>)
        tpu.yield
      }) : () -> ()
    } else {
    }
    %eq3A_71 = arith.constant 1 : i32
    %eq3A_72 = arith.cmpi eq, %arg0, %eq3A_71 : i32
    %convert_element_type3A_73 = arith.extui %eq3A_72 : i1 to i32
    %cond3A_74 = arith.constant 0 : i32
    %cond3A_75 = arith.cmpi ne, %convert_element_type3A_73, %cond3A_74 : i32
    scf.if %cond3A_75 {
      "tpu.region"() ({
        %run_scoped3A = tpu.sem_alloc : memref<!tpu.dma_semaphore, #tpu.memory_space<semaphore_mem>>
        %dma_start3A_160 = arith.constant 0 : i32
        %dma_start3A_161 = tpu.memref_slice %arg10[%dma_start3A_160] : memref<800xf32, #tpu.memory_space<vmem>> -> memref<800xf32, #tpu.memory_space<vmem>>
        %dma_start3A_162 = tpu.memref_slice %arg7[%add3A_68] : memref<100352xf32, #tpu.memory_space<hbm>> -> memref<800xf32, #tpu.memory_space<hbm>>
        %dma_start3A_163 = tpu.memref_slice %arg7[%add3A_68] : memref<100352xf32, #tpu.memory_space<hbm>> -> memref<800xf32, #tpu.memory_space<hbm>>
        %dma_start3A_164 = arith.constant 0 : i32
        %dma_start3A_165 = tpu.memref_slice %arg10[%dma_start3A_164] : memref<800xf32, #tpu.memory_space<vmem>> -> memref<800xf32, #tpu.memory_space<vmem>>
        tpu.enqueue_dma source(%dma_start3A_165 : memref<800xf32, #tpu.memory_space<vmem>>) target(%dma_start3A_163 : memref<800xf32, #tpu.memory_space<hbm>>) target_semaphore(%run_scoped3A : memref<!tpu.dma_semaphore, #tpu.memory_space<semaphore_mem>>)
        %dma_wait3A = arith.constant 0 : i32
        %dma_wait3A_166 = tpu.memref_slice %arg10[%dma_wait3A] : memref<800xf32, #tpu.memory_space<vmem>> -> memref<800xf32, #tpu.memory_space<vmem>>
        %dma_wait3A_167 = tpu.memref_slice %arg7[%add3A_68] : memref<100352xf32, #tpu.memory_space<hbm>> -> memref<800xf32, #tpu.memory_space<hbm>>
        %dma_wait3A_168 = tpu.memref_slice %arg7[%add3A_68] : memref<100352xf32, #tpu.memory_space<hbm>> -> memref<800xf32, #tpu.memory_space<hbm>>
        %dma_wait3A_169 = arith.constant 0 : i32
        %dma_wait3A_170 = tpu.memref_slice %arg10[%dma_wait3A_169] : memref<800xf32, #tpu.memory_space<vmem>> -> memref<800xf32, #tpu.memory_space<vmem>>
        tpu.wait_dma2 semaphore(%run_scoped3A : memref<!tpu.dma_semaphore, #tpu.memory_space<semaphore_mem>>) src(%dma_wait3A_170 : memref<800xf32, #tpu.memory_space<vmem>>) dst(%dma_wait3A_168 : memref<800xf32, #tpu.memory_space<hbm>>)
        tpu.yield
      }) : () -> ()
    } else {
    }
    %add3A_76 = arith.constant 800 : i32
    %add3A_77 = arith.addi %mul3A_42, %add3A_76 : i32
    "tpu.region"() ({
      %run_scoped3A = tpu.sem_alloc : memref<!tpu.dma_semaphore, #tpu.memory_space<semaphore_mem>>
      %dma_start3A_160 = arith.constant 0 : i32
      %dma_start3A_161 = tpu.memref_slice %arg10[%dma_start3A_160] : memref<800xf32, #tpu.memory_space<vmem>> -> memref<800xf32, #tpu.memory_space<vmem>>
      %dma_start3A_162 = tpu.memref_slice %arg28[%add3A_77] : memref<100352xf32, #tpu.memory_space<vmem_shared>> -> memref<800xf32, #tpu.memory_space<vmem_shared>>
      %dma_start3A_163 = arith.constant 0 : i32
      %dma_start3A_164 = tpu.memref_slice %arg10[%dma_start3A_163] : memref<800xf32, #tpu.memory_space<vmem>> -> memref<800xf32, #tpu.memory_space<vmem>>
      %dma_start3A_165 = tpu.memref_slice %arg28[%add3A_77] : memref<100352xf32, #tpu.memory_space<vmem_shared>> -> memref<800xf32, #tpu.memory_space<vmem_shared>>
      tpu.enqueue_dma source(%dma_start3A_165 : memref<800xf32, #tpu.memory_space<vmem_shared>>) target(%dma_start3A_164 : memref<800xf32, #tpu.memory_space<vmem>>) target_semaphore(%run_scoped3A : memref<!tpu.dma_semaphore, #tpu.memory_space<semaphore_mem>>)
      %dma_wait3A = arith.constant 0 : i32
      %dma_wait3A_166 = tpu.memref_slice %arg10[%dma_wait3A] : memref<800xf32, #tpu.memory_space<vmem>> -> memref<800xf32, #tpu.memory_space<vmem>>
      %dma_wait3A_167 = tpu.memref_slice %arg28[%add3A_77] : memref<100352xf32, #tpu.memory_space<vmem_shared>> -> memref<800xf32, #tpu.memory_space<vmem_shared>>
      %dma_wait3A_168 = arith.constant 0 : i32
      %dma_wait3A_169 = tpu.memref_slice %arg10[%dma_wait3A_168] : memref<800xf32, #tpu.memory_space<vmem>> -> memref<800xf32, #tpu.memory_space<vmem>>
      %dma_wait3A_170 = tpu.memref_slice %arg28[%add3A_77] : memref<100352xf32, #tpu.memory_space<vmem_shared>> -> memref<800xf32, #tpu.memory_space<vmem_shared>>
      tpu.wait_dma2 semaphore(%run_scoped3A : memref<!tpu.dma_semaphore, #tpu.memory_space<semaphore_mem>>) src(%dma_wait3A_170 : memref<800xf32, #tpu.memory_space<vmem_shared>>) dst(%dma_wait3A_169 : memref<800xf32, #tpu.memory_space<vmem>>)
      tpu.yield
    }) : () -> ()
    %eq3A_78 = arith.constant 0 : i32
    %eq3A_79 = arith.cmpi eq, %arg0, %eq3A_78 : i32
    %convert_element_type3A_80 = arith.extui %eq3A_79 : i1 to i32
    %cond3A_81 = arith.constant 0 : i32
    %cond3A_82 = arith.cmpi ne, %convert_element_type3A_80, %cond3A_81 : i32
    scf.if %cond3A_82 {
      "tpu.region"() ({
        %run_scoped3A = tpu.sem_alloc : memref<!tpu.dma_semaphore, #tpu.memory_space<semaphore_mem>>
        %dma_start3A_160 = arith.constant 0 : i32
        %dma_start3A_161 = tpu.memref_slice %arg10[%dma_start3A_160] : memref<800xf32, #tpu.memory_space<vmem>> -> memref<800xf32, #tpu.memory_space<vmem>>
        %dma_start3A_162 = tpu.memref_slice %arg6[%add3A_77] : memref<100352xf32, #tpu.memory_space<hbm>> -> memref<800xf32, #tpu.memory_space<hbm>>
        %dma_start3A_163 = tpu.memref_slice %arg6[%add3A_77] : memref<100352xf32, #tpu.memory_space<hbm>> -> memref<800xf32, #tpu.memory_space<hbm>>
        %dma_start3A_164 = arith.constant 0 : i32
        %dma_start3A_165 = tpu.memref_slice %arg10[%dma_start3A_164] : memref<800xf32, #tpu.memory_space<vmem>> -> memref<800xf32, #tpu.memory_space<vmem>>
        tpu.enqueue_dma source(%dma_start3A_165 : memref<800xf32, #tpu.memory_space<vmem>>) target(%dma_start3A_163 : memref<800xf32, #tpu.memory_space<hbm>>) target_semaphore(%run_scoped3A : memref<!tpu.dma_semaphore, #tpu.memory_space<semaphore_mem>>)
        %dma_wait3A = arith.constant 0 : i32
        %dma_wait3A_166 = tpu.memref_slice %arg10[%dma_wait3A] : memref<800xf32, #tpu.memory_space<vmem>> -> memref<800xf32, #tpu.memory_space<vmem>>
        %dma_wait3A_167 = tpu.memref_slice %arg6[%add3A_77] : memref<100352xf32, #tpu.memory_space<hbm>> -> memref<800xf32, #tpu.memory_space<hbm>>
        %dma_wait3A_168 = tpu.memref_slice %arg6[%add3A_77] : memref<100352xf32, #tpu.memory_space<hbm>> -> memref<800xf32, #tpu.memory_space<hbm>>
        %dma_wait3A_169 = arith.constant 0 : i32
        %dma_wait3A_170 = tpu.memref_slice %arg10[%dma_wait3A_169] : memref<800xf32, #tpu.memory_space<vmem>> -> memref<800xf32, #tpu.memory_space<vmem>>
        tpu.wait_dma2 semaphore(%run_scoped3A : memref<!tpu.dma_semaphore, #tpu.memory_space<semaphore_mem>>) src(%dma_wait3A_170 : memref<800xf32, #tpu.memory_space<vmem>>) dst(%dma_wait3A_168 : memref<800xf32, #tpu.memory_space<hbm>>)
        tpu.yield
      }) : () -> ()
    } else {
    }
    %eq3A_83 = arith.constant 1 : i32
    %eq3A_84 = arith.cmpi eq, %arg0, %eq3A_83 : i32
    %convert_element_type3A_85 = arith.extui %eq3A_84 : i1 to i32
    %cond3A_86 = arith.constant 0 : i32
    %cond3A_87 = arith.cmpi ne, %convert_element_type3A_85, %cond3A_86 : i32
    scf.if %cond3A_87 {
      "tpu.region"() ({
        %run_scoped3A = tpu.sem_alloc : memref<!tpu.dma_semaphore, #tpu.memory_space<semaphore_mem>>
        %dma_start3A_160 = arith.constant 0 : i32
        %dma_start3A_161 = tpu.memref_slice %arg10[%dma_start3A_160] : memref<800xf32, #tpu.memory_space<vmem>> -> memref<800xf32, #tpu.memory_space<vmem>>
        %dma_start3A_162 = tpu.memref_slice %arg7[%add3A_77] : memref<100352xf32, #tpu.memory_space<hbm>> -> memref<800xf32, #tpu.memory_space<hbm>>
        %dma_start3A_163 = tpu.memref_slice %arg7[%add3A_77] : memref<100352xf32, #tpu.memory_space<hbm>> -> memref<800xf32, #tpu.memory_space<hbm>>
        %dma_start3A_164 = arith.constant 0 : i32
        %dma_start3A_165 = tpu.memref_slice %arg10[%dma_start3A_164] : memref<800xf32, #tpu.memory_space<vmem>> -> memref<800xf32, #tpu.memory_space<vmem>>
        tpu.enqueue_dma source(%dma_start3A_165 : memref<800xf32, #tpu.memory_space<vmem>>) target(%dma_start3A_163 : memref<800xf32, #tpu.memory_space<hbm>>) target_semaphore(%run_scoped3A : memref<!tpu.dma_semaphore, #tpu.memory_space<semaphore_mem>>)
        %dma_wait3A = arith.constant 0 : i32
        %dma_wait3A_166 = tpu.memref_slice %arg10[%dma_wait3A] : memref<800xf32, #tpu.memory_space<vmem>> -> memref<800xf32, #tpu.memory_space<vmem>>
        %dma_wait3A_167 = tpu.memref_slice %arg7[%add3A_77] : memref<100352xf32, #tpu.memory_space<hbm>> -> memref<800xf32, #tpu.memory_space<hbm>>
        %dma_wait3A_168 = tpu.memref_slice %arg7[%add3A_77] : memref<100352xf32, #tpu.memory_space<hbm>> -> memref<800xf32, #tpu.memory_space<hbm>>
        %dma_wait3A_169 = arith.constant 0 : i32
        %dma_wait3A_170 = tpu.memref_slice %arg10[%dma_wait3A_169] : memref<800xf32, #tpu.memory_space<vmem>> -> memref<800xf32, #tpu.memory_space<vmem>>
        tpu.wait_dma2 semaphore(%run_scoped3A : memref<!tpu.dma_semaphore, #tpu.memory_space<semaphore_mem>>) src(%dma_wait3A_170 : memref<800xf32, #tpu.memory_space<vmem>>) dst(%dma_wait3A_168 : memref<800xf32, #tpu.memory_space<hbm>>)
        tpu.yield
      }) : () -> ()
    } else {
    }
    %add3A_88 = arith.constant 1600 : i32
    %add3A_89 = arith.addi %mul3A_42, %add3A_88 : i32
    "tpu.region"() ({
      %run_scoped3A = tpu.sem_alloc : memref<!tpu.dma_semaphore, #tpu.memory_space<semaphore_mem>>
      %dma_start3A_160 = arith.constant 0 : i32
      %dma_start3A_161 = tpu.memref_slice %arg10[%dma_start3A_160] : memref<800xf32, #tpu.memory_space<vmem>> -> memref<800xf32, #tpu.memory_space<vmem>>
      %dma_start3A_162 = tpu.memref_slice %arg28[%add3A_89] : memref<100352xf32, #tpu.memory_space<vmem_shared>> -> memref<800xf32, #tpu.memory_space<vmem_shared>>
      %dma_start3A_163 = arith.constant 0 : i32
      %dma_start3A_164 = tpu.memref_slice %arg10[%dma_start3A_163] : memref<800xf32, #tpu.memory_space<vmem>> -> memref<800xf32, #tpu.memory_space<vmem>>
      %dma_start3A_165 = tpu.memref_slice %arg28[%add3A_89] : memref<100352xf32, #tpu.memory_space<vmem_shared>> -> memref<800xf32, #tpu.memory_space<vmem_shared>>
      tpu.enqueue_dma source(%dma_start3A_165 : memref<800xf32, #tpu.memory_space<vmem_shared>>) target(%dma_start3A_164 : memref<800xf32, #tpu.memory_space<vmem>>) target_semaphore(%run_scoped3A : memref<!tpu.dma_semaphore, #tpu.memory_space<semaphore_mem>>)
      %dma_wait3A = arith.constant 0 : i32
      %dma_wait3A_166 = tpu.memref_slice %arg10[%dma_wait3A] : memref<800xf32, #tpu.memory_space<vmem>> -> memref<800xf32, #tpu.memory_space<vmem>>
      %dma_wait3A_167 = tpu.memref_slice %arg28[%add3A_89] : memref<100352xf32, #tpu.memory_space<vmem_shared>> -> memref<800xf32, #tpu.memory_space<vmem_shared>>
      %dma_wait3A_168 = arith.constant 0 : i32
      %dma_wait3A_169 = tpu.memref_slice %arg10[%dma_wait3A_168] : memref<800xf32, #tpu.memory_space<vmem>> -> memref<800xf32, #tpu.memory_space<vmem>>
      %dma_wait3A_170 = tpu.memref_slice %arg28[%add3A_89] : memref<100352xf32, #tpu.memory_space<vmem_shared>> -> memref<800xf32, #tpu.memory_space<vmem_shared>>
      tpu.wait_dma2 semaphore(%run_scoped3A : memref<!tpu.dma_semaphore, #tpu.memory_space<semaphore_mem>>) src(%dma_wait3A_170 : memref<800xf32, #tpu.memory_space<vmem_shared>>) dst(%dma_wait3A_169 : memref<800xf32, #tpu.memory_space<vmem>>)
      tpu.yield
    }) : () -> ()
    %eq3A_90 = arith.constant 0 : i32
    %eq3A_91 = arith.cmpi eq, %arg0, %eq3A_90 : i32
    %convert_element_type3A_92 = arith.extui %eq3A_91 : i1 to i32
    %cond3A_93 = arith.constant 0 : i32
    %cond3A_94 = arith.cmpi ne, %convert_element_type3A_92, %cond3A_93 : i32
    scf.if %cond3A_94 {
      "tpu.region"() ({
        %run_scoped3A = tpu.sem_alloc : memref<!tpu.dma_semaphore, #tpu.memory_space<semaphore_mem>>
        %dma_start3A_160 = arith.constant 0 : i32
        %dma_start3A_161 = tpu.memref_slice %arg10[%dma_start3A_160] : memref<800xf32, #tpu.memory_space<vmem>> -> memref<800xf32, #tpu.memory_space<vmem>>
        %dma_start3A_162 = tpu.memref_slice %arg6[%add3A_89] : memref<100352xf32, #tpu.memory_space<hbm>> -> memref<800xf32, #tpu.memory_space<hbm>>
        %dma_start3A_163 = tpu.memref_slice %arg6[%add3A_89] : memref<100352xf32, #tpu.memory_space<hbm>> -> memref<800xf32, #tpu.memory_space<hbm>>
        %dma_start3A_164 = arith.constant 0 : i32
        %dma_start3A_165 = tpu.memref_slice %arg10[%dma_start3A_164] : memref<800xf32, #tpu.memory_space<vmem>> -> memref<800xf32, #tpu.memory_space<vmem>>
        tpu.enqueue_dma source(%dma_start3A_165 : memref<800xf32, #tpu.memory_space<vmem>>) target(%dma_start3A_163 : memref<800xf32, #tpu.memory_space<hbm>>) target_semaphore(%run_scoped3A : memref<!tpu.dma_semaphore, #tpu.memory_space<semaphore_mem>>)
        %dma_wait3A = arith.constant 0 : i32
        %dma_wait3A_166 = tpu.memref_slice %arg10[%dma_wait3A] : memref<800xf32, #tpu.memory_space<vmem>> -> memref<800xf32, #tpu.memory_space<vmem>>
        %dma_wait3A_167 = tpu.memref_slice %arg6[%add3A_89] : memref<100352xf32, #tpu.memory_space<hbm>> -> memref<800xf32, #tpu.memory_space<hbm>>
        %dma_wait3A_168 = tpu.memref_slice %arg6[%add3A_89] : memref<100352xf32, #tpu.memory_space<hbm>> -> memref<800xf32, #tpu.memory_space<hbm>>
        %dma_wait3A_169 = arith.constant 0 : i32
        %dma_wait3A_170 = tpu.memref_slice %arg10[%dma_wait3A_169] : memref<800xf32, #tpu.memory_space<vmem>> -> memref<800xf32, #tpu.memory_space<vmem>>
        tpu.wait_dma2 semaphore(%run_scoped3A : memref<!tpu.dma_semaphore, #tpu.memory_space<semaphore_mem>>) src(%dma_wait3A_170 : memref<800xf32, #tpu.memory_space<vmem>>) dst(%dma_wait3A_168 : memref<800xf32, #tpu.memory_space<hbm>>)
        tpu.yield
      }) : () -> ()
    } else {
    }
    %eq3A_95 = arith.constant 1 : i32
    %eq3A_96 = arith.cmpi eq, %arg0, %eq3A_95 : i32
    %convert_element_type3A_97 = arith.extui %eq3A_96 : i1 to i32
    %cond3A_98 = arith.constant 0 : i32
    %cond3A_99 = arith.cmpi ne, %convert_element_type3A_97, %cond3A_98 : i32
    scf.if %cond3A_99 {
      "tpu.region"() ({
        %run_scoped3A = tpu.sem_alloc : memref<!tpu.dma_semaphore, #tpu.memory_space<semaphore_mem>>
        %dma_start3A_160 = arith.constant 0 : i32
        %dma_start3A_161 = tpu.memref_slice %arg10[%dma_start3A_160] : memref<800xf32, #tpu.memory_space<vmem>> -> memref<800xf32, #tpu.memory_space<vmem>>
        %dma_start3A_162 = tpu.memref_slice %arg7[%add3A_89] : memref<100352xf32, #tpu.memory_space<hbm>> -> memref<800xf32, #tpu.memory_space<hbm>>
        %dma_start3A_163 = tpu.memref_slice %arg7[%add3A_89] : memref<100352xf32, #tpu.memory_space<hbm>> -> memref<800xf32, #tpu.memory_space<hbm>>
        %dma_start3A_164 = arith.constant 0 : i32
        %dma_start3A_165 = tpu.memref_slice %arg10[%dma_start3A_164] : memref<800xf32, #tpu.memory_space<vmem>> -> memref<800xf32, #tpu.memory_space<vmem>>
        tpu.enqueue_dma source(%dma_start3A_165 : memref<800xf32, #tpu.memory_space<vmem>>) target(%dma_start3A_163 : memref<800xf32, #tpu.memory_space<hbm>>) target_semaphore(%run_scoped3A : memref<!tpu.dma_semaphore, #tpu.memory_space<semaphore_mem>>)
        %dma_wait3A = arith.constant 0 : i32
        %dma_wait3A_166 = tpu.memref_slice %arg10[%dma_wait3A] : memref<800xf32, #tpu.memory_space<vmem>> -> memref<800xf32, #tpu.memory_space<vmem>>
        %dma_wait3A_167 = tpu.memref_slice %arg7[%add3A_89] : memref<100352xf32, #tpu.memory_space<hbm>> -> memref<800xf32, #tpu.memory_space<hbm>>
        %dma_wait3A_168 = tpu.memref_slice %arg7[%add3A_89] : memref<100352xf32, #tpu.memory_space<hbm>> -> memref<800xf32, #tpu.memory_space<hbm>>
        %dma_wait3A_169 = arith.constant 0 : i32
        %dma_wait3A_170 = tpu.memref_slice %arg10[%dma_wait3A_169] : memref<800xf32, #tpu.memory_space<vmem>> -> memref<800xf32, #tpu.memory_space<vmem>>
        tpu.wait_dma2 semaphore(%run_scoped3A : memref<!tpu.dma_semaphore, #tpu.memory_space<semaphore_mem>>) src(%dma_wait3A_170 : memref<800xf32, #tpu.memory_space<vmem>>) dst(%dma_wait3A_168 : memref<800xf32, #tpu.memory_space<hbm>>)
        tpu.yield
      }) : () -> ()
    } else {
    }
    %add3A_100 = arith.constant 2400 : i32
    %add3A_101 = arith.addi %mul3A_42, %add3A_100 : i32
    "tpu.region"() ({
      %run_scoped3A = tpu.sem_alloc : memref<!tpu.dma_semaphore, #tpu.memory_space<semaphore_mem>>
      %dma_start3A_160 = arith.constant 0 : i32
      %dma_start3A_161 = tpu.memref_slice %arg10[%dma_start3A_160] : memref<800xf32, #tpu.memory_space<vmem>> -> memref<800xf32, #tpu.memory_space<vmem>>
      %dma_start3A_162 = tpu.memref_slice %arg28[%add3A_101] : memref<100352xf32, #tpu.memory_space<vmem_shared>> -> memref<800xf32, #tpu.memory_space<vmem_shared>>
      %dma_start3A_163 = arith.constant 0 : i32
      %dma_start3A_164 = tpu.memref_slice %arg10[%dma_start3A_163] : memref<800xf32, #tpu.memory_space<vmem>> -> memref<800xf32, #tpu.memory_space<vmem>>
      %dma_start3A_165 = tpu.memref_slice %arg28[%add3A_101] : memref<100352xf32, #tpu.memory_space<vmem_shared>> -> memref<800xf32, #tpu.memory_space<vmem_shared>>
      tpu.enqueue_dma source(%dma_start3A_165 : memref<800xf32, #tpu.memory_space<vmem_shared>>) target(%dma_start3A_164 : memref<800xf32, #tpu.memory_space<vmem>>) target_semaphore(%run_scoped3A : memref<!tpu.dma_semaphore, #tpu.memory_space<semaphore_mem>>)
      %dma_wait3A = arith.constant 0 : i32
      %dma_wait3A_166 = tpu.memref_slice %arg10[%dma_wait3A] : memref<800xf32, #tpu.memory_space<vmem>> -> memref<800xf32, #tpu.memory_space<vmem>>
      %dma_wait3A_167 = tpu.memref_slice %arg28[%add3A_101] : memref<100352xf32, #tpu.memory_space<vmem_shared>> -> memref<800xf32, #tpu.memory_space<vmem_shared>>
      %dma_wait3A_168 = arith.constant 0 : i32
      %dma_wait3A_169 = tpu.memref_slice %arg10[%dma_wait3A_168] : memref<800xf32, #tpu.memory_space<vmem>> -> memref<800xf32, #tpu.memory_space<vmem>>
      %dma_wait3A_170 = tpu.memref_slice %arg28[%add3A_101] : memref<100352xf32, #tpu.memory_space<vmem_shared>> -> memref<800xf32, #tpu.memory_space<vmem_shared>>
      tpu.wait_dma2 semaphore(%run_scoped3A : memref<!tpu.dma_semaphore, #tpu.memory_space<semaphore_mem>>) src(%dma_wait3A_170 : memref<800xf32, #tpu.memory_space<vmem_shared>>) dst(%dma_wait3A_169 : memref<800xf32, #tpu.memory_space<vmem>>)
      tpu.yield
    }) : () -> ()
    %eq3A_102 = arith.constant 0 : i32
    %eq3A_103 = arith.cmpi eq, %arg0, %eq3A_102 : i32
    %convert_element_type3A_104 = arith.extui %eq3A_103 : i1 to i32
    %cond3A_105 = arith.constant 0 : i32
    %cond3A_106 = arith.cmpi ne, %convert_element_type3A_104, %cond3A_105 : i32
    scf.if %cond3A_106 {
      "tpu.region"() ({
        %run_scoped3A = tpu.sem_alloc : memref<!tpu.dma_semaphore, #tpu.memory_space<semaphore_mem>>
        %dma_start3A_160 = arith.constant 0 : i32
        %dma_start3A_161 = tpu.memref_slice %arg10[%dma_start3A_160] : memref<800xf32, #tpu.memory_space<vmem>> -> memref<800xf32, #tpu.memory_space<vmem>>
        %dma_start3A_162 = tpu.memref_slice %arg6[%add3A_101] : memref<100352xf32, #tpu.memory_space<hbm>> -> memref<800xf32, #tpu.memory_space<hbm>>
        %dma_start3A_163 = tpu.memref_slice %arg6[%add3A_101] : memref<100352xf32, #tpu.memory_space<hbm>> -> memref<800xf32, #tpu.memory_space<hbm>>
        %dma_start3A_164 = arith.constant 0 : i32
        %dma_start3A_165 = tpu.memref_slice %arg10[%dma_start3A_164] : memref<800xf32, #tpu.memory_space<vmem>> -> memref<800xf32, #tpu.memory_space<vmem>>
        tpu.enqueue_dma source(%dma_start3A_165 : memref<800xf32, #tpu.memory_space<vmem>>) target(%dma_start3A_163 : memref<800xf32, #tpu.memory_space<hbm>>) target_semaphore(%run_scoped3A : memref<!tpu.dma_semaphore, #tpu.memory_space<semaphore_mem>>)
        %dma_wait3A = arith.constant 0 : i32
        %dma_wait3A_166 = tpu.memref_slice %arg10[%dma_wait3A] : memref<800xf32, #tpu.memory_space<vmem>> -> memref<800xf32, #tpu.memory_space<vmem>>
        %dma_wait3A_167 = tpu.memref_slice %arg6[%add3A_101] : memref<100352xf32, #tpu.memory_space<hbm>> -> memref<800xf32, #tpu.memory_space<hbm>>
        %dma_wait3A_168 = tpu.memref_slice %arg6[%add3A_101] : memref<100352xf32, #tpu.memory_space<hbm>> -> memref<800xf32, #tpu.memory_space<hbm>>
        %dma_wait3A_169 = arith.constant 0 : i32
        %dma_wait3A_170 = tpu.memref_slice %arg10[%dma_wait3A_169] : memref<800xf32, #tpu.memory_space<vmem>> -> memref<800xf32, #tpu.memory_space<vmem>>
        tpu.wait_dma2 semaphore(%run_scoped3A : memref<!tpu.dma_semaphore, #tpu.memory_space<semaphore_mem>>) src(%dma_wait3A_170 : memref<800xf32, #tpu.memory_space<vmem>>) dst(%dma_wait3A_168 : memref<800xf32, #tpu.memory_space<hbm>>)
        tpu.yield
      }) : () -> ()
    } else {
    }
    %eq3A_107 = arith.constant 1 : i32
    %eq3A_108 = arith.cmpi eq, %arg0, %eq3A_107 : i32
    %convert_element_type3A_109 = arith.extui %eq3A_108 : i1 to i32
    %cond3A_110 = arith.constant 0 : i32
    %cond3A_111 = arith.cmpi ne, %convert_element_type3A_109, %cond3A_110 : i32
    scf.if %cond3A_111 {
      "tpu.region"() ({
        %run_scoped3A = tpu.sem_alloc : memref<!tpu.dma_semaphore, #tpu.memory_space<semaphore_mem>>
        %dma_start3A_160 = arith.constant 0 : i32
        %dma_start3A_161 = tpu.memref_slice %arg10[%dma_start3A_160] : memref<800xf32, #tpu.memory_space<vmem>> -> memref<800xf32, #tpu.memory_space<vmem>>
        %dma_start3A_162 = tpu.memref_slice %arg7[%add3A_101] : memref<100352xf32, #tpu.memory_space<hbm>> -> memref<800xf32, #tpu.memory_space<hbm>>
        %dma_start3A_163 = tpu.memref_slice %arg7[%add3A_101] : memref<100352xf32, #tpu.memory_space<hbm>> -> memref<800xf32, #tpu.memory_space<hbm>>
        %dma_start3A_164 = arith.constant 0 : i32
        %dma_start3A_165 = tpu.memref_slice %arg10[%dma_start3A_164] : memref<800xf32, #tpu.memory_space<vmem>> -> memref<800xf32, #tpu.memory_space<vmem>>
        tpu.enqueue_dma source(%dma_start3A_165 : memref<800xf32, #tpu.memory_space<vmem>>) target(%dma_start3A_163 : memref<800xf32, #tpu.memory_space<hbm>>) target_semaphore(%run_scoped3A : memref<!tpu.dma_semaphore, #tpu.memory_space<semaphore_mem>>)
        %dma_wait3A = arith.constant 0 : i32
        %dma_wait3A_166 = tpu.memref_slice %arg10[%dma_wait3A] : memref<800xf32, #tpu.memory_space<vmem>> -> memref<800xf32, #tpu.memory_space<vmem>>
        %dma_wait3A_167 = tpu.memref_slice %arg7[%add3A_101] : memref<100352xf32, #tpu.memory_space<hbm>> -> memref<800xf32, #tpu.memory_space<hbm>>
        %dma_wait3A_168 = tpu.memref_slice %arg7[%add3A_101] : memref<100352xf32, #tpu.memory_space<hbm>> -> memref<800xf32, #tpu.memory_space<hbm>>
        %dma_wait3A_169 = arith.constant 0 : i32
        %dma_wait3A_170 = tpu.memref_slice %arg10[%dma_wait3A_169] : memref<800xf32, #tpu.memory_space<vmem>> -> memref<800xf32, #tpu.memory_space<vmem>>
        tpu.wait_dma2 semaphore(%run_scoped3A : memref<!tpu.dma_semaphore, #tpu.memory_space<semaphore_mem>>) src(%dma_wait3A_170 : memref<800xf32, #tpu.memory_space<vmem>>) dst(%dma_wait3A_168 : memref<800xf32, #tpu.memory_space<hbm>>)
        tpu.yield
      }) : () -> ()
    } else {
    }
    %add3A_112 = arith.constant 3200 : i32
    %add3A_113 = arith.addi %mul3A_42, %add3A_112 : i32
    "tpu.region"() ({
      %run_scoped3A = tpu.sem_alloc : memref<!tpu.dma_semaphore, #tpu.memory_space<semaphore_mem>>
      %dma_start3A_160 = arith.constant 0 : i32
      %dma_start3A_161 = tpu.memref_slice %arg10[%dma_start3A_160] : memref<800xf32, #tpu.memory_space<vmem>> -> memref<800xf32, #tpu.memory_space<vmem>>
      %dma_start3A_162 = tpu.memref_slice %arg28[%add3A_113] : memref<100352xf32, #tpu.memory_space<vmem_shared>> -> memref<800xf32, #tpu.memory_space<vmem_shared>>
      %dma_start3A_163 = arith.constant 0 : i32
      %dma_start3A_164 = tpu.memref_slice %arg10[%dma_start3A_163] : memref<800xf32, #tpu.memory_space<vmem>> -> memref<800xf32, #tpu.memory_space<vmem>>
      %dma_start3A_165 = tpu.memref_slice %arg28[%add3A_113] : memref<100352xf32, #tpu.memory_space<vmem_shared>> -> memref<800xf32, #tpu.memory_space<vmem_shared>>
      tpu.enqueue_dma source(%dma_start3A_165 : memref<800xf32, #tpu.memory_space<vmem_shared>>) target(%dma_start3A_164 : memref<800xf32, #tpu.memory_space<vmem>>) target_semaphore(%run_scoped3A : memref<!tpu.dma_semaphore, #tpu.memory_space<semaphore_mem>>)
      %dma_wait3A = arith.constant 0 : i32
      %dma_wait3A_166 = tpu.memref_slice %arg10[%dma_wait3A] : memref<800xf32, #tpu.memory_space<vmem>> -> memref<800xf32, #tpu.memory_space<vmem>>
      %dma_wait3A_167 = tpu.memref_slice %arg28[%add3A_113] : memref<100352xf32, #tpu.memory_space<vmem_shared>> -> memref<800xf32, #tpu.memory_space<vmem_shared>>
      %dma_wait3A_168 = arith.constant 0 : i32
      %dma_wait3A_169 = tpu.memref_slice %arg10[%dma_wait3A_168] : memref<800xf32, #tpu.memory_space<vmem>> -> memref<800xf32, #tpu.memory_space<vmem>>
      %dma_wait3A_170 = tpu.memref_slice %arg28[%add3A_113] : memref<100352xf32, #tpu.memory_space<vmem_shared>> -> memref<800xf32, #tpu.memory_space<vmem_shared>>
      tpu.wait_dma2 semaphore(%run_scoped3A : memref<!tpu.dma_semaphore, #tpu.memory_space<semaphore_mem>>) src(%dma_wait3A_170 : memref<800xf32, #tpu.memory_space<vmem_shared>>) dst(%dma_wait3A_169 : memref<800xf32, #tpu.memory_space<vmem>>)
      tpu.yield
    }) : () -> ()
    %eq3A_114 = arith.constant 0 : i32
    %eq3A_115 = arith.cmpi eq, %arg0, %eq3A_114 : i32
    %convert_element_type3A_116 = arith.extui %eq3A_115 : i1 to i32
    %cond3A_117 = arith.constant 0 : i32
    %cond3A_118 = arith.cmpi ne, %convert_element_type3A_116, %cond3A_117 : i32
    scf.if %cond3A_118 {
      "tpu.region"() ({
        %run_scoped3A = tpu.sem_alloc : memref<!tpu.dma_semaphore, #tpu.memory_space<semaphore_mem>>
        %dma_start3A_160 = arith.constant 0 : i32
        %dma_start3A_161 = tpu.memref_slice %arg10[%dma_start3A_160] : memref<800xf32, #tpu.memory_space<vmem>> -> memref<800xf32, #tpu.memory_space<vmem>>
        %dma_start3A_162 = tpu.memref_slice %arg6[%add3A_113] : memref<100352xf32, #tpu.memory_space<hbm>> -> memref<800xf32, #tpu.memory_space<hbm>>
        %dma_start3A_163 = tpu.memref_slice %arg6[%add3A_113] : memref<100352xf32, #tpu.memory_space<hbm>> -> memref<800xf32, #tpu.memory_space<hbm>>
        %dma_start3A_164 = arith.constant 0 : i32
        %dma_start3A_165 = tpu.memref_slice %arg10[%dma_start3A_164] : memref<800xf32, #tpu.memory_space<vmem>> -> memref<800xf32, #tpu.memory_space<vmem>>
        tpu.enqueue_dma source(%dma_start3A_165 : memref<800xf32, #tpu.memory_space<vmem>>) target(%dma_start3A_163 : memref<800xf32, #tpu.memory_space<hbm>>) target_semaphore(%run_scoped3A : memref<!tpu.dma_semaphore, #tpu.memory_space<semaphore_mem>>)
        %dma_wait3A = arith.constant 0 : i32
        %dma_wait3A_166 = tpu.memref_slice %arg10[%dma_wait3A] : memref<800xf32, #tpu.memory_space<vmem>> -> memref<800xf32, #tpu.memory_space<vmem>>
        %dma_wait3A_167 = tpu.memref_slice %arg6[%add3A_113] : memref<100352xf32, #tpu.memory_space<hbm>> -> memref<800xf32, #tpu.memory_space<hbm>>
        %dma_wait3A_168 = tpu.memref_slice %arg6[%add3A_113] : memref<100352xf32, #tpu.memory_space<hbm>> -> memref<800xf32, #tpu.memory_space<hbm>>
        %dma_wait3A_169 = arith.constant 0 : i32
        %dma_wait3A_170 = tpu.memref_slice %arg10[%dma_wait3A_169] : memref<800xf32, #tpu.memory_space<vmem>> -> memref<800xf32, #tpu.memory_space<vmem>>
        tpu.wait_dma2 semaphore(%run_scoped3A : memref<!tpu.dma_semaphore, #tpu.memory_space<semaphore_mem>>) src(%dma_wait3A_170 : memref<800xf32, #tpu.memory_space<vmem>>) dst(%dma_wait3A_168 : memref<800xf32, #tpu.memory_space<hbm>>)
        tpu.yield
      }) : () -> ()
    } else {
    }
    %eq3A_119 = arith.constant 1 : i32
    %eq3A_120 = arith.cmpi eq, %arg0, %eq3A_119 : i32
    %convert_element_type3A_121 = arith.extui %eq3A_120 : i1 to i32
    %cond3A_122 = arith.constant 0 : i32
    %cond3A_123 = arith.cmpi ne, %convert_element_type3A_121, %cond3A_122 : i32
    scf.if %cond3A_123 {
      "tpu.region"() ({
        %run_scoped3A = tpu.sem_alloc : memref<!tpu.dma_semaphore, #tpu.memory_space<semaphore_mem>>
        %dma_start3A_160 = arith.constant 0 : i32
        %dma_start3A_161 = tpu.memref_slice %arg10[%dma_start3A_160] : memref<800xf32, #tpu.memory_space<vmem>> -> memref<800xf32, #tpu.memory_space<vmem>>
        %dma_start3A_162 = tpu.memref_slice %arg7[%add3A_113] : memref<100352xf32, #tpu.memory_space<hbm>> -> memref<800xf32, #tpu.memory_space<hbm>>
        %dma_start3A_163 = tpu.memref_slice %arg7[%add3A_113] : memref<100352xf32, #tpu.memory_space<hbm>> -> memref<800xf32, #tpu.memory_space<hbm>>
        %dma_start3A_164 = arith.constant 0 : i32
        %dma_start3A_165 = tpu.memref_slice %arg10[%dma_start3A_164] : memref<800xf32, #tpu.memory_space<vmem>> -> memref<800xf32, #tpu.memory_space<vmem>>
        tpu.enqueue_dma source(%dma_start3A_165 : memref<800xf32, #tpu.memory_space<vmem>>) target(%dma_start3A_163 : memref<800xf32, #tpu.memory_space<hbm>>) target_semaphore(%run_scoped3A : memref<!tpu.dma_semaphore, #tpu.memory_space<semaphore_mem>>)
        %dma_wait3A = arith.constant 0 : i32
        %dma_wait3A_166 = tpu.memref_slice %arg10[%dma_wait3A] : memref<800xf32, #tpu.memory_space<vmem>> -> memref<800xf32, #tpu.memory_space<vmem>>
        %dma_wait3A_167 = tpu.memref_slice %arg7[%add3A_113] : memref<100352xf32, #tpu.memory_space<hbm>> -> memref<800xf32, #tpu.memory_space<hbm>>
        %dma_wait3A_168 = tpu.memref_slice %arg7[%add3A_113] : memref<100352xf32, #tpu.memory_space<hbm>> -> memref<800xf32, #tpu.memory_space<hbm>>
        %dma_wait3A_169 = arith.constant 0 : i32
        %dma_wait3A_170 = tpu.memref_slice %arg10[%dma_wait3A_169] : memref<800xf32, #tpu.memory_space<vmem>> -> memref<800xf32, #tpu.memory_space<vmem>>
        tpu.wait_dma2 semaphore(%run_scoped3A : memref<!tpu.dma_semaphore, #tpu.memory_space<semaphore_mem>>) src(%dma_wait3A_170 : memref<800xf32, #tpu.memory_space<vmem>>) dst(%dma_wait3A_168 : memref<800xf32, #tpu.memory_space<hbm>>)
        tpu.yield
      }) : () -> ()
    } else {
    }
    %add3A_124 = arith.constant 4000 : i32
    %add3A_125 = arith.addi %mul3A_42, %add3A_124 : i32
    "tpu.region"() ({
      %run_scoped3A = tpu.sem_alloc : memref<!tpu.dma_semaphore, #tpu.memory_space<semaphore_mem>>
      %dma_start3A_160 = arith.constant 0 : i32
      %dma_start3A_161 = tpu.memref_slice %arg10[%dma_start3A_160] : memref<800xf32, #tpu.memory_space<vmem>> -> memref<800xf32, #tpu.memory_space<vmem>>
      %dma_start3A_162 = tpu.memref_slice %arg28[%add3A_125] : memref<100352xf32, #tpu.memory_space<vmem_shared>> -> memref<800xf32, #tpu.memory_space<vmem_shared>>
      %dma_start3A_163 = arith.constant 0 : i32
      %dma_start3A_164 = tpu.memref_slice %arg10[%dma_start3A_163] : memref<800xf32, #tpu.memory_space<vmem>> -> memref<800xf32, #tpu.memory_space<vmem>>
      %dma_start3A_165 = tpu.memref_slice %arg28[%add3A_125] : memref<100352xf32, #tpu.memory_space<vmem_shared>> -> memref<800xf32, #tpu.memory_space<vmem_shared>>
      tpu.enqueue_dma source(%dma_start3A_165 : memref<800xf32, #tpu.memory_space<vmem_shared>>) target(%dma_start3A_164 : memref<800xf32, #tpu.memory_space<vmem>>) target_semaphore(%run_scoped3A : memref<!tpu.dma_semaphore, #tpu.memory_space<semaphore_mem>>)
      %dma_wait3A = arith.constant 0 : i32
      %dma_wait3A_166 = tpu.memref_slice %arg10[%dma_wait3A] : memref<800xf32, #tpu.memory_space<vmem>> -> memref<800xf32, #tpu.memory_space<vmem>>
      %dma_wait3A_167 = tpu.memref_slice %arg28[%add3A_125] : memref<100352xf32, #tpu.memory_space<vmem_shared>> -> memref<800xf32, #tpu.memory_space<vmem_shared>>
      %dma_wait3A_168 = arith.constant 0 : i32
      %dma_wait3A_169 = tpu.memref_slice %arg10[%dma_wait3A_168] : memref<800xf32, #tpu.memory_space<vmem>> -> memref<800xf32, #tpu.memory_space<vmem>>
      %dma_wait3A_170 = tpu.memref_slice %arg28[%add3A_125] : memref<100352xf32, #tpu.memory_space<vmem_shared>> -> memref<800xf32, #tpu.memory_space<vmem_shared>>
      tpu.wait_dma2 semaphore(%run_scoped3A : memref<!tpu.dma_semaphore, #tpu.memory_space<semaphore_mem>>) src(%dma_wait3A_170 : memref<800xf32, #tpu.memory_space<vmem_shared>>) dst(%dma_wait3A_169 : memref<800xf32, #tpu.memory_space<vmem>>)
      tpu.yield
    }) : () -> ()
    %eq3A_126 = arith.constant 0 : i32
    %eq3A_127 = arith.cmpi eq, %arg0, %eq3A_126 : i32
    %convert_element_type3A_128 = arith.extui %eq3A_127 : i1 to i32
    %cond3A_129 = arith.constant 0 : i32
    %cond3A_130 = arith.cmpi ne, %convert_element_type3A_128, %cond3A_129 : i32
    scf.if %cond3A_130 {
      "tpu.region"() ({
        %run_scoped3A = tpu.sem_alloc : memref<!tpu.dma_semaphore, #tpu.memory_space<semaphore_mem>>
        %dma_start3A_160 = arith.constant 0 : i32
        %dma_start3A_161 = tpu.memref_slice %arg10[%dma_start3A_160] : memref<800xf32, #tpu.memory_space<vmem>> -> memref<800xf32, #tpu.memory_space<vmem>>
        %dma_start3A_162 = tpu.memref_slice %arg6[%add3A_125] : memref<100352xf32, #tpu.memory_space<hbm>> -> memref<800xf32, #tpu.memory_space<hbm>>
        %dma_start3A_163 = tpu.memref_slice %arg6[%add3A_125] : memref<100352xf32, #tpu.memory_space<hbm>> -> memref<800xf32, #tpu.memory_space<hbm>>
        %dma_start3A_164 = arith.constant 0 : i32
        %dma_start3A_165 = tpu.memref_slice %arg10[%dma_start3A_164] : memref<800xf32, #tpu.memory_space<vmem>> -> memref<800xf32, #tpu.memory_space<vmem>>
        tpu.enqueue_dma source(%dma_start3A_165 : memref<800xf32, #tpu.memory_space<vmem>>) target(%dma_start3A_163 : memref<800xf32, #tpu.memory_space<hbm>>) target_semaphore(%run_scoped3A : memref<!tpu.dma_semaphore, #tpu.memory_space<semaphore_mem>>)
        %dma_wait3A = arith.constant 0 : i32
        %dma_wait3A_166 = tpu.memref_slice %arg10[%dma_wait3A] : memref<800xf32, #tpu.memory_space<vmem>> -> memref<800xf32, #tpu.memory_space<vmem>>
        %dma_wait3A_167 = tpu.memref_slice %arg6[%add3A_125] : memref<100352xf32, #tpu.memory_space<hbm>> -> memref<800xf32, #tpu.memory_space<hbm>>
        %dma_wait3A_168 = tpu.memref_slice %arg6[%add3A_125] : memref<100352xf32, #tpu.memory_space<hbm>> -> memref<800xf32, #tpu.memory_space<hbm>>
        %dma_wait3A_169 = arith.constant 0 : i32
        %dma_wait3A_170 = tpu.memref_slice %arg10[%dma_wait3A_169] : memref<800xf32, #tpu.memory_space<vmem>> -> memref<800xf32, #tpu.memory_space<vmem>>
        tpu.wait_dma2 semaphore(%run_scoped3A : memref<!tpu.dma_semaphore, #tpu.memory_space<semaphore_mem>>) src(%dma_wait3A_170 : memref<800xf32, #tpu.memory_space<vmem>>) dst(%dma_wait3A_168 : memref<800xf32, #tpu.memory_space<hbm>>)
        tpu.yield
      }) : () -> ()
    } else {
    }
    %eq3A_131 = arith.constant 1 : i32
    %eq3A_132 = arith.cmpi eq, %arg0, %eq3A_131 : i32
    %convert_element_type3A_133 = arith.extui %eq3A_132 : i1 to i32
    %cond3A_134 = arith.constant 0 : i32
    %cond3A_135 = arith.cmpi ne, %convert_element_type3A_133, %cond3A_134 : i32
    scf.if %cond3A_135 {
      "tpu.region"() ({
        %run_scoped3A = tpu.sem_alloc : memref<!tpu.dma_semaphore, #tpu.memory_space<semaphore_mem>>
        %dma_start3A_160 = arith.constant 0 : i32
        %dma_start3A_161 = tpu.memref_slice %arg10[%dma_start3A_160] : memref<800xf32, #tpu.memory_space<vmem>> -> memref<800xf32, #tpu.memory_space<vmem>>
        %dma_start3A_162 = tpu.memref_slice %arg7[%add3A_125] : memref<100352xf32, #tpu.memory_space<hbm>> -> memref<800xf32, #tpu.memory_space<hbm>>
        %dma_start3A_163 = tpu.memref_slice %arg7[%add3A_125] : memref<100352xf32, #tpu.memory_space<hbm>> -> memref<800xf32, #tpu.memory_space<hbm>>
        %dma_start3A_164 = arith.constant 0 : i32
        %dma_start3A_165 = tpu.memref_slice %arg10[%dma_start3A_164] : memref<800xf32, #tpu.memory_space<vmem>> -> memref<800xf32, #tpu.memory_space<vmem>>
        tpu.enqueue_dma source(%dma_start3A_165 : memref<800xf32, #tpu.memory_space<vmem>>) target(%dma_start3A_163 : memref<800xf32, #tpu.memory_space<hbm>>) target_semaphore(%run_scoped3A : memref<!tpu.dma_semaphore, #tpu.memory_space<semaphore_mem>>)
        %dma_wait3A = arith.constant 0 : i32
        %dma_wait3A_166 = tpu.memref_slice %arg10[%dma_wait3A] : memref<800xf32, #tpu.memory_space<vmem>> -> memref<800xf32, #tpu.memory_space<vmem>>
        %dma_wait3A_167 = tpu.memref_slice %arg7[%add3A_125] : memref<100352xf32, #tpu.memory_space<hbm>> -> memref<800xf32, #tpu.memory_space<hbm>>
        %dma_wait3A_168 = tpu.memref_slice %arg7[%add3A_125] : memref<100352xf32, #tpu.memory_space<hbm>> -> memref<800xf32, #tpu.memory_space<hbm>>
        %dma_wait3A_169 = arith.constant 0 : i32
        %dma_wait3A_170 = tpu.memref_slice %arg10[%dma_wait3A_169] : memref<800xf32, #tpu.memory_space<vmem>> -> memref<800xf32, #tpu.memory_space<vmem>>
        tpu.wait_dma2 semaphore(%run_scoped3A : memref<!tpu.dma_semaphore, #tpu.memory_space<semaphore_mem>>) src(%dma_wait3A_170 : memref<800xf32, #tpu.memory_space<vmem>>) dst(%dma_wait3A_168 : memref<800xf32, #tpu.memory_space<hbm>>)
        tpu.yield
      }) : () -> ()
    } else {
    }
    %add3A_136 = arith.constant 4800 : i32
    %add3A_137 = arith.addi %mul3A_42, %add3A_136 : i32
    "tpu.region"() ({
      %run_scoped3A = tpu.sem_alloc : memref<!tpu.dma_semaphore, #tpu.memory_space<semaphore_mem>>
      %dma_start3A_160 = arith.constant 0 : i32
      %dma_start3A_161 = tpu.memref_slice %arg10[%dma_start3A_160] : memref<800xf32, #tpu.memory_space<vmem>> -> memref<800xf32, #tpu.memory_space<vmem>>
      %dma_start3A_162 = tpu.memref_slice %arg28[%add3A_137] : memref<100352xf32, #tpu.memory_space<vmem_shared>> -> memref<800xf32, #tpu.memory_space<vmem_shared>>
      %dma_start3A_163 = arith.constant 0 : i32
      %dma_start3A_164 = tpu.memref_slice %arg10[%dma_start3A_163] : memref<800xf32, #tpu.memory_space<vmem>> -> memref<800xf32, #tpu.memory_space<vmem>>
      %dma_start3A_165 = tpu.memref_slice %arg28[%add3A_137] : memref<100352xf32, #tpu.memory_space<vmem_shared>> -> memref<800xf32, #tpu.memory_space<vmem_shared>>
      tpu.enqueue_dma source(%dma_start3A_165 : memref<800xf32, #tpu.memory_space<vmem_shared>>) target(%dma_start3A_164 : memref<800xf32, #tpu.memory_space<vmem>>) target_semaphore(%run_scoped3A : memref<!tpu.dma_semaphore, #tpu.memory_space<semaphore_mem>>)
      %dma_wait3A = arith.constant 0 : i32
      %dma_wait3A_166 = tpu.memref_slice %arg10[%dma_wait3A] : memref<800xf32, #tpu.memory_space<vmem>> -> memref<800xf32, #tpu.memory_space<vmem>>
      %dma_wait3A_167 = tpu.memref_slice %arg28[%add3A_137] : memref<100352xf32, #tpu.memory_space<vmem_shared>> -> memref<800xf32, #tpu.memory_space<vmem_shared>>
      %dma_wait3A_168 = arith.constant 0 : i32
      %dma_wait3A_169 = tpu.memref_slice %arg10[%dma_wait3A_168] : memref<800xf32, #tpu.memory_space<vmem>> -> memref<800xf32, #tpu.memory_space<vmem>>
      %dma_wait3A_170 = tpu.memref_slice %arg28[%add3A_137] : memref<100352xf32, #tpu.memory_space<vmem_shared>> -> memref<800xf32, #tpu.memory_space<vmem_shared>>
      tpu.wait_dma2 semaphore(%run_scoped3A : memref<!tpu.dma_semaphore, #tpu.memory_space<semaphore_mem>>) src(%dma_wait3A_170 : memref<800xf32, #tpu.memory_space<vmem_shared>>) dst(%dma_wait3A_169 : memref<800xf32, #tpu.memory_space<vmem>>)
      tpu.yield
    }) : () -> ()
    %eq3A_138 = arith.constant 0 : i32
    %eq3A_139 = arith.cmpi eq, %arg0, %eq3A_138 : i32
    %convert_element_type3A_140 = arith.extui %eq3A_139 : i1 to i32
    %cond3A_141 = arith.constant 0 : i32
    %cond3A_142 = arith.cmpi ne, %convert_element_type3A_140, %cond3A_141 : i32
    scf.if %cond3A_142 {
      "tpu.region"() ({
        %run_scoped3A = tpu.sem_alloc : memref<!tpu.dma_semaphore, #tpu.memory_space<semaphore_mem>>
        %dma_start3A_160 = arith.constant 0 : i32
        %dma_start3A_161 = tpu.memref_slice %arg10[%dma_start3A_160] : memref<800xf32, #tpu.memory_space<vmem>> -> memref<800xf32, #tpu.memory_space<vmem>>
        %dma_start3A_162 = tpu.memref_slice %arg6[%add3A_137] : memref<100352xf32, #tpu.memory_space<hbm>> -> memref<800xf32, #tpu.memory_space<hbm>>
        %dma_start3A_163 = tpu.memref_slice %arg6[%add3A_137] : memref<100352xf32, #tpu.memory_space<hbm>> -> memref<800xf32, #tpu.memory_space<hbm>>
        %dma_start3A_164 = arith.constant 0 : i32
        %dma_start3A_165 = tpu.memref_slice %arg10[%dma_start3A_164] : memref<800xf32, #tpu.memory_space<vmem>> -> memref<800xf32, #tpu.memory_space<vmem>>
        tpu.enqueue_dma source(%dma_start3A_165 : memref<800xf32, #tpu.memory_space<vmem>>) target(%dma_start3A_163 : memref<800xf32, #tpu.memory_space<hbm>>) target_semaphore(%run_scoped3A : memref<!tpu.dma_semaphore, #tpu.memory_space<semaphore_mem>>)
        %dma_wait3A = arith.constant 0 : i32
        %dma_wait3A_166 = tpu.memref_slice %arg10[%dma_wait3A] : memref<800xf32, #tpu.memory_space<vmem>> -> memref<800xf32, #tpu.memory_space<vmem>>
        %dma_wait3A_167 = tpu.memref_slice %arg6[%add3A_137] : memref<100352xf32, #tpu.memory_space<hbm>> -> memref<800xf32, #tpu.memory_space<hbm>>
        %dma_wait3A_168 = tpu.memref_slice %arg6[%add3A_137] : memref<100352xf32, #tpu.memory_space<hbm>> -> memref<800xf32, #tpu.memory_space<hbm>>
        %dma_wait3A_169 = arith.constant 0 : i32
        %dma_wait3A_170 = tpu.memref_slice %arg10[%dma_wait3A_169] : memref<800xf32, #tpu.memory_space<vmem>> -> memref<800xf32, #tpu.memory_space<vmem>>
        tpu.wait_dma2 semaphore(%run_scoped3A : memref<!tpu.dma_semaphore, #tpu.memory_space<semaphore_mem>>) src(%dma_wait3A_170 : memref<800xf32, #tpu.memory_space<vmem>>) dst(%dma_wait3A_168 : memref<800xf32, #tpu.memory_space<hbm>>)
        tpu.yield
      }) : () -> ()
    } else {
    }
    %eq3A_143 = arith.constant 1 : i32
    %eq3A_144 = arith.cmpi eq, %arg0, %eq3A_143 : i32
    %convert_element_type3A_145 = arith.extui %eq3A_144 : i1 to i32
    %cond3A_146 = arith.constant 0 : i32
    %cond3A_147 = arith.cmpi ne, %convert_element_type3A_145, %cond3A_146 : i32
    scf.if %cond3A_147 {
      "tpu.region"() ({
        %run_scoped3A = tpu.sem_alloc : memref<!tpu.dma_semaphore, #tpu.memory_space<semaphore_mem>>
        %dma_start3A_160 = arith.constant 0 : i32
        %dma_start3A_161 = tpu.memref_slice %arg10[%dma_start3A_160] : memref<800xf32, #tpu.memory_space<vmem>> -> memref<800xf32, #tpu.memory_space<vmem>>
        %dma_start3A_162 = tpu.memref_slice %arg7[%add3A_137] : memref<100352xf32, #tpu.memory_space<hbm>> -> memref<800xf32, #tpu.memory_space<hbm>>
        %dma_start3A_163 = tpu.memref_slice %arg7[%add3A_137] : memref<100352xf32, #tpu.memory_space<hbm>> -> memref<800xf32, #tpu.memory_space<hbm>>
        %dma_start3A_164 = arith.constant 0 : i32
        %dma_start3A_165 = tpu.memref_slice %arg10[%dma_start3A_164] : memref<800xf32, #tpu.memory_space<vmem>> -> memref<800xf32, #tpu.memory_space<vmem>>
        tpu.enqueue_dma source(%dma_start3A_165 : memref<800xf32, #tpu.memory_space<vmem>>) target(%dma_start3A_163 : memref<800xf32, #tpu.memory_space<hbm>>) target_semaphore(%run_scoped3A : memref<!tpu.dma_semaphore, #tpu.memory_space<semaphore_mem>>)
        %dma_wait3A = arith.constant 0 : i32
        %dma_wait3A_166 = tpu.memref_slice %arg10[%dma_wait3A] : memref<800xf32, #tpu.memory_space<vmem>> -> memref<800xf32, #tpu.memory_space<vmem>>
        %dma_wait3A_167 = tpu.memref_slice %arg7[%add3A_137] : memref<100352xf32, #tpu.memory_space<hbm>> -> memref<800xf32, #tpu.memory_space<hbm>>
        %dma_wait3A_168 = tpu.memref_slice %arg7[%add3A_137] : memref<100352xf32, #tpu.memory_space<hbm>> -> memref<800xf32, #tpu.memory_space<hbm>>
        %dma_wait3A_169 = arith.constant 0 : i32
        %dma_wait3A_170 = tpu.memref_slice %arg10[%dma_wait3A_169] : memref<800xf32, #tpu.memory_space<vmem>> -> memref<800xf32, #tpu.memory_space<vmem>>
        tpu.wait_dma2 semaphore(%run_scoped3A : memref<!tpu.dma_semaphore, #tpu.memory_space<semaphore_mem>>) src(%dma_wait3A_170 : memref<800xf32, #tpu.memory_space<vmem>>) dst(%dma_wait3A_168 : memref<800xf32, #tpu.memory_space<hbm>>)
        tpu.yield
      }) : () -> ()
    } else {
    }
    %add3A_148 = arith.constant 5600 : i32
    %add3A_149 = arith.addi %mul3A_42, %add3A_148 : i32
    "tpu.region"() ({
      %run_scoped3A = tpu.sem_alloc : memref<!tpu.dma_semaphore, #tpu.memory_space<semaphore_mem>>
      %dma_start3A_160 = arith.constant 0 : i32
      %dma_start3A_161 = tpu.memref_slice %arg10[%dma_start3A_160] : memref<800xf32, #tpu.memory_space<vmem>> -> memref<672xf32, #tpu.memory_space<vmem>>
      %dma_start3A_162 = tpu.memref_slice %arg28[%add3A_149] : memref<100352xf32, #tpu.memory_space<vmem_shared>> -> memref<672xf32, #tpu.memory_space<vmem_shared>>
      %dma_start3A_163 = arith.constant 0 : i32
      %dma_start3A_164 = tpu.memref_slice %arg10[%dma_start3A_163] : memref<800xf32, #tpu.memory_space<vmem>> -> memref<672xf32, #tpu.memory_space<vmem>>
      %dma_start3A_165 = tpu.memref_slice %arg28[%add3A_149] : memref<100352xf32, #tpu.memory_space<vmem_shared>> -> memref<672xf32, #tpu.memory_space<vmem_shared>>
      tpu.enqueue_dma source(%dma_start3A_165 : memref<672xf32, #tpu.memory_space<vmem_shared>>) target(%dma_start3A_164 : memref<672xf32, #tpu.memory_space<vmem>>) target_semaphore(%run_scoped3A : memref<!tpu.dma_semaphore, #tpu.memory_space<semaphore_mem>>)
      %dma_wait3A = arith.constant 0 : i32
      %dma_wait3A_166 = tpu.memref_slice %arg10[%dma_wait3A] : memref<800xf32, #tpu.memory_space<vmem>> -> memref<672xf32, #tpu.memory_space<vmem>>
      %dma_wait3A_167 = tpu.memref_slice %arg28[%add3A_149] : memref<100352xf32, #tpu.memory_space<vmem_shared>> -> memref<672xf32, #tpu.memory_space<vmem_shared>>
      %dma_wait3A_168 = arith.constant 0 : i32
      %dma_wait3A_169 = tpu.memref_slice %arg10[%dma_wait3A_168] : memref<800xf32, #tpu.memory_space<vmem>> -> memref<672xf32, #tpu.memory_space<vmem>>
      %dma_wait3A_170 = tpu.memref_slice %arg28[%add3A_149] : memref<100352xf32, #tpu.memory_space<vmem_shared>> -> memref<672xf32, #tpu.memory_space<vmem_shared>>
      tpu.wait_dma2 semaphore(%run_scoped3A : memref<!tpu.dma_semaphore, #tpu.memory_space<semaphore_mem>>) src(%dma_wait3A_170 : memref<672xf32, #tpu.memory_space<vmem_shared>>) dst(%dma_wait3A_169 : memref<672xf32, #tpu.memory_space<vmem>>)
      tpu.yield
    }) : () -> ()
    %eq3A_150 = arith.constant 0 : i32
    %eq3A_151 = arith.cmpi eq, %arg0, %eq3A_150 : i32
    %convert_element_type3A_152 = arith.extui %eq3A_151 : i1 to i32
    %cond3A_153 = arith.constant 0 : i32
    %cond3A_154 = arith.cmpi ne, %convert_element_type3A_152, %cond3A_153 : i32
    scf.if %cond3A_154 {
      "tpu.region"() ({
        %run_scoped3A = tpu.sem_alloc : memref<!tpu.dma_semaphore, #tpu.memory_space<semaphore_mem>>
        %dma_start3A_160 = arith.constant 0 : i32
        %dma_start3A_161 = tpu.memref_slice %arg10[%dma_start3A_160] : memref<800xf32, #tpu.memory_space<vmem>> -> memref<672xf32, #tpu.memory_space<vmem>>
        %dma_start3A_162 = tpu.memref_slice %arg6[%add3A_149] : memref<100352xf32, #tpu.memory_space<hbm>> -> memref<672xf32, #tpu.memory_space<hbm>>
        %dma_start3A_163 = tpu.memref_slice %arg6[%add3A_149] : memref<100352xf32, #tpu.memory_space<hbm>> -> memref<672xf32, #tpu.memory_space<hbm>>
        %dma_start3A_164 = arith.constant 0 : i32
        %dma_start3A_165 = tpu.memref_slice %arg10[%dma_start3A_164] : memref<800xf32, #tpu.memory_space<vmem>> -> memref<672xf32, #tpu.memory_space<vmem>>
        tpu.enqueue_dma source(%dma_start3A_165 : memref<672xf32, #tpu.memory_space<vmem>>) target(%dma_start3A_163 : memref<672xf32, #tpu.memory_space<hbm>>) target_semaphore(%run_scoped3A : memref<!tpu.dma_semaphore, #tpu.memory_space<semaphore_mem>>)
        %dma_wait3A = arith.constant 0 : i32
        %dma_wait3A_166 = tpu.memref_slice %arg10[%dma_wait3A] : memref<800xf32, #tpu.memory_space<vmem>> -> memref<672xf32, #tpu.memory_space<vmem>>
        %dma_wait3A_167 = tpu.memref_slice %arg6[%add3A_149] : memref<100352xf32, #tpu.memory_space<hbm>> -> memref<672xf32, #tpu.memory_space<hbm>>
        %dma_wait3A_168 = tpu.memref_slice %arg6[%add3A_149] : memref<100352xf32, #tpu.memory_space<hbm>> -> memref<672xf32, #tpu.memory_space<hbm>>
        %dma_wait3A_169 = arith.constant 0 : i32
        %dma_wait3A_170 = tpu.memref_slice %arg10[%dma_wait3A_169] : memref<800xf32, #tpu.memory_space<vmem>> -> memref<672xf32, #tpu.memory_space<vmem>>
        tpu.wait_dma2 semaphore(%run_scoped3A : memref<!tpu.dma_semaphore, #tpu.memory_space<semaphore_mem>>) src(%dma_wait3A_170 : memref<672xf32, #tpu.memory_space<vmem>>) dst(%dma_wait3A_168 : memref<672xf32, #tpu.memory_space<hbm>>)
        tpu.yield
      }) : () -> ()
    } else {
    }
    %eq3A_155 = arith.constant 1 : i32
    %eq3A_156 = arith.cmpi eq, %arg0, %eq3A_155 : i32
    %convert_element_type3A_157 = arith.extui %eq3A_156 : i1 to i32
    %cond3A_158 = arith.constant 0 : i32
    %cond3A_159 = arith.cmpi ne, %convert_element_type3A_157, %cond3A_158 : i32
    scf.if %cond3A_159 {
      "tpu.region"() ({
        %run_scoped3A = tpu.sem_alloc : memref<!tpu.dma_semaphore, #tpu.memory_space<semaphore_mem>>
        %dma_start3A_160 = arith.constant 0 : i32
        %dma_start3A_161 = tpu.memref_slice %arg10[%dma_start3A_160] : memref<800xf32, #tpu.memory_space<vmem>> -> memref<672xf32, #tpu.memory_space<vmem>>
        %dma_start3A_162 = tpu.memref_slice %arg7[%add3A_149] : memref<100352xf32, #tpu.memory_space<hbm>> -> memref<672xf32, #tpu.memory_space<hbm>>
        %dma_start3A_163 = tpu.memref_slice %arg7[%add3A_149] : memref<100352xf32, #tpu.memory_space<hbm>> -> memref<672xf32, #tpu.memory_space<hbm>>
        %dma_start3A_164 = arith.constant 0 : i32
        %dma_start3A_165 = tpu.memref_slice %arg10[%dma_start3A_164] : memref<800xf32, #tpu.memory_space<vmem>> -> memref<672xf32, #tpu.memory_space<vmem>>
        tpu.enqueue_dma source(%dma_start3A_165 : memref<672xf32, #tpu.memory_space<vmem>>) target(%dma_start3A_163 : memref<672xf32, #tpu.memory_space<hbm>>) target_semaphore(%run_scoped3A : memref<!tpu.dma_semaphore, #tpu.memory_space<semaphore_mem>>)
        %dma_wait3A = arith.constant 0 : i32
        %dma_wait3A_166 = tpu.memref_slice %arg10[%dma_wait3A] : memref<800xf32, #tpu.memory_space<vmem>> -> memref<672xf32, #tpu.memory_space<vmem>>
        %dma_wait3A_167 = tpu.memref_slice %arg7[%add3A_149] : memref<100352xf32, #tpu.memory_space<hbm>> -> memref<672xf32, #tpu.memory_space<hbm>>
        %dma_wait3A_168 = tpu.memref_slice %arg7[%add3A_149] : memref<100352xf32, #tpu.memory_space<hbm>> -> memref<672xf32, #tpu.memory_space<hbm>>
        %dma_wait3A_169 = arith.constant 0 : i32
        %dma_wait3A_170 = tpu.memref_slice %arg10[%dma_wait3A_169] : memref<800xf32, #tpu.memory_space<vmem>> -> memref<672xf32, #tpu.memory_space<vmem>>
        tpu.wait_dma2 semaphore(%run_scoped3A : memref<!tpu.dma_semaphore, #tpu.memory_space<semaphore_mem>>) src(%dma_wait3A_170 : memref<672xf32, #tpu.memory_space<vmem>>) dst(%dma_wait3A_168 : memref<672xf32, #tpu.memory_space<hbm>>)
        tpu.yield
      }) : () -> ()
    } else {
    }
    return
  }
}

</mosaic_0001>

<sc_bundles>
// kernel: kernel.4.cloned.1.call-start
scs
__scs_entry_jumppad:
0x0: {  	(pc) =	sbr.rel $0x88, $3  }
0x1: {  	(tag) =	ssettag $0x0;
	lr =	simm.s32 $0x1  }
0x2: {  	[smem:$0x3F9D] =	sst lr;
	_ =	strace $0xD0000000  }
0x3: {  	_ = 	snop  }
0x4: {  	_ = 	snop  }
0x5: {  	_ = 	snop  }
0x6: {  	_ = 	snop  }
0x7: {  	_ = 	snop  }
__scs_overlays_trampoline_lowered:
0x8: {  	[smem:$0x3FAC] =	sst s0  }
0x9: {  	[smem:$0x3FAD] =	sst s1  }
0xa: {  	[smem:$0x3FAE] =	sst s2  }
0xb: {  	[smem:$0x3FAF] =	sst s3  }
0xc: {  	[smem:$0x3FB0] =	sst s4  }
0xd: {  	[smem:$0x3FB1] =	sst s5  }
0xe: {  	[smem:$0x3FB2] =	sst s6  }
0xf: {  	[smem:$0x3FB3] =	sst s7  }
0x10: {  	[smem:$0x3FB4] =	sst s8  }
0x11: {  	[smem:$0x3FB5] =	sst s9;
	s0 =	simm.s32 @!p0 $0x0  }
0x12: {  	s1 =	sld [smem:$0x3F9B];
	s0 =	simm.s32 @p0 $0x1  }
0x13: {  	[smem:$0x3FB6] =	sst s0;
	s0 =	simm.s32 @!p1 $0x0  }
0x14: {  	s2 =	sld [smem:$0x3F9A];
	s0 =	simm.s32 @p1 $0x1  }
0x15: {  	[smem:$0x3FB7] =	sst s0;
	s0 =	simm.s32 @!p2 $0x0  }
0x16: {  	s3 =	sld [smem:$0x3FDB];
	s0 =	simm.s32 @p2 $0x1  }
0x17: {  	s4 =	simm.s32 $0x1BF5;
	[smem:$0x3FB9] =	sst s0  }
0x18: {  	s0 =	sld [smem:$0x3F9C];
	_ =	swait.ge [sflag:s4], $0x0  }
0x19: {  	s7 =	sld [smem:$0x3F9D]  }
0x1a: {  	s8 =	sadd.s32 $0xFFFFE003, lr  }
0x1b: {  	s9 =	sadd.s32 $0xFFFFFEF7, lr;
	s5 =	simm.s32 $0xFFFFFFFF;
	p2 =	slt.u32 s8, $0xFFFFF086  }
0x1c: {  	p1 =	slt.u32 s9, $0xF7A;
	s5 =	simm.s32 @!p2 $0x0  }
0x1d: {  	s5 =	simm.s32 @p1 $0x1;
	p0 =	seq.s32 s7, s2  }
0x1e: {  	s7 =	smul.u32 @!p0 $0xF7A, s2;
	p2 =	seq.s32 @!p0 s5, $0x0  }
0x1f: {  	s9 =	smul.u32 $0xF7A, s1;
	s8 =	simm.s32 @!p0 $0x1BF5;
	p2 =	por !p2, p0  }
0x20: {  	[sflag:s8] =	ssyncset.s32 @!p0 $0xFFFFF086;
	s6 =	sadd.s32 @!p0 s3, s7;
	s7 =	simm.s32 @!p0 $0x108  }
0x21: {  	s3 =	sadd.s32 s3, s9;
	s6 =	sadd.s32 @!p0 $0x88, s6;
	s7 =	simm.s32 @p2 $0x1082  }
0x22: {  	[simem:s7], [sflag:s8] =	dma.local @!p0 [hbm:s6], $0xF7A  }
0x23: {  	s9 =	sor.u32 $0xD0000000, s2;
	s6 =	simm.s32 $0x108;
	_ =	swait.ge @!p0 [sflag:s8], $0x0  }
0x24: {  	s3 =	sadd.s32 $0x88, s3;
	s6 =	simm.s32 @!p1 $0x1082;
	[sflag:s4] =	ssyncset.s32 $0xFFFFF086  }
0x25: {  	[simem:s6], [sflag:s4] =	dma.local [hbm:s3], $0xF7A  }
0x26: {  	[smem:$0x3F9D] =	sst s1;
	(tag) =	ssettag s2;
	_ =	strace s9  }
0x27: {  	s1 =	sld [smem:$0x3FAD]  }
0x28: {  	s2 =	sld [smem:$0x3FAE]  }
0x29: {  	s4 =	sld [smem:$0x3FB0]  }
0x2a: {  	p0 =	seq.s32 s5, $0x0;
	s5 =	sld [smem:$0x3FB1]  }
0x2b: {  	s6 =	sld [smem:$0x3FB2]  }
0x2c: {  	s7 =	sld [smem:$0x3FB3]  }
0x2d: {  	s3 =	simm.s32 $0x108;
	s8 =	sld [smem:$0x3FB4]  }
0x2e: {  	s3 =	simm.s32 @!p0 $0x1082;
	s9 =	sld [smem:$0x3FB5]  }
0x2f: {  	lr =	sadd.s32 s0, s3;
	s0 =	sld [smem:$0x3FAC]  }
0x30: {  	s3 =	sld [smem:$0x3FAF]  }
0x31: {  	[smem:$0x3FB8] =	sst s10  }
0x32: {  	s10 =	sld [smem:$0x3FB6];
	_ =	sdelay $0x3  }
0x33: {  	p0 =	seq.s32 s10, $0x1;
	s10 =	sld [smem:$0x3FB8];
	_ =	sdelay $0x3  }
0x34: {  	[smem:$0x3FB8] =	sst s10  }
0x35: {  	s10 =	sld [smem:$0x3FB7];
	_ =	sdelay $0x3  }
0x36: {  	p1 =	seq.s32 s10, $0x1;
	s10 =	sld [smem:$0x3FB8];
	_ =	sdelay $0x3  }
0x37: {  	[smem:$0x3FB8] =	sst s10  }
0x38: {  	s10 =	sld [smem:$0x3FB9]  }
0x39: {  	_ = 	snop;
	(pc) =	sbr.ind lr, $3  }
0x3a: {  	_ = 	snop  }
0x3b: {  	_ = 	snop  }
0x3c: {  	p2 =	seq.s32 s10, $0x1;
	s10 =	sld [smem:$0x3FB8]  }
0x3d: {  	_ =	shalt  }
0x3e: {  	_ =	shalt  }
0x3f: {  	_ =	shalt  }
0x40: {  	_ =	shalt  }
0x41: {  	_ =	shalt  }
0x42: {  	_ =	shalt  }
0x43: {  	_ =	shalt  }
0x44: {  	_ =	shalt  }
0x45: {  	_ =	shalt  }
0x46: {  	_ =	shalt  }
0x47: {  	_ =	shalt  }
0x48: {  	_ =	shalt  }
0x49: {  	_ =	shalt  }
0x4a: {  	_ =	shalt  }
0x4b: {  	_ =	shalt  }
0x4c: {  	_ =	shalt  }
0x4d: {  	_ =	shalt  }
0x4e: {  	_ =	shalt  }
0x4f: {  	_ =	shalt  }
0x50: {  	_ =	shalt  }
0x51: {  	_ =	shalt  }
0x52: {  	_ =	shalt  }
0x53: {  	_ =	shalt  }
0x54: {  	_ =	shalt  }
0x55: {  	_ =	shalt  }
0x56: {  	_ =	shalt  }
0x57: {  	_ =	shalt  }
0x58: {  	_ =	shalt  }
0x59: {  	_ =	shalt  }
0x5a: {  	_ =	shalt  }
0x5b: {  	_ =	shalt  }
0x5c: {  	_ =	shalt  }
0x5d: {  	_ =	shalt  }
0x5e: {  	_ =	shalt  }
0x5f: {  	_ =	shalt  }
0x60: {  	_ =	shalt  }
0x61: {  	_ =	shalt  }
0x62: {  	_ =	shalt  }
0x63: {  	_ =	shalt  }
0x64: {  	_ =	shalt  }
0x65: {  	_ =	shalt  }
0x66: {  	_ =	shalt  }
0x67: {  	_ =	shalt  }
0x68: {  	_ =	shalt  }
0x69: {  	_ =	shalt  }
0x6a: {  	_ =	shalt  }
0x6b: {  	_ =	shalt  }
0x6c: {  	_ =	shalt  }
0x6d: {  	_ =	shalt  }
0x6e: {  	_ =	shalt  }
0x6f: {  	_ =	shalt  }
0x70: {  	_ =	shalt  }
0x71: {  	_ =	shalt  }
0x72: {  	_ =	shalt  }
0x73: {  	_ =	shalt  }
0x74: {  	_ =	shalt  }
0x75: {  	_ =	shalt  }
0x76: {  	_ =	shalt  }
0x77: {  	_ =	shalt  }
0x78: {  	_ =	shalt  }
0x79: {  	_ =	shalt  }
0x7a: {  	_ =	shalt  }
0x7b: {  	_ =	shalt  }
0x7c: {  	_ =	shalt  }
0x7d: {  	_ =	shalt  }
0x7e: {  	_ =	shalt  }
0x7f: {  	_ =	shalt  }
0x80: {  	_ =	shalt  }
0x81: {  	_ =	shalt  }
0x82: {  	_ =	shalt  }
0x83: {  	_ =	shalt  }
0x84: {  	_ =	shalt  }
0x85: {  	_ =	shalt  }
0x86: {  	_ =	shalt  }
0x87: {  	_ =	shalt  }
.Lfunc_end0:
.L_simem_size_0:
called_computation_lowered:
.L_overlay_start_0:
0x88: {  	s2 =	sld [smem:$0x3FD9]  }
0x89: {  	s3 =	sld [smem:$0x3FFE];
	_ =	sdelay $0x1  }
0x8a: {  	s1 =	srdreg.scid  }
0x8b: {  	s0 =	sand.u32 $0x1, s1  }
0x8c: {  	s17 =	sshll.u32 s0, $0xA;
	s2 =	sadd.s32 s3, s2  }
0x8d: {  	s2 =	sadd.s32 s2, s17  }
0x8e: {  	[smem:$0x3FC4] =	sst s2  }
0x8f: {  	_ = 	snop  }
0x90: {  	s2 =	sld [smem:$0x3FC9]  }
0x91: {  	s18 =	sld [smem:$0x3FC8]  }
0x92: {  	s4 =	sld [smem:$0x3FC7]  }
0x93: {  	s5 =	sld [smem:$0x3FC6];
	(tm) =	ssettm $0x1  }
0x94: {  	s6 =	sld [smem:$0x3FFB];
	_ =	sdelay $0x3  }
0x95: {  	_ =	strace s6  }
0x96: {  	s6 =	sld [smem:$0x3FFC];
	_ =	sdelay $0x3  }
0x97: {  	_ =	strace s6  }
0x98: {  	s6 =	sld [smem:$0x3FFD];
	_ =	sdelay $0x3  }
0x99: {  	_ =	strace s6  }
0x9a: {  	_ =	strace $0x8FFFFFFF  }
0x9b: {  	s19 =	sld [smem:$0x3FDB];
	_ =	sdelay $0x1  }
0x9c: {  	s7 =	simm.s32 $_scs_section_size  }
0x9d: {  	s8 =	simm.s32 $_size__tile_overlayer_lowered;
	s9 =	simm.s32 $_tile_overlayer_lowered  }
0x9e: {  	s22 =	simm.s32 $0x1BFF;
	s21 =	sshll.u32 s9, $0x1;
	s6 =	sadd.s32 s7, s19  }
0x9f: {  	s10 =	simm.s32 $0x0;
	s20 =	sshll.u32 s8, $0x1;
	s8 =	sadd.s32 s21, s6  }
0xa0: {  	[timem:s10], [sflag:s22] =	dma.local [hbm:s8], s20  }
0xa1: {  	_ =	swait.ge [sflag:s22], s20  }
0xa2: {  	s7 =	ssub.s32 $0x0, s20;
	[sflag:s22] =	ssyncset.done $0x0  }
0xa3: {  	[sflag:s22] =	ssyncadd.s32 s7;
	_ =	sdelay $0x1  }
0xa4: {  	s23 =	simm.s32 $0x1B8B  }
0xa5: {  	_ =	swait.ge [sflag:s23], $0x1  }
0xa6: {  	[sflag:s23] =	ssyncset.done $0x0  }
0xa7: {  	s25 =	simm.s32 $0x1B8E;
	s24 =	sld [smem:$0x3FFE];
	[sflag:s23] =	ssyncadd.s32 $0xFFFFFFFF  }
0xa8: {  	s26 =	simm.s32 $execute0_lowered;
	[smem:$0x3FD2] =	sst s25  }
0xa9: {  	s8 =	sshll.u32 s26, $0x1;
	_ =	strace $0x80000046;
	[dreg:$0x1] =	wrdreg $0xFFFFFFFF  }
0xaa: {  	s28 =	simm.s32 $_size_execute0_lowered;
	s6 =	sadd.s32 s6, s8;
	[dreg:$0x0] =	wrdreg $0x0  }
0xab: {  	s8 =	sshll.u32 s28, $0x1;
	[dreg:$0x2] =	wrdreg s6  }
0xac: {  	[dreg:$0x3] =	wrdreg s8  }
0xad: {  	[dreg:$0x4] =	wrdreg $0xC0  }
0xae: {  	_ =	task [dreg:s10], $0x5FFFF  }
0xaf: {  	[dreg:$0x1] =	wrdreg $0xFFFFFFFF  }
0xb0: {  	[dreg:$0x0] =	wrdreg $0x60  }
0xb1: {  	[dreg:$0x2] =	wrdreg s2  }
0xb2: {  	[dreg:$0x3] =	wrdreg s18  }
0xb3: {  	[dreg:$0x4] =	wrdreg s4  }
0xb4: {  	[dreg:$0x5] =	wrdreg s5  }
0xb5: {  	[dreg:$0x6] =	wrdreg s24  }
0xb6: {  	[dreg:$0x7] =	wrdreg $0x1C4800  }
0xb7: {  	[dreg:$0x8] =	wrdreg $0x9  }
0xb8: {  	_ =	task.clear_ibuf [dreg:s10], $0x9FFFF;
	_ =	strace $0x90000046  }
0xb9: {  	s29 =	simm.s32 $0x9;
	_ =	strace $0x80000048  }
0xba: {  	_ =	swait.ge [sflag:s29], $0x1  }
0xbb: {  	[sflag:s29] =	ssyncadd.s32 $0xFFFFFFFF  }
0xbc: {  	_ =	strace $0x90000048  }
0xbd: {  	_ =	sfence  }
0xbe: {  	s30 =	sld [smem:$0x0];
	_ =	sdelay $0x2  }
0xbf: {  	s31 =	sshll.u32 s1, $0xD;
	s1 =	sshrl.u32 s1, $0x2  }
0xc0: {  	s3 =	sand.u32 $0x4000, s31;
	s1 =	sadd.s32 s1, s30  }
0xc1: {  	s0 =	sor.u32 s3, s0;
	s1 =	sshll.u32 s1, $0x11  }
0xc2: {  	s0 =	sor.u32 s1, s0  }
0xc3: {  	s0 =	sadd.s32 $0x8F2B, s0  }
0xc4: {  	[sflag:s0] =	ssyncadd.remote.s32 $0x1  }
0xc5: {  	_ =	sfence.sel $0xFFFF  }
0xc6: {  	[dreg:$0x0] =	wrdreg $0xFFFFFFFF;
	(pc) =	sbr.abs _section_cstart, $3  }
0xc7: {  	[dreg:$0x1] =	wrdreg $0xFFFFFFFF  }
0xc8: {  	_ =	task.clear_ibuf [dreg:s10], $0x2FFFF;
	_ =	strace $0x9FFFFFFF  }
0xc9: {  	(tm) =	ssettm $0x7FFFFFFF  }
tec
execute0_lowered:
.L_overlay_start_1:
0x0: {  	(tag) =	ssettag $0x1  }
0x1: {  	s1 =	rddreg [dreg:$0x1]  }
0x2: {  	s2 =	rddreg [dreg:$0x2]  }
0x3: {  	s3 =	rddreg [dreg:$0x3]  }
0x4: {  	s0 =	rddreg [dreg:$0x4]  }
0x5: {  	s4 =	srdreg.scid;
	s5 =	rddreg [dreg:$0x5];
	s6 =	simm.s32 $0x0  }
0x6: {  	s10 =	stileid.u32;
	s19 =	simm.s32 $0xC00;
	s30 =	simm.s32 $0x1B500  }
0x7: {  	s4 =	sand.u32 $0x1, s4;
	s9 =	sshll.u32 s10, $0x1;
	s10 =	smul.u32 $0x1880, s10  }
0x8: {  	[smem:$0x7FF] =	sst s6;
	s7 =	ssub.s32 $0x2, s4;
	p0 =	seq.s32 s4, $0x0  }
0x9: {  	s8 =	sshrl.u32 s7, $0x1;
	s11 =	sadd.s32 $0x320, s10;
	s12 =	sadd.s32 $0x640, s10  }
0xa: {  	s13 =	sadd.s32 $0x960, s10;
	s14 =	sadd.s32 $0xC80, s10;
	s15 =	sadd.s32 $0xFA0, s10  }
0xb: {  	s16 =	sadd.s32 $0x12C0, s10;
	s17 =	sadd.s32 $0x15E0, s10;
	s28 =	sshrl.u32 s10, $0x3  }
0xc: {  	s19 =	simm.s32 @!p0 $0x3E00;
	s29 =	sadd.s32 s10, s5;
	s10 =	simm.s32 $0x1A200  }
0xd: {  	s7 =	ssub.s32 s7, s8;
	s8 =	sor.u32 s4, s9;
	s18 =	sshrl.u32 s11, $0x3  }
0xe: {  	s20 =	sshrl.u32 s12, $0x3;
	s21 =	sshrl.u32 s13, $0x3;
	s0 =	sadd.s32 s19, s0  }
0xf: {  	s22 =	sshrl.u32 s14, $0x3;
	s23 =	sshrl.u32 s15, $0x3;
	s4 =	sadd.s32 s0, s28  }
0x10: {  	s24 =	sshrl.u32 s16, $0x3;
	s25 =	sadd.s32 s0, s18;
	[dreg:$0x7] =	wrdreg s4  }
0x11: {  	s19 =	sadd.s32 s12, s5;
	s26 =	sadd.s32 s0, s20;
	[dreg:$0x8] =	wrdreg s25  }
0x12: {  	s12 =	simm.s32 $0x1A800;
	s28 =	sadd.s32 s0, s21;
	[dreg:$0x9] =	wrdreg s26  }
0x13: {  	s9 =	smul.u32 $0x320, s8;
	s18 =	sadd.s32 s0, s22;
	[dreg:$0xa] =	wrdreg s28  }
0x14: {  	s20 =	sadd.s32 s0, s23;
	s21 =	sadd.s32 s0, s24;
	[dreg:$0xb] =	wrdreg s18  }
0x15: {  	s22 =	sshrl.u32 s17, $0x3;
	s31 =	sor.u32 $0x20, s8;
	[dreg:$0xc] =	wrdreg s20  }
0x16: {  	[dreg:$0xd] =	wrdreg s21;
	s0 =	sadd.s32 s0, s22;
	s18 =	sadd.s32 s11, s5  }
0x17: {  	s20 =	sadd.s32 s13, s5;
	s21 =	sadd.s32 s14, s5;
	[dreg:$0xe] =	wrdreg s0  }
0x18: {  	s22 =	sadd.s32 s15, s5;
	_ =	strace $0x80000047;
	[dreg:$0x16] =	wrdreg s18  }
0x19: {  	s11 =	sor.u32 $0x40, s8;
	s13 =	simm.s32 $0x1AE00;
	[dreg:$0x17] =	wrdreg s19  }
0x1a: {  	s14 =	simm.s32 $0x1A400;
	s23 =	sshrl.u32 s9, $0x3;
	[dreg:$0x18] =	wrdreg s20  }
0x1b: {  	s15 =	simm.s32 $0x1AA00;
	s24 =	sadd.s32 s1, s23;
	[dreg:$0x19] =	wrdreg s21  }
0x1c: {  	s25 =	sadd.s32 $0xC80, s23;
	s9 =	sadd.s32 s2, s23;
	[dreg:$0x1a] =	wrdreg s22  }
0x1d: {  	s0 =	sadd.s32 s3, s23;
	s23 =	sadd.s32 s16, s5;
	[dreg:$0x15] =	wrdreg s29  }
0x1e: {  	s16 =	simm.s32 $0x7;
	s18 =	simm.s32 $0x1;
	[dreg:$0xf] =	wrdreg s24  }
0x1f: {  	s19 =	simm.s32 $0x18700;
	s20 =	simm.s32 $0x190;
	[dreg:$0x11] =	wrdreg s0  }
0x20: {  	s21 =	simm.s32 $0x1B880;
	s22 =	simm.s32 $0x4;
	[dreg:$0x1b] =	wrdreg s23  }
0x21: {  	s26 =	sadd.s32 s1, s25;
	s28 =	sadd.s32 s2, s25;
	[dreg:$0x10] =	wrdreg s9  }
0x22: {  	s4 =	sadd.s32 s3, s25;
	s24 =	sadd.s32 s17, s5;
	[dreg:$0x12] =	wrdreg s26  }
0x23: {  	s25 =	smax.u32 s7, $0x1;
	s0 =	simm.s32 $0x1BE80;
	[dreg:$0x13] =	wrdreg s28  }
.Ltmp0:
0x24: {  	s7 =	simm.s32 $0x2;
	[dreg:$0x14] =	wrdreg s4;
	(pc) =	sbr.rel .LBB2_1-.Ltmp0, $4  }
0x25: {  	s23 =	simm.s32 $0x3;
	s17 =	simm.s32 $0x0;
	[dreg:$0x1c] =	wrdreg s24  }
0x26: {  	s4 =	sor.u32 $0x60, s8;
	[dreg:$0x1d] =	wrdreg s25;
	s26 =	sadd.s32 $0x32, s9  }
0x27: {  	s28 =	sadd.s32 $0xCB2, s9;
	s9 =	simm.s32 $0x19780;
	[dreg:$0x1e] =	wrdreg s26  }
0x28: {  	v0 =	vlaneseq.u32;
	v1 =	vimm.f32 $0.0e+00;
	s24 =	simm.s32 $0x1A600;
	[dreg:$0x1f] =	wrdreg s28;
	s26 =	simm.s32 $0x1AC00  }
.LBB2_23:
0x29: {  	[bflag:$0x0] =	sbarrier.arrive $0xFFFF  }
0x2a: {  	s29 =	rddreg [dreg:$0x15]  }
0x2b: {  	[tilespmem:s9], [sflag:$0x7] =	stream.linear.gather [spmem:s29], $0x320, $0x38;
	[tilespmem:$0x1DD00] =	vst v63  }
0x2c: {  	_ =	swait.ge [sflag:s16], $0x320  }
0x2d: {  	[sflag:s16] =	ssyncset.done $0x0  }
0x2e: {  	s8 =	rddreg [dreg:$0x7];
	[sflag:s16] =	ssyncadd.s32 $0xFFFFFCE0  }
0x2f: {  	[hbm4b:s8+s6] =	stream.linear.scatter [tilespmem:s9], [sflag:$0x7], $0x320, $0x38;
	[tilespmem:$0x1DD00] =	vst v63  }
0x30: {  	_ =	swait.ge [sflag:s16], $0x320  }
0x31: {  	[sflag:s16] =	ssyncset.done $0x0  }
0x32: {  	s17 =	rddreg [dreg:$0x16];
	[sflag:s16] =	ssyncadd.s32 $0xFFFFFCE0  }
0x33: {  	[tilespmem:s9], [sflag:$0x7] =	stream.linear.gather [spmem:s17], $0x320, $0x38;
	[tilespmem:$0x1DD00] =	vst v63  }
0x34: {  	_ =	swait.ge [sflag:s16], $0x320  }
0x35: {  	[sflag:s16] =	ssyncset.done $0x0  }
0x36: {  	s25 =	rddreg [dreg:$0x8];
	[sflag:s16] =	ssyncadd.s32 $0xFFFFFCE0  }
0x37: {  	[hbm4b:s25+s6] =	stream.linear.scatter [tilespmem:s9], [sflag:$0x7], $0x320, $0x38;
	[tilespmem:$0x1DD00] =	vst v63  }
0x38: {  	_ =	swait.ge [sflag:s16], $0x320  }
0x39: {  	[sflag:s16] =	ssyncset.done $0x0  }
0x3a: {  	s28 =	rddreg [dreg:$0x17];
	[sflag:s16] =	ssyncadd.s32 $0xFFFFFCE0  }
0x3b: {  	[tilespmem:s9], [sflag:$0x7] =	stream.linear.gather [spmem:s28], $0x320, $0x38;
	[tilespmem:$0x1DD00] =	vst v63  }
0x3c: {  	_ =	swait.ge [sflag:s16], $0x320  }
0x3d: {  	[sflag:s16] =	ssyncset.done $0x0  }
0x3e: {  	s17 =	rddreg [dreg:$0x9];
	[sflag:s16] =	ssyncadd.s32 $0xFFFFFCE0  }
0x3f: {  	[hbm4b:s17+s6] =	stream.linear.scatter [tilespmem:s9], [sflag:$0x7], $0x320, $0x38;
	[tilespmem:$0x1DD00] =	vst v63  }
0x40: {  	_ =	swait.ge [sflag:s16], $0x320  }
0x41: {  	[sflag:s16] =	ssyncset.done $0x0  }
0x42: {  	s25 =	rddreg [dreg:$0x18];
	[sflag:s16] =	ssyncadd.s32 $0xFFFFFCE0  }
0x43: {  	[tilespmem:s9], [sflag:$0x7] =	stream.linear.gather [spmem:s25], $0x320, $0x38;
	[tilespmem:$0x1DD00] =	vst v63  }
0x44: {  	_ =	swait.ge [sflag:s16], $0x320  }
0x45: {  	[sflag:s16] =	ssyncset.done $0x0  }
0x46: {  	s28 =	rddreg [dreg:$0xa];
	[sflag:s16] =	ssyncadd.s32 $0xFFFFFCE0  }
0x47: {  	[hbm4b:s28+s6] =	stream.linear.scatter [tilespmem:s9], [sflag:$0x7], $0x320, $0x38;
	[tilespmem:$0x1DD00] =	vst v63  }
0x48: {  	_ =	swait.ge [sflag:s16], $0x320  }
0x49: {  	[sflag:s16] =	ssyncset.done $0x0  }
0x4a: {  	s17 =	rddreg [dreg:$0x19];
	[sflag:s16] =	ssyncadd.s32 $0xFFFFFCE0  }
0x4b: {  	[tilespmem:s9], [sflag:$0x7] =	stream.linear.gather [spmem:s17], $0x320, $0x38;
	[tilespmem:$0x1DD00] =	vst v63  }
0x4c: {  	_ =	swait.ge [sflag:s16], $0x320  }
0x4d: {  	[sflag:s16] =	ssyncset.done $0x0  }
0x4e: {  	s25 =	rddreg [dreg:$0xb];
	[sflag:s16] =	ssyncadd.s32 $0xFFFFFCE0  }
0x4f: {  	[hbm4b:s25+s6] =	stream.linear.scatter [tilespmem:s9], [sflag:$0x7], $0x320, $0x38;
	[tilespmem:$0x1DD00] =	vst v63  }
0x50: {  	_ =	swait.ge [sflag:s16], $0x320  }
0x51: {  	[sflag:s16] =	ssyncset.done $0x0  }
0x52: {  	s28 =	rddreg [dreg:$0x1a];
	[sflag:s16] =	ssyncadd.s32 $0xFFFFFCE0  }
0x53: {  	[tilespmem:s9], [sflag:$0x7] =	stream.linear.gather [spmem:s28], $0x320, $0x38;
	[tilespmem:$0x1DD00] =	vst v63  }
0x54: {  	_ =	swait.ge [sflag:s16], $0x320  }
0x55: {  	[sflag:s16] =	ssyncset.done $0x0  }
0x56: {  	s17 =	rddreg [dreg:$0xc];
	[sflag:s16] =	ssyncadd.s32 $0xFFFFFCE0  }
0x57: {  	[hbm4b:s17+s6] =	stream.linear.scatter [tilespmem:s9], [sflag:$0x7], $0x320, $0x38;
	[tilespmem:$0x1DD00] =	vst v63  }
0x58: {  	_ =	swait.ge [sflag:s16], $0x320  }
0x59: {  	[sflag:s16] =	ssyncset.done $0x0  }
0x5a: {  	s25 =	rddreg [dreg:$0x1b];
	[sflag:s16] =	ssyncadd.s32 $0xFFFFFCE0  }
0x5b: {  	[tilespmem:s9], [sflag:$0x7] =	stream.linear.gather [spmem:s25], $0x320, $0x38;
	[tilespmem:$0x1DD00] =	vst v63  }
0x5c: {  	_ =	swait.ge [sflag:s16], $0x320  }
0x5d: {  	[sflag:s16] =	ssyncset.done $0x0  }
0x5e: {  	s28 =	rddreg [dreg:$0xd];
	[sflag:s16] =	ssyncadd.s32 $0xFFFFFCE0  }
0x5f: {  	[hbm4b:s28+s6] =	stream.linear.scatter [tilespmem:s9], [sflag:$0x7], $0x320, $0x38;
	[tilespmem:$0x1DD00] =	vst v63  }
0x60: {  	_ =	swait.ge [sflag:s16], $0x320  }
0x61: {  	[sflag:s16] =	ssyncset.done $0x0  }
0x62: {  	s17 =	rddreg [dreg:$0x1c];
	[sflag:s16] =	ssyncadd.s32 $0xFFFFFCE0  }
0x63: {  	[tilespmem:s9], [sflag:$0x7] =	stream.linear.gather [spmem:s17], $0x2A0, $0x38;
	[tilespmem:$0x1DD00] =	vst v63  }
0x64: {  	_ =	swait.ge [sflag:s16], $0x2A0  }
0x65: {  	[sflag:s16] =	ssyncset.done $0x0  }
0x66: {  	s25 =	rddreg [dreg:$0xe];
	[sflag:s16] =	ssyncadd.s32 $0xFFFFFD60  }
0x67: {  	[hbm4b:s25+s6] =	stream.linear.scatter [tilespmem:s9], [sflag:$0x7], $0x2A0, $0x38;
	[tilespmem:$0x1DD00] =	vst v63  }
0x68: {  	_ =	swait.ge [sflag:s16], $0x2A0  }
0x69: {  	s17 =	sld [smem:$0x7FD];
	_ =	sdelay $0x2  }
0x6a: {  	s28 =	rddreg [dreg:$0x1d];
	s17 =	sadd.s32 $0x1, s17  }
0x6b: {  	p0 =	sne.s32 s17, s28  }
.Ltmp1:
0x6c: {  	_ = 	snop;
	(pc) =	sbr.rel @!p0 .LBB2_24-.Ltmp1, $3  }
0x6d: {  	_ =	sdelay $0x1  }
0x6e: {  	[sflag:s16] =	ssyncset.done $0x0  }
0x6f: {  	[sflag:s16] =	ssyncadd.s32 $0xFFFFFD60  }
.LBB2_1:
0x70: {  	v2 =	vor.u32 s6, v0  }
0x71: {  	v2 =	vcvt.s32.f32 v2  }
0x72: {  	[smem:$0x7FD] =	sst s17  }
0x73: {  	s8 =	rddreg [dreg:$0xf];
	v2 =	vadd.f32 $5.000000000e-01, v2  }
0x74: {  	[tilespmem:s9], [sflag:$0x1] =	stream.linear.gather [hbm4b:s8+s6], $0x320, $0x38;
	[tilespmem:$0x1DD00] =	vst v63  }
0x75: {  	s25 =	rddreg [dreg:$0x10];
	v13 =	vmul.f32 $3.437499980e-03, v2  }
0x76: {  	[tilespmem:s10], [sflag:$0x1] =	stream.linear.gather [hbm4b:s25+s6], $0x190, $0x38;
	[tilespmem:$0x1DD00] =	vst v63  }
0x77: {  	s28 =	rddreg [dreg:$0x1e];
	v2 =	vmul.f32 v13, v13  }
0x78: {  	[tilespmem:s12], [sflag:$0x1] =	stream.linear.gather [hbm4b:s28+s6], $0x190, $0x38;
	[tilespmem:$0x1DD00] =	vst v63  }
0x79: {  	s17 =	rddreg [dreg:$0x11];
	v5 =	vadd.f32 $1.000000000e+00, v2  }
0x7a: {  	[tilespmem:s13], [sflag:$0x1] =	stream.linear.gather [hbm4b:s17+s6], $0x320, $0x38;
	[tilespmem:$0x1DD00] =	vst v63  }
0x7b: {  	s25 =	rddreg [dreg:$0x12];
	s28 =	simm.s32 $0x19B00;
	v2 =	vshrl.u32 v5, $0x1;
	v3 =	vmul.f32 $5.000000000e-01, v5  }
0x7c: {  	[tilespmem:s28], [sflag:$0x2] =	stream.linear.gather [hbm4b:s25+s6], $0x320, $0x38;
	v2 =	vsub.s32 $0x5F3759DF, v2;
	[tilespmem:$0x1DD00] =	vst v63  }
0x7d: {  	s25 =	simm.s32 $0x10;
	s28 =	rddreg [dreg:$0x13];
	v4 =	vmul.f32 v2, v3  }
0x7e: {  	[tilespmem:s14], [sflag:$0x2] =	stream.linear.gather [hbm4b:s28+s6], $0x190, $0x38;
	[tilespmem:$0x1DD00] =	vst v63  }
0x7f: {  	s17 =	rddreg [dreg:$0x1f];
	v6 =	vor.u32 s25, v0;
	v4 =	vmul.f32 v2, v4  }
0x80: {  	v6 =	vcvt.s32.f32 v6;
	[tilespmem:s15], [sflag:$0x2] =	stream.linear.gather [hbm4b:s17+s6], $0x190, $0x38;
	[tilespmem:$0x1DD00] =	vst v63  }
0x81: {  	s25 =	rddreg [dreg:$0x14];
	s28 =	simm.s32 $0x1B180;
	v4 =	vsub.f32 $1.500000000e+00, v4  }
0x82: {  	v6 =	vadd.f32 $5.000000000e-01, v6;
	[tilespmem:s28], [sflag:$0x2] =	stream.linear.gather [hbm4b:s25+s6], $0x320, $0x38;
	[tilespmem:$0x1DD00] =	vst v63  }
0x83: {  	v7 =	vmul.f32 $5.000000000e-01, v13;
	s25 =	simm.s32 $0x20;
	v8 =	vmul.f32 v2, v4  }
0x84: {  	s17 =	rddreg [dreg:$0x0];
	v15 =	vor.u32 s25, v0;
	v2 =	vmul.f32 $3.437499980e-03, v6  }
0x85: {  	[tilespmem:s6], [sflag:$0x7] =	stream.linear.gather [hbm4b:s17+s6], $0x18700, $0x38;
	v15 =	vcvt.s32.f32 v15;
	v6 =	vmin.f32 v7, $1.000000000e+00;
	v4 =	vmul.f32 v8, v3;
	[tilespmem:$0x1DD00] =	vst v63  }
0x86: {  	_ =	swait.ge [sflag:s16], $0x18700;
	v7 =	vmul.f32 v6, v6;
	v9 =	vmul.f32 v2, v2  }
0x87: {  	(erf) = vrcp.f32 v13;
	v10 =	vmul.f32 v4, v8  }
0x88: {  	v11 =	vmul.f32 $-1.500000000e+01, v6;
	v12 =	vmul.f32 $6.000000000e+00, v7;
	v4 =	vadd.f32 $1.000000000e+00, v9  }
0x89: {  	v14 =	vmul.f32 $5.000000000e-01, v2;
	v6 =	vmul.f32 v7, v6;
	v7 =	vsub.f32 $1.500000000e+00, v10  }
0x8a: {  	v10 =	vadd.f32 v11, v12;
	v11 =	vshrl.u32 v4, $0x1;
	v12 =	vmul.f32 $5.000000000e-01, v4  }
0x8b: {  	(erf) = vrcp.f32 v2;
	v11 =	vsub.s32 $0x5F3759DF, v11;
	v7 =	vmul.f32 v7, v8  }
0x8c: {  	v17 =	vmul.f32 $6.944444500e-03, v2;
	v8 =	vmul.f32 v11, v12  }
0x8d: {  	v9 =	vmul.f32 $6.944444500e-03, v13;
	v14 =	vmin.f32 v14, $1.000000000e+00;
	v3 =	vmul.f32 v7, v3  }
0x8e: {  	v16 =	vmul.f32 v14, v14;
	v8 =	vmul.f32 v11, v8  }
0x8f: {  	v15 =	vadd.f32 $5.000000000e-01, v15;
	v19 =	vmul.f32 $-1.500000000e+01, v14;
	v18 =	vmul.f32 v3, v7  }
0x90: {  	v20 =	vmul.f32 $6.000000000e+00, v16;
	v10 =	vadd.f32 $1.000000000e+01, v10;
	v8 =	vsub.f32 $1.500000000e+00, v8  }
0x91: {  	v16 =	vmul.f32 v16, v14;
	v3 =	vmul.f32 $3.437499980e-03, v15;
	v14 =	vsub.f32 $1.500000000e+00, v18  }
0x92: {  	v6 =	vmul.f32 v10, v6;
	v8 =	vmul.f32 v11, v8  }
0x93: {  	v10 =	vmul.f32 v3, v3;
	v11 =	vmul.f32 v14, v7  }
0x94: {  	v9 =	vadd.f32 $-1.666666720e-01, v9;
	v18 =	vmul.f32 $5.000000000e-01, v3;
	v15 =	vmul.f32 v8, v12  }
0x95: {  	v14 =	vadd.f32 v19, v20;
	v7 =	vadd.f32 $1.000000000e+00, v10;
	v19 =	vmul.f32 v11, v5  }
0x96: {  	(erf) = vrcp.f32 v3;
	v18 =	vmin.f32 v18, $1.000000000e+00;
	v15 =	vmul.f32 v15, v8  }
0x97: {  	v20 =	vshrl.u32 v7, $0x1;
	v10 =	vmul.f32 $5.000000000e-01, v7;
	v19 =	vmul.f32 $6.944444500e-03, v19  }
0x98: {  	v23 =	vmul.f32 v18, v18;
	v20 =	vsub.s32 $0x5F3759DF, v20;
	v15 =	vsub.f32 $1.500000000e+00, v15  }
0x99: {  	v21 =	vpop (erf);
	v24 =	vmul.f32 $-1.500000000e+01, v18;
	v22 =	vmul.f32 v20, v10;
	v19 =	vadd.f32 $-1.666666720e-01, v19  }
0x9a: {  	s28 =	simm.s32 $0x30;
	v5 =	vmul.f32 $6.944444500e-03, v3;
	v15 =	vmul.f32 v15, v8;
	v8 =	vadd.f32 v9, v21  }
0x9b: {  	v9 =	vor.u32 s28, v0;
	v59 =	vmul.f32 v20, v22;
	v19 =	vadd.f32 v19, v11  }
0x9c: {  	v9 =	vcvt.s32.f32 v9;
	v11 =	vadd.f32 $1.000000000e+01, v14;
	v12 =	vmul.f32 v15, v12  }
0x9d: {  	v60 =	vmul.f32 $6.000000000e+00, v23;
	v14 =	vsub.f32 $1.500000000e+00, v59;
	v61 =	vsub.f32 v8, v19  }
0x9e: {  	v9 =	vadd.f32 $5.000000000e-01, v9;
	v8 =	vmul.f32 v23, v18;
	v12 =	vmul.f32 v12, v15  }
0x9f: {  	vm0 =	vle.f32 v13, $1.200000000e+01;
	v14 =	vmul.f32 v20, v14;
	v62 =	vmul.f32 v61, v6  }
0xa0: {  	v20 =	vadd.f32 v24, v60;
	v6 =	vmul.f32 $3.437499980e-03, v9;
	v63 =	vsub.f32 $1.500000000e+00, v12  }
0xa1: {  	v9 =	vmul.f32 v11, v16;
	v18 =	vmul.f32 v14, v10;
	v16 =	vadd.f32 v62, v19  }
0xa2: {  	s8 =	simm.s32 $0x18700;
	[sflag:s16] =	ssyncset.done $0x0;
	v17 =	vadd.f32 $-1.666666720e-01, v17;
	v12 =	vpop (erf);
	v19 =	vmul.f32 v6, v6;
	v15 =	vmul.f32 v63, v15  }
0xa3: {  	s25 =	simm.s32 $0x40;
	s17 =	simm.s32 $0x18700;
	[sflag:s16] =	ssyncadd.s32 $0xFFFE7900;
	v11 =	vadd.f32 $1.000000000e+01, v20;
	(erf) = vrcp.f32 v6;
	v13 =	vpop (erf);
	v16 =	vmul.f32 $7.199822900e+00, v16  }
.LBB2_2:
0xa4: {  	p0 =	sne.s32 s25, $0xFF0  }
0xa5: {  	v20 =	vmul.f32 $5.000000000e-01, v6;
	v21 =	vmul.f32 v15, v4;
	s8 =	sadd.s32 $0x10, s8;
	v4 =	vmovc v7;
	v7 =	vadd.f32 $1.000000000e+00, v19;
	s28 =	smov.u32 s25;
	s25 =	sadd.s32 $0x10, s25  }
0xa6: {  	v22 =	vmul.f32 $6.944444500e-03, v6;
	v18 =	vmul.f32 v18, v14;
	v16 =	vnsel vm0, $0x0, v16  }
0xa7: {  	v19 =	vshrl.u32 v7, $0x1;
	v23 =	vmul.f32 $5.000000000e-01, v7;
	v21 =	vmul.f32 $6.944444500e-03, v21;
	[tilespmem:s17+$0x0] =	vst v16;
	s17 =	smov.u32 s8  }
0xa8: {  	v18 =	vsub.f32 $1.500000000e+00, v18;
	v16 =	vsub.s32 $0x5F3759DF, v19;
	v19 =	vmin.f32 v20, $1.000000000e+00  }
0xa9: {  	v20 =	vmul.f32 v16, v23;
	v24 =	vmul.f32 v19, v19;
	v21 =	vadd.f32 $-1.666666720e-01, v21  }
0xaa: {  	v25 =	vmul.f32 $-1.500000000e+01, v19;
	v26 =	vmul.f32 v18, v14;
	v14 =	vadd.f32 v17, v12;
	v12 =	vmovc v13  }
0xab: {  	v27 =	vor.u32 s28, v0;
	v17 =	vmul.f32 v16, v20;
	v15 =	vadd.f32 v21, v15  }
0xac: {  	v18 =	vcvt.s32.f32 v27;
	v20 =	vmul.f32 v26, v10;
	v10 =	vmov v23  }
0xad: {  	v21 =	vmul.f32 $6.000000000e+00, v24;
	v17 =	vsub.f32 $1.500000000e+00, v17;
	v13 =	vpop (erf);
	v23 =	vsub.f32 v14, v15  }
0xae: {  	v18 =	vadd.f32 $5.000000000e-01, v18;
	v19 =	vmul.f32 v24, v19;
	v20 =	vmul.f32 v20, v26  }
.Ltmp2:
0xaf: {  	v14 =	vmul.f32 v16, v17;
	v16 =	vadd.f32 v25, v21;
	v17 =	vmul.f32 v23, v9;
	(pc) =	sbr.rel @p0 .LBB2_2-.Ltmp2, $4  }
0xb0: {  	v21 =	vmul.f32 $3.437499980e-03, v18;
	v20 =	vsub.f32 $1.500000000e+00, v20;
	v9 =	vmul.f32 v11, v8;
	v8 =	vmovc v19  }
0xb1: {  	v18 =	vmul.f32 v14, v10;
	v11 =	vadd.f32 $1.000000000e+01, v16;
	v16 =	vadd.f32 v17, v15  }
0xb2: {  	vm0 =	vle.f32 v2, $1.200000000e+01;
	v2 =	vmovc v3;
	v3 =	vmovc v6;
	v19 =	vmul.f32 v21, v21;
	v15 =	vmul.f32 v20, v26  }
0xb3: {  	v17 =	vadd.f32 $-1.666666720e-01, v5;
	v5 =	vmovc v22;
	v6 =	vmovc v21;
	(erf) = vrcp.f32 v21;
	v16 =	vmul.f32 $7.199822900e+00, v16  }
0xb4: {  	v19 =	vadd.f32 $1.000000000e+00, v19;
	_ =	sdelay $0x1  }
0xb5: {  	v20 =	vshrl.u32 v19, $0x1;
	v21 =	vmul.f32 $5.000000000e-01, v19  }
0xb6: {  	v20 =	vsub.s32 $0x5F3759DF, v20  }
0xb7: {  	v22 =	vmul.f32 v20, v21;
	_ =	sdelay $0x1  }
0xb8: {  	v22 =	vmul.f32 v20, v22;
	_ =	sdelay $0x1  }
0xb9: {  	v22 =	vsub.f32 $1.500000000e+00, v22;
	_ =	sdelay $0x1  }
0xba: {  	v20 =	vmul.f32 v20, v22;
	_ =	sdelay $0x1  }
0xbb: {  	v22 =	vmul.f32 v20, v21  }
0xbc: {  	v18 =	vmul.f32 v18, v14  }
0xbd: {  	v22 =	vmul.f32 v22, v20  }
0xbe: {  	v18 =	vsub.f32 $1.500000000e+00, v18  }
0xbf: {  	v22 =	vsub.f32 $1.500000000e+00, v22  }
0xc0: {  	v50 =	vmul.f32 v18, v14  }
0xc1: {  	v51 =	vmul.f32 v22, v20  }
0xc2: {  	v10 =	vmul.f32 v50, v10  }
0xc3: {  	v20 =	vmul.f32 v51, v21  }
0xc4: {  	v10 =	vmul.f32 v10, v50  }
0xc5: {  	v20 =	vmul.f32 v20, v51  }
0xc6: {  	v4 =	vmul.f32 v15, v4;
	v10 =	vsub.f32 $1.500000000e+00, v10  }
0xc7: {  	v52 =	vmul.f32 $5.000000000e-01, v6;
	v56 =	vmul.f32 $6.944444500e-03, v6;
	v20 =	vsub.f32 $1.500000000e+00, v20  }
0xc8: {  	v4 =	vmul.f32 $6.944444500e-03, v4;
	v10 =	vmul.f32 v10, v50  }
0xc9: {  	v5 =	vadd.f32 $-1.666666720e-01, v5;
	v12 =	vadd.f32 v17, v12;
	v18 =	vmul.f32 v20, v51  }
0xca: {  	v4 =	vadd.f32 $-1.666666720e-01, v4;
	v7 =	vmul.f32 v10, v7;
	v21 =	vmin.f32 v52, $1.000000000e+00  }
0xcb: {  	v17 =	vadd.f32 $-1.666666720e-01, v56;
	v53 =	vmul.f32 v21, v21;
	v55 =	vmul.f32 v18, v19  }
0xcc: {  	v4 =	vadd.f32 v4, v15;
	v7 =	vmul.f32 $6.944444500e-03, v7;
	v23 =	vmul.f32 $-1.500000000e+01, v21  }
0xcd: {  	v5 =	vadd.f32 v5, v13;
	v54 =	vmul.f32 $6.000000000e+00, v53;
	v15 =	vmul.f32 $6.944444500e-03, v55  }
0xce: {  	v12 =	vsub.f32 v12, v4;
	v7 =	vadd.f32 $-1.666666720e-01, v7  }
0xcf: {  	v57 =	vpop (erf);
	v14 =	vadd.f32 v23, v54;
	v15 =	vadd.f32 $-1.666666720e-01, v15  }
0xd0: {  	v59 =	vadd.f32 v17, v57;
	v7 =	vadd.f32 v7, v10  }
0xd1: {  	v58 =	vmul.f32 v53, v21;
	v14 =	vadd.f32 $1.000000000e+01, v14;
	v15 =	vadd.f32 v15, v18  }
0xd2: {  	v8 =	vmul.f32 v11, v8;
	v5 =	vsub.f32 v5, v7  }
0xd3: {  	v9 =	vmul.f32 v12, v9;
	v10 =	vmul.f32 v14, v58;
	v60 =	vsub.f32 v59, v15  }
0xd4: {  	v5 =	vmul.f32 v5, v8  }
0xd5: {  	v4 =	vadd.f32 v9, v4;
	v61 =	vmul.f32 v60, v10  }
0xd6: {  	v5 =	vadd.f32 v5, v7  }
0xd7: {  	v4 =	vmul.f32 $7.199822900e+00, v4;
	v62 =	vadd.f32 v61, v15  }
0xd8: {  	vm13 =	vle.f32 v2, $1.200000000e+01;
	v63 =	vnsel vm0, $0x0, v16;
	v2 =	vmul.f32 $7.199822900e+00, v5  }
0xd9: {  	s8 =	sadd.s32 $0x10, s8;
	vm14 =	vle.f32 v3, $1.200000000e+01;
	[tilespmem:s17+$0x0] =	vst v63;
	v4 =	vnsel vm13, $0x0, v4;
	v3 =	vmul.f32 $7.199822900e+00, v62  }
0xda: {  	vm15 =	vle.f32 v6, $1.200000000e+01;
	s25 =	sadd.s32 $0x10, s8;
	[tilespmem:s8+$0x0] =	vst v4;
	v2 =	vnsel vm14, $0x0, v2  }
0xdb: {  	s28 =	sadd.s32 $0x10, s25;
	[tilespmem:s25+$0x0] =	vst v2;
	v2 =	vnsel vm15, $0x0, v3  }
0xdc: {  	s17 =	simm.s32 $0x0;
	s8 =	simm.s32 $0x40;
	[tilespmem:s28+$0x0] =	vst v2  }
.LBB2_4:
0xdd: {  	p0 =	sne.s32 s8, $0xC40;
	[tilespmem:s17+$0x19780] =	vst v1;
	s17 =	smov.u32 s8;
	s8 =	sadd.s32 $0x40, s8  }
.Ltmp3:
0xde: {  	(pc) =	sbr.rel @p0 .LBB2_4-.Ltmp3, $2  }
0xdf: {  	_ =	sdelay $0x2  }
0xe0: {  	s17 =	sshra.s32 s17, $0x2  }
0xe1: {  	[tilespmem:s17+$0x19780] =	vst v1  }
0xe2: {  	[spmem:s29] =	stream.linear.scatter [tilespmem:s9], [sflag:$0x7], $0x320, $0x38;
	[tilespmem:$0x1DD00] =	vst v63  }
0xe3: {  	_ =	swait.ge [sflag:s16], $0x320  }
0xe4: {  	[sflag:s16] =	ssyncset.done $0x0  }
0xe5: {  	s8 =	rddreg [dreg:$0x16];
	[sflag:s16] =	ssyncadd.s32 $0xFFFFFCE0  }
0xe6: {  	[spmem:s8] =	stream.linear.scatter [tilespmem:s9], [sflag:$0x7], $0x320, $0x38;
	[tilespmem:$0x1DD00] =	vst v63  }
0xe7: {  	_ =	swait.ge [sflag:s16], $0x320  }
0xe8: {  	[sflag:s16] =	ssyncset.done $0x0  }
0xe9: {  	s28 =	rddreg [dreg:$0x17];
	[sflag:s16] =	ssyncadd.s32 $0xFFFFFCE0  }
0xea: {  	[spmem:s28] =	stream.linear.scatter [tilespmem:s9], [sflag:$0x7], $0x320, $0x38;
	[tilespmem:$0x1DD00] =	vst v63  }
0xeb: {  	_ =	swait.ge [sflag:s16], $0x320  }
0xec: {  	[sflag:s16] =	ssyncset.done $0x0  }
0xed: {  	s29 =	rddreg [dreg:$0x18];
	[sflag:s16] =	ssyncadd.s32 $0xFFFFFCE0  }
0xee: {  	[spmem:s29] =	stream.linear.scatter [tilespmem:s9], [sflag:$0x7], $0x320, $0x38;
	[tilespmem:$0x1DD00] =	vst v63  }
0xef: {  	_ =	swait.ge [sflag:s16], $0x320  }
0xf0: {  	[sflag:s16] =	ssyncset.done $0x0  }
0xf1: {  	s17 =	rddreg [dreg:$0x19];
	[sflag:s16] =	ssyncadd.s32 $0xFFFFFCE0  }
0xf2: {  	[spmem:s17] =	stream.linear.scatter [tilespmem:s9], [sflag:$0x7], $0x320, $0x38;
	[tilespmem:$0x1DD00] =	vst v63  }
0xf3: {  	_ =	swait.ge [sflag:s16], $0x320  }
0xf4: {  	[sflag:s16] =	ssyncset.done $0x0  }
0xf5: {  	s25 =	rddreg [dreg:$0x1a];
	[sflag:s16] =	ssyncadd.s32 $0xFFFFFCE0  }
0xf6: {  	[spmem:s25] =	stream.linear.scatter [tilespmem:s9], [sflag:$0x7], $0x320, $0x38;
	[tilespmem:$0x1DD00] =	vst v63  }
0xf7: {  	_ =	swait.ge [sflag:s16], $0x320  }
0xf8: {  	[sflag:s16] =	ssyncset.done $0x0  }
0xf9: {  	s28 =	rddreg [dreg:$0x1b];
	[sflag:s16] =	ssyncadd.s32 $0xFFFFFCE0  }
0xfa: {  	[spmem:s28] =	stream.linear.scatter [tilespmem:s9], [sflag:$0x7], $0x320, $0x38;
	[tilespmem:$0x1DD00] =	vst v63  }
0xfb: {  	_ =	swait.ge [sflag:s16], $0x320  }
0xfc: {  	[sflag:s16] =	ssyncset.done $0x0  }
0xfd: {  	s29 =	rddreg [dreg:$0x1c];
	[sflag:s16] =	ssyncadd.s32 $0xFFFFFCE0  }
0xfe: {  	[spmem:s29] =	stream.linear.scatter [tilespmem:s9], [sflag:$0x7], $0x2A0, $0x38;
	[tilespmem:$0x1DD00] =	vst v63  }
.Ltmp4:
0xff: {  	_ =	swait.ge [sflag:s16], $0x2A0;
	(pc) =	sbr.rel .LBB2_6-.Ltmp4, $4  }
0x100: {  	[sflag:s16] =	ssyncset.done $0x0  }
0x101: {  	[sflag:s16] =	ssyncadd.s32 $0xFFFFFD60  }
0x102: {  	[bflag:$0x0] =	sbarrier.arrive $0xFFFF  }
0x103: {  	s8 =	simm.s32 $0x0  }
.LBB2_22:
0x104: {  	s8 =	sadd.s32 $0x1, s8  }
0x105: {  	p0 =	sne.s32 s8, $0x54  }
.Ltmp5:
0x106: {  	_ = 	snop;
	(pc) =	sbr.rel @!p0 .LBB2_23-.Ltmp5, $1  }
0x107: {  	_ =	sdelay $0x3  }
.LBB2_6:
0x108: {  	p0 =	seq.s32 s8, $0x0  }
0x109: {  	p1 =	seq.s32 @!p0 s8, $0x53  }
0x10a: {  	s17 =	simm.s32 @!p0 $0x5;
	p2 =	por p1, p0  }
0x10b: {  	_ =	swait.ge @!p0 [sflag:s17], $0x190;
	s25 =	smul.u32 @!p2 $0x60, s8  }
0x10c: {  	[sflag:s17] =	ssyncset.done @!p0 $0x0  }
0x10d: {  	[sflag:s17] =	ssyncadd.s32 @!p0 $0xFFFFFE70;
	s25 =	sadd.s32 @!p2 s31, s25  }
0x10e: {  	_ =	swait.ge @!p0 [sflag:s17], $0x190;
	s25 =	smul.u32 @!p2 $0x320, s25  }
0x10f: {  	[sflag:s17] =	ssyncset.done @!p0 $0x0  }
0x110: {  	[sflag:s17] =	ssyncadd.s32 @!p0 $0xFFFFFE70;
	s17 =	sshrl.u32 @!p2 s25, $0x3  }
0x111: {  	s28 =	simm.s32 @!p2 $0x0;
	s29 =	simm.s32 @!p2 $0x19B00;
	s25 =	sadd.s32 @!p2 s1, s17  }
0x112: {  	[tilespmem:s29], [sflag:$0x2] =	stream.linear.gather @!p2 [hbm4b:s25+s28], $0x320, $0x38;
	[tilespmem:$0x1DD00] =	vst v63  }
0x113: {  	s25 =	sadd.s32 @!p2 s2, s17;
	s29 =	simm.s32 @!p2 $0x1A400  }
0x114: {  	[tilespmem:s29], [sflag:$0x2] =	stream.linear.gather @!p2 [hbm4b:s25+s28], $0x190, $0x38;
	[tilespmem:$0x1DD00] =	vst v63  }
0x115: {  	s25 =	sadd.s32 @!p2 $0x32, s25;
	s29 =	simm.s32 @!p2 $0x1AA00  }
0x116: {  	[tilespmem:s29], [sflag:$0x2] =	stream.linear.gather @!p2 [hbm4b:s25+s28], $0x190, $0x38;
	[tilespmem:$0x1DD00] =	vst v63  }
0x117: {  	s17 =	sadd.s32 @!p2 s3, s17;
	s25 =	simm.s32 @!p2 $0x1B180  }
0x118: {  	[tilespmem:s25], [sflag:$0x2] =	stream.linear.gather @!p2 [hbm4b:s17+s28], $0x320, $0x38;
	[tilespmem:$0x1DD00] =	vst v63  }
0x119: {  	_ =	swait.ge [sflag:s18], $0x320  }
0x11a: {  	[sflag:s18] =	ssyncset.done $0x0  }
0x11b: {  	[sflag:s18] =	ssyncadd.s32 $0xFFFFFCE0  }
0x11c: {  	_ =	swait.ge [sflag:s18], $0x190  }
0x11d: {  	[sflag:s18] =	ssyncset.done $0x0  }
0x11e: {  	[sflag:s18] =	ssyncadd.s32 $0xFFFFFE70  }
0x11f: {  	_ =	swait.ge [sflag:s18], $0x190  }
0x120: {  	[sflag:s18] =	ssyncset.done $0x0  }
0x121: {  	[sflag:s18] =	ssyncadd.s32 $0xFFFFFE70  }
0x122: {  	_ =	swait.ge [sflag:s18], $0x320  }
0x123: {  	[sflag:s18] =	ssyncset.done $0x0  }
0x124: {  	s17 =	simm.s32 $0x0;
	[sflag:s18] =	ssyncadd.s32 $0xFFFFFCE0  }
0x125: {  	v2 =	vld [tilespmem:s17+$0x19780];
	_ =	sdelay $0x4  }
0x126: {  	v3 =	vld [tilespmem:s17+$0x1A200];
	v2 =	vmul.f32 $2.909090880e+02, v2  }
0x127: {  	v4 =	vld [tilespmem:s17+$0x1AE00]  }
0x128: {  	v2 =	vtrunc.f32 v2  }
0x129: {  	v2 =	vcvt.f32.s32 v2;
	_ =	sdelay $0x1  }
0x12a: {  	vm0 =	vlt.s32 v2, $0xFFF  }
0x12b: {  	v5 =	vld [tilespmem:s17+$0x19790];
	v2 =	vnsel vm0, $0xFFF, v2;
	_ =	sdelay $0x1  }
0x12c: {  	v3 =	vld.idx.msk [tilespmem:v3+s6+$0x0], $0xffff  }
0x12d: {  	v4 =	vld.idx.msk [tilespmem:v4+s6+$0x0], $0xffff  }
0x12e: {  	v6 =	vld [tilespmem:s17+$0x1A210]  }
0x12f: {  	v5 =	vmul.f32 $2.909090880e+02, v5;
	v2 =	vld.idx.msk [tilespmem:v2+s19+$0x0], $0xffff  }
0x130: {  	v7 =	vld [tilespmem:s17+$0x1AE10]  }
0x131: {  	v5 =	vtrunc.f32 v5  }
0x132: {  	v5 =	vcvt.f32.s32 v5;
	v3 =	vmul.f32 v4, v3;
	_ =	sdelay $0x1  }
0x133: {  	vm13 =	vlt.s32 v5, $0xFFF;
	v2 =	vmul.f32 v2, v3  }
0x134: {  	v4 =	vld [tilespmem:s17+$0x197A0];
	v3 =	vnsel vm13, $0xFFF, v5  }
0x135: {  	[tilespmem:s17+$0x1B880] =	vst v2  }
0x136: {  	v2 =	vld.idx.msk [tilespmem:v6+s6+$0x0], $0xffff  }
0x137: {  	v6 =	vld.idx.msk [tilespmem:v7+s6+$0x0], $0xffff  }
0x138: {  	v7 =	vld [tilespmem:s17+$0x1A220]  }
0x139: {  	v4 =	vmul.f32 $2.909090880e+02, v4;
	v3 =	vld.idx.msk [tilespmem:v3+s19+$0x0], $0xffff  }
0x13a: {  	v8 =	vld [tilespmem:s17+$0x1AE20]  }
0x13b: {  	v4 =	vtrunc.f32 v4  }
0x13c: {  	v4 =	vcvt.f32.s32 v4;
	v2 =	vmul.f32 v6, v2;
	_ =	sdelay $0x1  }
0x13d: {  	v5 =	vld [tilespmem:s17+$0x197B0];
	vm14 =	vlt.s32 v4, $0xFFF;
	v2 =	vmul.f32 v3, v2  }
0x13e: {  	v4 =	vnsel vm14, $0xFFF, v4  }
0x13f: {  	[tilespmem:s17+$0x1B890] =	vst v2  }
0x140: {  	v2 =	vld.idx.msk [tilespmem:v7+s6+$0x0], $0xffff  }
0x141: {  	v3 =	vld.idx.msk [tilespmem:v8+s6+$0x0], $0xffff  }
0x142: {  	v5 =	vmul.f32 $2.909090880e+02, v5;
	v6 =	vld [tilespmem:s17+$0x1A230]  }
0x143: {  	v4 =	vld.idx.msk [tilespmem:v4+s19+$0x0], $0xffff  }
0x144: {  	v5 =	vtrunc.f32 v5;
	v7 =	vld [tilespmem:s17+$0x1AE30]  }
0x145: {  	v5 =	vcvt.f32.s32 v5  }
0x146: {  	v2 =	vmul.f32 v3, v2  }
0x147: {  	vm15 =	vlt.s32 v5, $0xFFF  }
0x148: {  	s25 =	simm.s32 $0x40;
	v3 =	vnsel vm15, $0xFFF, v5;
	v2 =	vmul.f32 v4, v2  }
0x149: {  	v4 =	vld [tilespmem:s25+$0x19780]  }
0x14a: {  	v10 =	vld [tilespmem:s25+$0x19790];
	[tilespmem:s17+$0x1B8A0] =	vst v2  }
0x14b: {  	v8 =	vld.idx.msk [tilespmem:v6+s6+$0x0], $0xffff  }
0x14c: {  	v9 =	vld.idx.msk [tilespmem:v7+s6+$0x0], $0xffff  }
0x14d: {  	v5 =	vld.idx.msk [tilespmem:v3+s19+$0x0], $0xffff  }
0x14e: {  	v3 =	vld [tilespmem:s25+$0x197A0];
	v2 =	vmul.f32 $2.909090880e+02, v4  }
0x14f: {  	p3 =	por @!p0 $0x0, $0x0;
	p4 =	por @!p2 $0x1, $0x1;
	p2 =	por !p1, p0;
	v6 =	vld [tilespmem:s25+$0x1A200];
	v4 =	vmul.f32 $2.909090880e+02, v10  }
0x150: {  	p4 =	por @!p2 p3, p3;
	p2 =	por $0x1, $0x1;
	v7 =	vld [tilespmem:s25+$0x1AE00];
	v2 =	vtrunc.f32 v2  }
0x151: {  	s28 =	simm.s32 $0x200;
	p2 =	por @!p0 p4, p4;
	v10 =	vcvt.f32.s32 v2;
	v2 =	vtrunc.f32 v4;
	v4 =	vld [tilespmem:s25+$0x197B0]  }
.LBB2_7:
0x152: {  	p3 =	sne.s32 s28, $0x500;
	v8 =	vmul.f32 v9, v8;
	s29 =	smov.u32 s28;
	s28 =	sadd.s32 $0x100, s28  }
0x153: {  	vm0 =	vlt.s32 v10, $0xFFF;
	v3 =	vmul.f32 $2.909090880e+02, v3  }
0x154: {  	v9 =	vnsel vm0, $0xFFF, v10;
	v5 =	vmul.f32 v5, v8  }
0x155: {  	v3 =	vtrunc.f32 v3  }
0x156: {  	v3 =	vcvt.f32.s32 v3;
	v4 =	vmul.f32 $2.909090880e+02, v4;
	[tilespmem:s17+$0x1B8B0] =	vst v5;
	s17 =	smov.u32 s25  }
0x157: {  	v5 =	vld.idx.msk [tilespmem:v6+s6+$0x0], $0xffff  }
0x158: {  	v6 =	vld.idx.msk [tilespmem:v7+s6+$0x0], $0xffff;
	vm0 =	vlt.s32 v3, $0xFFF;
	v4 =	vtrunc.f32 v4  }
0x159: {  	v7 =	vld.idx.msk [tilespmem:v9+s19+$0x0], $0xffff;
	v3 =	vnsel vm0, $0xFFF, v3;
	v4 =	vcvt.f32.s32 v4;
	_ =	sdelay $0x1  }
0x15a: {  	v8 =	vld [tilespmem:s17+$0x1A210];
	vm0 =	vlt.s32 v4, $0xFFF  }
0x15b: {  	v9 =	vld [tilespmem:s17+$0x1AE10];
	v4 =	vnsel vm0, $0xFFF, v4;
	_ =	sdelay $0x1  }
0x15c: {  	v2 =	vcvt.f32.s32 v2;
	v5 =	vmul.f32 v6, v5;
	_ =	sdelay $0x1  }
0x15d: {  	vm0 =	vlt.s32 v2, $0xFFF;
	v5 =	vmul.f32 v7, v5  }
0x15e: {  	v2 =	vnsel vm0, $0xFFF, v2  }
0x15f: {  	[tilespmem:s17+$0x1B880] =	vst v5  }
0x160: {  	v5 =	vld.idx.msk [tilespmem:v8+s6+$0x0], $0xffff  }
0x161: {  	v6 =	vld.idx.msk [tilespmem:v9+s6+$0x0], $0xffff;
	_ =	sdelay $0x1  }
0x162: {  	v2 =	vld.idx.msk [tilespmem:v2+s19+$0x0], $0xffff  }
0x163: {  	v7 =	vld [tilespmem:s17+$0x1A220]  }
0x164: {  	v8 =	vld [tilespmem:s17+$0x1AE20];
	_ =	sdelay $0x1  }
0x165: {  	v5 =	vmul.f32 v6, v5;
	_ =	sdelay $0x1  }
0x166: {  	v2 =	vmul.f32 v2, v5;
	_ =	sdelay $0x1  }
0x167: {  	[tilespmem:s17+$0x1B890] =	vst v2  }
0x168: {  	v2 =	vld.idx.msk [tilespmem:v7+s6+$0x0], $0xffff  }
0x169: {  	v5 =	vld.idx.msk [tilespmem:v8+s6+$0x0], $0xffff;
	_ =	sdelay $0x1  }
0x16a: {  	v3 =	vld.idx.msk [tilespmem:v3+s19+$0x0], $0xffff  }
0x16b: {  	v6 =	vld [tilespmem:s17+$0x1A230]  }
0x16c: {  	v7 =	vld [tilespmem:s17+$0x1AE30];
	_ =	sdelay $0x1  }
0x16d: {  	v2 =	vmul.f32 v5, v2;
	_ =	sdelay $0x1  }
0x16e: {  	s25 =	sshra.s32 s29, $0x2;
	v2 =	vmul.f32 v3, v2  }
0x16f: {  	v3 =	vld [tilespmem:s25+$0x19780]  }
0x170: {  	v10 =	vld [tilespmem:s25+$0x19790];
	[tilespmem:s17+$0x1B8A0] =	vst v2  }
0x171: {  	v8 =	vld.idx.msk [tilespmem:v6+s6+$0x0], $0xffff  }
0x172: {  	v9 =	vld.idx.msk [tilespmem:v7+s6+$0x0], $0xffff  }
.Ltmp6:
0x173: {  	v5 =	vld.idx.msk [tilespmem:v4+s19+$0x0], $0xffff;
	(pc) =	sbr.rel @p3 .LBB2_7-.Ltmp6, $4  }
0x174: {  	v2 =	vmul.f32 $2.909090880e+02, v3;
	v3 =	vld [tilespmem:s25+$0x197A0]  }
0x175: {  	v6 =	vld [tilespmem:s25+$0x1A200];
	v4 =	vmul.f32 $2.909090880e+02, v10  }
0x176: {  	v7 =	vld [tilespmem:s25+$0x1AE00];
	v2 =	vtrunc.f32 v2  }
0x177: {  	v10 =	vcvt.f32.s32 v2;
	v2 =	vtrunc.f32 v4;
	v4 =	vld [tilespmem:s25+$0x197B0]  }
0x178: {  	_ = 	snop  }
0x179: {  	v8 =	vmul.f32 v9, v8;
	_ =	sdelay $0x1  }
0x17a: {  	vm0 =	vlt.s32 v10, $0xFFF;
	v5 =	vmul.f32 v5, v8  }
0x17b: {  	v9 =	vnsel vm0, $0xFFF, v10  }
0x17c: {  	[tilespmem:s17+$0x1B8B0] =	vst v5  }
0x17d: {  	v5 =	vld.idx.msk [tilespmem:v6+s6+$0x0], $0xffff  }
0x17e: {  	v6 =	vld.idx.msk [tilespmem:v7+s6+$0x0], $0xffff  }
0x17f: {  	v8 =	vld [tilespmem:s25+$0x1A210]  }
0x180: {  	v7 =	vld.idx.msk [tilespmem:v9+s19+$0x0], $0xffff  }
0x181: {  	v9 =	vld [tilespmem:s25+$0x1AE10];
	_ =	sdelay $0x1  }
0x182: {  	v2 =	vcvt.f32.s32 v2;
	v5 =	vmul.f32 v6, v5;
	_ =	sdelay $0x1  }
0x183: {  	vm9 =	vlt.s32 v2, $0xFFF;
	v5 =	vmul.f32 v7, v5  }
0x184: {  	v2 =	vnsel vm9, $0xFFF, v2  }
0x185: {  	[tilespmem:s25+$0x1B880] =	vst v5  }
0x186: {  	v5 =	vld.idx.msk [tilespmem:v8+s6+$0x0], $0xffff  }
0x187: {  	v6 =	vld.idx.msk [tilespmem:v9+s6+$0x0], $0xffff  }
0x188: {  	v7 =	vld [tilespmem:s25+$0x1A220]  }
0x189: {  	v3 =	vmul.f32 $2.909090880e+02, v3;
	v2 =	vld.idx.msk [tilespmem:v2+s19+$0x0], $0xffff  }
0x18a: {  	v8 =	vld [tilespmem:s25+$0x1AE20]  }
0x18b: {  	v3 =	vtrunc.f32 v3  }
0x18c: {  	v3 =	vcvt.f32.s32 v3;
	v5 =	vmul.f32 v6, v5;
	_ =	sdelay $0x1  }
0x18d: {  	vm10 =	vlt.s32 v3, $0xFFF;
	v2 =	vmul.f32 v2, v5  }
0x18e: {  	v3 =	vnsel vm10, $0xFFF, v3  }
0x18f: {  	[tilespmem:s25+$0x1B890] =	vst v2  }
0x190: {  	v2 =	vld.idx.msk [tilespmem:v7+s6+$0x0], $0xffff  }
0x191: {  	v5 =	vld.idx.msk [tilespmem:v8+s6+$0x0], $0xffff  }
0x192: {  	v6 =	vld [tilespmem:s25+$0x1A230]  }
0x193: {  	v4 =	vmul.f32 $2.909090880e+02, v4;
	v3 =	vld.idx.msk [tilespmem:v3+s19+$0x0], $0xffff  }
0x194: {  	v7 =	vld [tilespmem:s25+$0x1AE30]  }
0x195: {  	v4 =	vtrunc.f32 v4  }
0x196: {  	v4 =	vcvt.f32.s32 v4;
	v2 =	vmul.f32 v5, v2;
	_ =	sdelay $0x1  }
0x197: {  	vm11 =	vlt.s32 v4, $0xFFF;
	v2 =	vmul.f32 v3, v2  }
0x198: {  	v3 =	vnsel vm11, $0xFFF, v4  }
0x199: {  	[tilespmem:s25+$0x1B8A0] =	vst v2  }
0x19a: {  	v2 =	vld.idx.msk [tilespmem:v6+s6+$0x0], $0xffff  }
0x19b: {  	v4 =	vld.idx.msk [tilespmem:v7+s6+$0x0], $0xffff;
	_ =	sdelay $0x1  }
0x19c: {  	v3 =	vld.idx.msk [tilespmem:v3+s19+$0x0], $0xffff;
	_ =	sdelay $0x2  }
0x19d: {  	v2 =	vmul.f32 v4, v2;
	_ =	sdelay $0x1  }
0x19e: {  	v2 =	vmul.f32 v3, v2;
	_ =	sdelay $0x1  }
0x19f: {  	s17 =	simm.s32 $0x0;
	[tilespmem:s25+$0x1B8B0] =	vst v2  }
0x1a0: {  	[spmem:s5] =	stream.indirect.scatter.add.f32 [tilespmem:s21], [sflag:$0x4], $0x1, s10, s20, $0xb8;
	[tilespmem:$0x1DD00] =	vst v63  }
0x1a1: {  	v2 =	vld [tilespmem:s17+$0x19910];
	_ =	sdelay $0x4  }
0x1a2: {  	v3 =	vld [tilespmem:s17+$0x1A800];
	v2 =	vmul.f32 $2.909090880e+02, v2  }
0x1a3: {  	v4 =	vld [tilespmem:s17+$0x1AF90]  }
0x1a4: {  	v2 =	vtrunc.f32 v2  }
0x1a5: {  	v2 =	vcvt.f32.s32 v2;
	_ =	sdelay $0x1  }
0x1a6: {  	vm12 =	vlt.s32 v2, $0xFFF  }
0x1a7: {  	v5 =	vld [tilespmem:s17+$0x19920];
	v2 =	vnsel vm12, $0xFFF, v2;
	_ =	sdelay $0x1  }
0x1a8: {  	v3 =	vld.idx.msk [tilespmem:v3+s6+$0x0], $0xffff  }
0x1a9: {  	v4 =	vld.idx.msk [tilespmem:v4+s6+$0x0], $0xffff  }
0x1aa: {  	v6 =	vld [tilespmem:s17+$0x1A810]  }
0x1ab: {  	v5 =	vmul.f32 $2.909090880e+02, v5;
	v2 =	vld.idx.msk [tilespmem:v2+s19+$0x0], $0xffff  }
0x1ac: {  	v7 =	vld [tilespmem:s17+$0x1AFA0]  }
0x1ad: {  	v5 =	vtrunc.f32 v5  }
0x1ae: {  	v5 =	vcvt.f32.s32 v5;
	v3 =	vmul.f32 v4, v3;
	_ =	sdelay $0x1  }
0x1af: {  	vm13 =	vlt.s32 v5, $0xFFF;
	v2 =	vmul.f32 v2, v3  }
0x1b0: {  	v4 =	vld [tilespmem:s17+$0x19930];
	v3 =	vnsel vm13, $0xFFF, v5  }
0x1b1: {  	[tilespmem:s17+$0x1BE80] =	vst v2  }
0x1b2: {  	v2 =	vld.idx.msk [tilespmem:v6+s6+$0x0], $0xffff  }
0x1b3: {  	v6 =	vld.idx.msk [tilespmem:v7+s6+$0x0], $0xffff  }
0x1b4: {  	v7 =	vld [tilespmem:s17+$0x1A820]  }
0x1b5: {  	v4 =	vmul.f32 $2.909090880e+02, v4;
	v3 =	vld.idx.msk [tilespmem:v3+s19+$0x0], $0xffff  }
0x1b6: {  	v8 =	vld [tilespmem:s17+$0x1AFB0]  }
0x1b7: {  	v4 =	vtrunc.f32 v4  }
0x1b8: {  	v4 =	vcvt.f32.s32 v4;
	v2 =	vmul.f32 v6, v2;
	_ =	sdelay $0x1  }
0x1b9: {  	v5 =	vld [tilespmem:s17+$0x19940];
	vm14 =	vlt.s32 v4, $0xFFF;
	v2 =	vmul.f32 v3, v2  }
0x1ba: {  	v4 =	vnsel vm14, $0xFFF, v4  }
0x1bb: {  	[tilespmem:s17+$0x1BE90] =	vst v2  }
0x1bc: {  	v2 =	vld.idx.msk [tilespmem:v7+s6+$0x0], $0xffff  }
0x1bd: {  	v3 =	vld.idx.msk [tilespmem:v8+s6+$0x0], $0xffff  }
0x1be: {  	v5 =	vmul.f32 $2.909090880e+02, v5;
	v6 =	vld [tilespmem:s17+$0x1A830]  }
0x1bf: {  	v4 =	vld.idx.msk [tilespmem:v4+s19+$0x0], $0xffff  }
0x1c0: {  	v5 =	vtrunc.f32 v5;
	v7 =	vld [tilespmem:s17+$0x1AFC0]  }
0x1c1: {  	v5 =	vcvt.f32.s32 v5  }
0x1c2: {  	v2 =	vmul.f32 v3, v2  }
0x1c3: {  	vm15 =	vlt.s32 v5, $0xFFF  }
0x1c4: {  	s28 =	simm.s32 $0x40;
	v3 =	vnsel vm15, $0xFFF, v5;
	v2 =	vmul.f32 v4, v2  }
0x1c5: {  	v4 =	vld [tilespmem:s28+$0x19910]  }
0x1c6: {  	v10 =	vld [tilespmem:s28+$0x19920];
	[tilespmem:s17+$0x1BEA0] =	vst v2  }
0x1c7: {  	v8 =	vld.idx.msk [tilespmem:v6+s6+$0x0], $0xffff  }
0x1c8: {  	v9 =	vld.idx.msk [tilespmem:v7+s6+$0x0], $0xffff  }
0x1c9: {  	v7 =	vld.idx.msk [tilespmem:v3+s19+$0x0], $0xffff  }
0x1ca: {  	v2 =	vmul.f32 $2.909090880e+02, v4;
	v4 =	vld [tilespmem:s28+$0x19930]  }
0x1cb: {  	v5 =	vld [tilespmem:s28+$0x1A800];
	v3 =	vmul.f32 $2.909090880e+02, v10  }
0x1cc: {  	v6 =	vld [tilespmem:s28+$0x1AF90];
	v2 =	vtrunc.f32 v2  }
0x1cd: {  	s25 =	simm.s32 $0x200;
	v10 =	vcvt.f32.s32 v2;
	v2 =	vtrunc.f32 v3;
	v3 =	vld [tilespmem:s28+$0x19940]  }
.LBB2_9:
0x1ce: {  	p3 =	sne.s32 s25, $0x500;
	v8 =	vmul.f32 v9, v8;
	s29 =	smov.u32 s25;
	s25 =	sadd.s32 $0x100, s25  }
0x1cf: {  	vm0 =	vlt.s32 v10, $0xFFF;
	v4 =	vmul.f32 $2.909090880e+02, v4  }
0x1d0: {  	v9 =	vnsel vm0, $0xFFF, v10;
	v7 =	vmul.f32 v7, v8  }
0x1d1: {  	v4 =	vtrunc.f32 v4  }
0x1d2: {  	v4 =	vcvt.f32.s32 v4;
	v3 =	vmul.f32 $2.909090880e+02, v3;
	[tilespmem:s17+$0x1BEB0] =	vst v7;
	s17 =	smov.u32 s28  }
0x1d3: {  	v5 =	vld.idx.msk [tilespmem:v5+s6+$0x0], $0xffff  }
0x1d4: {  	v6 =	vld.idx.msk [tilespmem:v6+s6+$0x0], $0xffff;
	vm0 =	vlt.s32 v4, $0xFFF;
	v3 =	vtrunc.f32 v3  }
0x1d5: {  	v7 =	vld.idx.msk [tilespmem:v9+s19+$0x0], $0xffff;
	v4 =	vnsel vm0, $0xFFF, v4;
	v3 =	vcvt.f32.s32 v3;
	_ =	sdelay $0x1  }
0x1d6: {  	v8 =	vld [tilespmem:s17+$0x1A810];
	vm0 =	vlt.s32 v3, $0xFFF  }
0x1d7: {  	v9 =	vld [tilespmem:s17+$0x1AFA0];
	v3 =	vnsel vm0, $0xFFF, v3;
	_ =	sdelay $0x1  }
0x1d8: {  	v2 =	vcvt.f32.s32 v2;
	v5 =	vmul.f32 v6, v5;
	_ =	sdelay $0x1  }
0x1d9: {  	vm0 =	vlt.s32 v2, $0xFFF;
	v5 =	vmul.f32 v7, v5  }
0x1da: {  	v2 =	vnsel vm0, $0xFFF, v2  }
0x1db: {  	[tilespmem:s17+$0x1BE80] =	vst v5  }
0x1dc: {  	v5 =	vld.idx.msk [tilespmem:v8+s6+$0x0], $0xffff  }
0x1dd: {  	v6 =	vld.idx.msk [tilespmem:v9+s6+$0x0], $0xffff;
	_ =	sdelay $0x1  }
0x1de: {  	v2 =	vld.idx.msk [tilespmem:v2+s19+$0x0], $0xffff  }
0x1df: {  	v7 =	vld [tilespmem:s17+$0x1A820]  }
0x1e0: {  	v8 =	vld [tilespmem:s17+$0x1AFB0];
	_ =	sdelay $0x1  }
0x1e1: {  	v5 =	vmul.f32 v6, v5;
	_ =	sdelay $0x1  }
0x1e2: {  	v2 =	vmul.f32 v2, v5;
	_ =	sdelay $0x1  }
0x1e3: {  	[tilespmem:s17+$0x1BE90] =	vst v2  }
0x1e4: {  	v2 =	vld.idx.msk [tilespmem:v7+s6+$0x0], $0xffff  }
0x1e5: {  	v5 =	vld.idx.msk [tilespmem:v8+s6+$0x0], $0xffff;
	_ =	sdelay $0x1  }
0x1e6: {  	v4 =	vld.idx.msk [tilespmem:v4+s19+$0x0], $0xffff  }
0x1e7: {  	v6 =	vld [tilespmem:s17+$0x1A830]  }
0x1e8: {  	v7 =	vld [tilespmem:s17+$0x1AFC0];
	_ =	sdelay $0x1  }
0x1e9: {  	v2 =	vmul.f32 v5, v2;
	_ =	sdelay $0x1  }
0x1ea: {  	s28 =	sshra.s32 s29, $0x2;
	v2 =	vmul.f32 v4, v2  }
0x1eb: {  	v4 =	vld [tilespmem:s28+$0x19910]  }
0x1ec: {  	v10 =	vld [tilespmem:s28+$0x19920];
	[tilespmem:s17+$0x1BEA0] =	vst v2  }
0x1ed: {  	v8 =	vld.idx.msk [tilespmem:v6+s6+$0x0], $0xffff  }
0x1ee: {  	v9 =	vld.idx.msk [tilespmem:v7+s6+$0x0], $0xffff  }
.Ltmp7:
0x1ef: {  	v7 =	vld.idx.msk [tilespmem:v3+s19+$0x0], $0xffff;
	(pc) =	sbr.rel @p3 .LBB2_9-.Ltmp7, $4  }
0x1f0: {  	v2 =	vmul.f32 $2.909090880e+02, v4;
	v4 =	vld [tilespmem:s28+$0x19930]  }
0x1f1: {  	v5 =	vld [tilespmem:s28+$0x1A800];
	v3 =	vmul.f32 $2.909090880e+02, v10  }
0x1f2: {  	v6 =	vld [tilespmem:s28+$0x1AF90];
	v2 =	vtrunc.f32 v2  }
0x1f3: {  	v10 =	vcvt.f32.s32 v2;
	v2 =	vtrunc.f32 v3;
	v3 =	vld [tilespmem:s28+$0x19940]  }
0x1f4: {  	_ = 	snop  }
0x1f5: {  	v8 =	vmul.f32 v9, v8;
	_ =	sdelay $0x1  }
0x1f6: {  	vm0 =	vlt.s32 v10, $0xFFF;
	v7 =	vmul.f32 v7, v8  }
0x1f7: {  	v54 =	vnsel vm0, $0xFFF, v10  }
0x1f8: {  	[tilespmem:s17+$0x1BEB0] =	vst v7  }
0x1f9: {  	v5 =	vld.idx.msk [tilespmem:v5+s6+$0x0], $0xffff  }
0x1fa: {  	v6 =	vld.idx.msk [tilespmem:v6+s6+$0x0], $0xffff  }
0x1fb: {  	v55 =	vld [tilespmem:s28+$0x1A810]  }
0x1fc: {  	v7 =	vld.idx.msk [tilespmem:v54+s19+$0x0], $0xffff  }
0x1fd: {  	v56 =	vld [tilespmem:s28+$0x1AFA0];
	_ =	sdelay $0x1  }
0x1fe: {  	v2 =	vcvt.f32.s32 v2;
	v5 =	vmul.f32 v6, v5;
	_ =	sdelay $0x1  }
0x1ff: {  	vm13 =	vlt.s32 v2, $0xFFF;
	v5 =	vmul.f32 v7, v5  }
0x200: {  	v2 =	vnsel vm13, $0xFFF, v2  }
0x201: {  	[tilespmem:s28+$0x1BE80] =	vst v5  }
0x202: {  	v5 =	vld.idx.msk [tilespmem:v55+s6+$0x0], $0xffff  }
0x203: {  	v57 =	vld.idx.msk [tilespmem:v56+s6+$0x0], $0xffff  }
0x204: {  	v58 =	vld [tilespmem:s28+$0x1A820]  }
0x205: {  	v4 =	vmul.f32 $2.909090880e+02, v4;
	v2 =	vld.idx.msk [tilespmem:v2+s19+$0x0], $0xffff  }
0x206: {  	v59 =	vld [tilespmem:s28+$0x1AFB0]  }
0x207: {  	v4 =	vtrunc.f32 v4  }
0x208: {  	v4 =	vcvt.f32.s32 v4;
	v5 =	vmul.f32 v57, v5;
	_ =	sdelay $0x1  }
0x209: {  	vm14 =	vlt.s32 v4, $0xFFF;
	v2 =	vmul.f32 v2, v5  }
0x20a: {  	v4 =	vnsel vm14, $0xFFF, v4  }
0x20b: {  	[tilespmem:s28+$0x1BE90] =	vst v2  }
0x20c: {  	v2 =	vld.idx.msk [tilespmem:v58+s6+$0x0], $0xffff  }
0x20d: {  	v60 =	vld.idx.msk [tilespmem:v59+s6+$0x0], $0xffff  }
0x20e: {  	v61 =	vld [tilespmem:s28+$0x1A830]  }
0x20f: {  	v3 =	vmul.f32 $2.909090880e+02, v3;
	v4 =	vld.idx.msk [tilespmem:v4+s19+$0x0], $0xffff  }
0x210: {  	v62 =	vld [tilespmem:s28+$0x1AFC0]  }
0x211: {  	v3 =	vtrunc.f32 v3  }
0x212: {  	v3 =	vcvt.f32.s32 v3;
	v2 =	vmul.f32 v60, v2;
	_ =	sdelay $0x1  }
0x213: {  	vm15 =	vlt.s32 v3, $0xFFF;
	v2 =	vmul.f32 v4, v2  }
0x214: {  	v3 =	vnsel vm15, $0xFFF, v3  }
0x215: {  	[tilespmem:s28+$0x1BEA0] =	vst v2  }
0x216: {  	v2 =	vld.idx.msk [tilespmem:v61+s6+$0x0], $0xffff  }
0x217: {  	v63 =	vld.idx.msk [tilespmem:v62+s6+$0x0], $0xffff;
	_ =	sdelay $0x1  }
0x218: {  	v3 =	vld.idx.msk [tilespmem:v3+s19+$0x0], $0xffff;
	_ =	sdelay $0x2  }
0x219: {  	v2 =	vmul.f32 v63, v2;
	_ =	sdelay $0x1  }
0x21a: {  	v2 =	vmul.f32 v3, v2;
	_ =	sdelay $0x1  }
0x21b: {  	s17 =	simm.s32 @!p0 $0x6;
	[tilespmem:s28+$0x1BEB0] =	vst v2  }
0x21c: {  	[spmem:s5] =	stream.indirect.scatter.add.f32 [tilespmem:s0], [sflag:$0x4], $0x1, s12, s20, $0xb8;
	[tilespmem:$0x1DD00] =	vst v63  }
0x21d: {  	_ =	swait.ge @!p0 [sflag:s17], $0x190  }
0x21e: {  	[sflag:s17] =	ssyncset.done @!p0 $0x0  }
0x21f: {  	[sflag:s17] =	ssyncadd.s32 @!p0 $0xFFFFFE70  }
0x220: {  	_ =	swait.ge @!p0 [sflag:s17], $0x190  }
0x221: {  	p1 =	por p0, !p1;
	[sflag:s17] =	ssyncset.done @!p0 $0x0  }
0x222: {  	[sflag:s17] =	ssyncadd.s32 @!p0 $0xFFFFFE70;
	s17 =	smul.u32 @p1 $0x60, s8;
	_ =	sdelay $0x1  }
0x223: {  	s17 =	sadd.s32 @p1 s11, s17  }
0x224: {  	s17 =	smul.u32 @p1 $0x320, s17;
	_ =	sdelay $0x1  }
0x225: {  	s17 =	sshrl.u32 @p1 s17, $0x3  }
0x226: {  	s28 =	simm.s32 @p1 $0x19E80;
	s25 =	sadd.s32 @p1 s1, s17  }
0x227: {  	[tilespmem:s28], [sflag:$0x3] =	stream.linear.gather @p1 [hbm4b:s25+s6], $0x320, $0x38;
	[tilespmem:$0x1DD00] =	vst v63  }
0x228: {  	s25 =	sadd.s32 @p1 s2, s17  }
0x229: {  	[tilespmem:s24], [sflag:$0x3] =	stream.linear.gather @p1 [hbm4b:s25+s6], $0x190, $0x38;
	[tilespmem:$0x1DD00] =	vst v63  }
.Ltmp8:
0x22a: {  	_ = 	snop;
	(pc) =	sbr.rel @!p2 .LBB2_16-.Ltmp8, $4  }
0x22b: {  	p0 =	por @!p0 $0x1, $0x1;
	s25 =	sadd.s32 @p1 $0x32, s25  }
0x22c: {  	[tilespmem:s26], [sflag:$0x3] =	stream.linear.gather @p1 [hbm4b:s25+s6], $0x190, $0x38;
	[tilespmem:$0x1DD00] =	vst v63  }
0x22d: {  	p0 =	por @p1 $0x0, $0x0;
	s17 =	sadd.s32 @p1 s3, s17  }
0x22e: {  	[tilespmem:s30], [sflag:$0x3] =	stream.linear.gather @p1 [hbm4b:s17+s6], $0x320, $0x38;
	[tilespmem:$0x1DD00] =	vst v63  }
0x22f: {  	_ =	swait.ge [sflag:s7], $0x320  }
0x230: {  	[sflag:s7] =	ssyncset.done $0x0  }
0x231: {  	[sflag:s7] =	ssyncadd.s32 $0xFFFFFCE0  }
0x232: {  	_ =	swait.ge [sflag:s7], $0x190  }
0x233: {  	[sflag:s7] =	ssyncset.done $0x0  }
0x234: {  	[sflag:s7] =	ssyncadd.s32 $0xFFFFFE70  }
0x235: {  	_ =	swait.ge [sflag:s7], $0x190  }
0x236: {  	[sflag:s7] =	ssyncset.done $0x0  }
0x237: {  	[sflag:s7] =	ssyncadd.s32 $0xFFFFFE70  }
0x238: {  	_ =	swait.ge [sflag:s7], $0x320  }
0x239: {  	[sflag:s7] =	ssyncset.done $0x0  }
0x23a: {  	s17 =	simm.s32 $0x0;
	[sflag:s7] =	ssyncadd.s32 $0xFFFFFCE0  }
0x23b: {  	v2 =	vld [tilespmem:s17+$0x19B00];
	_ =	sdelay $0x4  }
0x23c: {  	v3 =	vld [tilespmem:s17+$0x1A400];
	v2 =	vmul.f32 $2.909090880e+02, v2  }
0x23d: {  	v4 =	vld [tilespmem:s17+$0x1B180]  }
0x23e: {  	v2 =	vtrunc.f32 v2  }
0x23f: {  	v2 =	vcvt.f32.s32 v2;
	_ =	sdelay $0x1  }
0x240: {  	vm0 =	vlt.s32 v2, $0xFFF  }
0x241: {  	v5 =	vld [tilespmem:s17+$0x19B10];
	v2 =	vnsel vm0, $0xFFF, v2;
	_ =	sdelay $0x1  }
0x242: {  	v3 =	vld.idx.msk [tilespmem:v3+s6+$0x0], $0xffff  }
0x243: {  	v4 =	vld.idx.msk [tilespmem:v4+s6+$0x0], $0xffff  }
0x244: {  	v6 =	vld [tilespmem:s17+$0x1A410]  }
0x245: {  	v5 =	vmul.f32 $2.909090880e+02, v5;
	v2 =	vld.idx.msk [tilespmem:v2+s19+$0x0], $0xffff  }
0x246: {  	v7 =	vld [tilespmem:s17+$0x1B190]  }
0x247: {  	v5 =	vtrunc.f32 v5  }
0x248: {  	v5 =	vcvt.f32.s32 v5;
	v3 =	vmul.f32 v4, v3;
	_ =	sdelay $0x1  }
0x249: {  	vm13 =	vlt.s32 v5, $0xFFF;
	v2 =	vmul.f32 v2, v3  }
0x24a: {  	v4 =	vld [tilespmem:s17+$0x19B20];
	v3 =	vnsel vm13, $0xFFF, v5  }
0x24b: {  	[tilespmem:s17+$0x1BA80] =	vst v2  }
0x24c: {  	v2 =	vld.idx.msk [tilespmem:v6+s6+$0x0], $0xffff  }
0x24d: {  	v6 =	vld.idx.msk [tilespmem:v7+s6+$0x0], $0xffff  }
0x24e: {  	v7 =	vld [tilespmem:s17+$0x1A420]  }
0x24f: {  	v4 =	vmul.f32 $2.909090880e+02, v4;
	v3 =	vld.idx.msk [tilespmem:v3+s19+$0x0], $0xffff  }
0x250: {  	v8 =	vld [tilespmem:s17+$0x1B1A0]  }
0x251: {  	v4 =	vtrunc.f32 v4  }
0x252: {  	v4 =	vcvt.f32.s32 v4;
	v2 =	vmul.f32 v6, v2;
	_ =	sdelay $0x1  }
0x253: {  	v5 =	vld [tilespmem:s17+$0x19B30];
	vm14 =	vlt.s32 v4, $0xFFF;
	v2 =	vmul.f32 v3, v2  }
0x254: {  	v4 =	vnsel vm14, $0xFFF, v4  }
0x255: {  	[tilespmem:s17+$0x1BA90] =	vst v2  }
0x256: {  	v2 =	vld.idx.msk [tilespmem:v7+s6+$0x0], $0xffff  }
0x257: {  	v3 =	vld.idx.msk [tilespmem:v8+s6+$0x0], $0xffff  }
0x258: {  	v5 =	vmul.f32 $2.909090880e+02, v5;
	v6 =	vld [tilespmem:s17+$0x1A430]  }
0x259: {  	v4 =	vld.idx.msk [tilespmem:v4+s19+$0x0], $0xffff  }
0x25a: {  	v5 =	vtrunc.f32 v5;
	v7 =	vld [tilespmem:s17+$0x1B1B0]  }
0x25b: {  	v5 =	vcvt.f32.s32 v5  }
0x25c: {  	v2 =	vmul.f32 v3, v2  }
0x25d: {  	vm15 =	vlt.s32 v5, $0xFFF  }
0x25e: {  	s28 =	simm.s32 $0x40;
	v3 =	vnsel vm15, $0xFFF, v5;
	v2 =	vmul.f32 v4, v2  }
0x25f: {  	v4 =	vld [tilespmem:s28+$0x19B00]  }
0x260: {  	v10 =	vld [tilespmem:s28+$0x19B10];
	[tilespmem:s17+$0x1BAA0] =	vst v2  }
0x261: {  	v8 =	vld.idx.msk [tilespmem:v6+s6+$0x0], $0xffff  }
0x262: {  	v9 =	vld.idx.msk [tilespmem:v7+s6+$0x0], $0xffff  }
0x263: {  	v7 =	vld.idx.msk [tilespmem:v3+s19+$0x0], $0xffff  }
0x264: {  	v2 =	vmul.f32 $2.909090880e+02, v4;
	v4 =	vld [tilespmem:s28+$0x19B20]  }
0x265: {  	v5 =	vld [tilespmem:s28+$0x1A400];
	v3 =	vmul.f32 $2.909090880e+02, v10  }
0x266: {  	v6 =	vld [tilespmem:s28+$0x1B180];
	v2 =	vtrunc.f32 v2  }
0x267: {  	s25 =	simm.s32 $0x200;
	v10 =	vcvt.f32.s32 v2;
	v2 =	vtrunc.f32 v3;
	v3 =	vld [tilespmem:s28+$0x19B30]  }
.LBB2_12:
0x268: {  	p1 =	sne.s32 s25, $0x500;
	v8 =	vmul.f32 v9, v8;
	s29 =	smov.u32 s25;
	s25 =	sadd.s32 $0x100, s25  }
0x269: {  	vm0 =	vlt.s32 v10, $0xFFF;
	v4 =	vmul.f32 $2.909090880e+02, v4  }
0x26a: {  	v9 =	vnsel vm0, $0xFFF, v10;
	v7 =	vmul.f32 v7, v8  }
0x26b: {  	v4 =	vtrunc.f32 v4  }
0x26c: {  	v4 =	vcvt.f32.s32 v4;
	v3 =	vmul.f32 $2.909090880e+02, v3;
	[tilespmem:s17+$0x1BAB0] =	vst v7;
	s17 =	smov.u32 s28  }
0x26d: {  	v5 =	vld.idx.msk [tilespmem:v5+s6+$0x0], $0xffff  }
0x26e: {  	v6 =	vld.idx.msk [tilespmem:v6+s6+$0x0], $0xffff;
	vm0 =	vlt.s32 v4, $0xFFF;
	v3 =	vtrunc.f32 v3  }
0x26f: {  	v7 =	vld.idx.msk [tilespmem:v9+s19+$0x0], $0xffff;
	v4 =	vnsel vm0, $0xFFF, v4;
	v3 =	vcvt.f32.s32 v3;
	_ =	sdelay $0x1  }
0x270: {  	v8 =	vld [tilespmem:s17+$0x1A410];
	vm0 =	vlt.s32 v3, $0xFFF  }
0x271: {  	v9 =	vld [tilespmem:s17+$0x1B190];
	v3 =	vnsel vm0, $0xFFF, v3;
	_ =	sdelay $0x1  }
0x272: {  	v2 =	vcvt.f32.s32 v2;
	v5 =	vmul.f32 v6, v5;
	_ =	sdelay $0x1  }
0x273: {  	vm0 =	vlt.s32 v2, $0xFFF;
	v5 =	vmul.f32 v7, v5  }
0x274: {  	v2 =	vnsel vm0, $0xFFF, v2  }
0x275: {  	[tilespmem:s17+$0x1BA80] =	vst v5  }
0x276: {  	v5 =	vld.idx.msk [tilespmem:v8+s6+$0x0], $0xffff  }
0x277: {  	v6 =	vld.idx.msk [tilespmem:v9+s6+$0x0], $0xffff;
	_ =	sdelay $0x1  }
0x278: {  	v2 =	vld.idx.msk [tilespmem:v2+s19+$0x0], $0xffff  }
0x279: {  	v7 =	vld [tilespmem:s17+$0x1A420]  }
0x27a: {  	v8 =	vld [tilespmem:s17+$0x1B1A0];
	_ =	sdelay $0x1  }
0x27b: {  	v5 =	vmul.f32 v6, v5;
	_ =	sdelay $0x1  }
0x27c: {  	v2 =	vmul.f32 v2, v5;
	_ =	sdelay $0x1  }
0x27d: {  	[tilespmem:s17+$0x1BA90] =	vst v2  }
0x27e: {  	v2 =	vld.idx.msk [tilespmem:v7+s6+$0x0], $0xffff  }
0x27f: {  	v5 =	vld.idx.msk [tilespmem:v8+s6+$0x0], $0xffff;
	_ =	sdelay $0x1  }
0x280: {  	v4 =	vld.idx.msk [tilespmem:v4+s19+$0x0], $0xffff  }
0x281: {  	v6 =	vld [tilespmem:s17+$0x1A430]  }
0x282: {  	v7 =	vld [tilespmem:s17+$0x1B1B0];
	_ =	sdelay $0x1  }
0x283: {  	v2 =	vmul.f32 v5, v2;
	_ =	sdelay $0x1  }
0x284: {  	s28 =	sshra.s32 s29, $0x2;
	v2 =	vmul.f32 v4, v2  }
0x285: {  	v4 =	vld [tilespmem:s28+$0x19B00]  }
0x286: {  	v10 =	vld [tilespmem:s28+$0x19B10];
	[tilespmem:s17+$0x1BAA0] =	vst v2  }
0x287: {  	v8 =	vld.idx.msk [tilespmem:v6+s6+$0x0], $0xffff  }
0x288: {  	v9 =	vld.idx.msk [tilespmem:v7+s6+$0x0], $0xffff  }
.Ltmp9:
0x289: {  	v7 =	vld.idx.msk [tilespmem:v3+s19+$0x0], $0xffff;
	(pc) =	sbr.rel @p1 .LBB2_12-.Ltmp9, $4  }
0x28a: {  	v2 =	vmul.f32 $2.909090880e+02, v4;
	v4 =	vld [tilespmem:s28+$0x19B20]  }
0x28b: {  	v5 =	vld [tilespmem:s28+$0x1A400];
	v3 =	vmul.f32 $2.909090880e+02, v10  }
0x28c: {  	v6 =	vld [tilespmem:s28+$0x1B180];
	v2 =	vtrunc.f32 v2  }
0x28d: {  	v10 =	vcvt.f32.s32 v2;
	v2 =	vtrunc.f32 v3;
	v3 =	vld [tilespmem:s28+$0x19B30]  }
0x28e: {  	_ = 	snop  }
0x28f: {  	v8 =	vmul.f32 v9, v8;
	_ =	sdelay $0x1  }
0x290: {  	vm0 =	vlt.s32 v10, $0xFFF;
	v7 =	vmul.f32 v7, v8  }
0x291: {  	v9 =	vnsel vm0, $0xFFF, v10  }
0x292: {  	[tilespmem:s17+$0x1BAB0] =	vst v7  }
0x293: {  	v5 =	vld.idx.msk [tilespmem:v5+s6+$0x0], $0xffff  }
0x294: {  	v6 =	vld.idx.msk [tilespmem:v6+s6+$0x0], $0xffff  }
0x295: {  	v8 =	vld [tilespmem:s28+$0x1A410]  }
0x296: {  	v7 =	vld.idx.msk [tilespmem:v9+s19+$0x0], $0xffff  }
0x297: {  	v9 =	vld [tilespmem:s28+$0x1B190];
	_ =	sdelay $0x1  }
0x298: {  	v2 =	vcvt.f32.s32 v2;
	v5 =	vmul.f32 v6, v5;
	_ =	sdelay $0x1  }
0x299: {  	vm9 =	vlt.s32 v2, $0xFFF;
	v5 =	vmul.f32 v7, v5  }
0x29a: {  	v2 =	vnsel vm9, $0xFFF, v2  }
0x29b: {  	[tilespmem:s28+$0x1BA80] =	vst v5  }
0x29c: {  	v5 =	vld.idx.msk [tilespmem:v8+s6+$0x0], $0xffff  }
0x29d: {  	v6 =	vld.idx.msk [tilespmem:v9+s6+$0x0], $0xffff  }
0x29e: {  	v7 =	vld [tilespmem:s28+$0x1A420]  }
0x29f: {  	v4 =	vmul.f32 $2.909090880e+02, v4;
	v2 =	vld.idx.msk [tilespmem:v2+s19+$0x0], $0xffff  }
0x2a0: {  	v8 =	vld [tilespmem:s28+$0x1B1A0]  }
0x2a1: {  	v4 =	vtrunc.f32 v4  }
0x2a2: {  	v4 =	vcvt.f32.s32 v4;
	v5 =	vmul.f32 v6, v5;
	_ =	sdelay $0x1  }
0x2a3: {  	vm10 =	vlt.s32 v4, $0xFFF;
	v2 =	vmul.f32 v2, v5  }
0x2a4: {  	v4 =	vnsel vm10, $0xFFF, v4  }
0x2a5: {  	[tilespmem:s28+$0x1BA90] =	vst v2  }
0x2a6: {  	v2 =	vld.idx.msk [tilespmem:v7+s6+$0x0], $0xffff  }
0x2a7: {  	v5 =	vld.idx.msk [tilespmem:v8+s6+$0x0], $0xffff  }
0x2a8: {  	v6 =	vld [tilespmem:s28+$0x1A430]  }
0x2a9: {  	v3 =	vmul.f32 $2.909090880e+02, v3;
	v4 =	vld.idx.msk [tilespmem:v4+s19+$0x0], $0xffff  }
0x2aa: {  	v7 =	vld [tilespmem:s28+$0x1B1B0]  }
0x2ab: {  	v3 =	vtrunc.f32 v3  }
0x2ac: {  	v3 =	vcvt.f32.s32 v3;
	v2 =	vmul.f32 v5, v2;
	_ =	sdelay $0x1  }
0x2ad: {  	vm11 =	vlt.s32 v3, $0xFFF;
	v2 =	vmul.f32 v4, v2  }
0x2ae: {  	v3 =	vnsel vm11, $0xFFF, v3  }
0x2af: {  	[tilespmem:s28+$0x1BAA0] =	vst v2  }
0x2b0: {  	v2 =	vld.idx.msk [tilespmem:v6+s6+$0x0], $0xffff  }
0x2b1: {  	v4 =	vld.idx.msk [tilespmem:v7+s6+$0x0], $0xffff;
	_ =	sdelay $0x1  }
0x2b2: {  	v3 =	vld.idx.msk [tilespmem:v3+s19+$0x0], $0xffff;
	_ =	sdelay $0x2  }
0x2b3: {  	v2 =	vmul.f32 v4, v2;
	_ =	sdelay $0x1  }
0x2b4: {  	v2 =	vmul.f32 v3, v2;
	_ =	sdelay $0x1  }
0x2b5: {  	s29 =	simm.s32 $0x1BA80;
	s17 =	simm.s32 $0x0;
	[tilespmem:s28+$0x1BAB0] =	vst v2  }
0x2b6: {  	[spmem:s5] =	stream.indirect.scatter.add.f32 [tilespmem:s29], [sflag:$0x5], $0x1, s14, s20, $0xb8;
	[tilespmem:$0x1DD00] =	vst v63  }
0x2b7: {  	v2 =	vld [tilespmem:s17+$0x19C90];
	_ =	sdelay $0x4  }
0x2b8: {  	v3 =	vld [tilespmem:s17+$0x1AA00];
	v2 =	vmul.f32 $2.909090880e+02, v2  }
0x2b9: {  	v4 =	vld [tilespmem:s17+$0x1B310]  }
0x2ba: {  	v2 =	vtrunc.f32 v2  }
0x2bb: {  	v2 =	vcvt.f32.s32 v2;
	_ =	sdelay $0x1  }
0x2bc: {  	vm12 =	vlt.s32 v2, $0xFFF  }
0x2bd: {  	v5 =	vld [tilespmem:s17+$0x19CA0];
	v2 =	vnsel vm12, $0xFFF, v2;
	_ =	sdelay $0x1  }
0x2be: {  	v3 =	vld.idx.msk [tilespmem:v3+s6+$0x0], $0xffff  }
0x2bf: {  	v4 =	vld.idx.msk [tilespmem:v4+s6+$0x0], $0xffff  }
0x2c0: {  	v6 =	vld [tilespmem:s17+$0x1AA10]  }
0x2c1: {  	v5 =	vmul.f32 $2.909090880e+02, v5;
	v2 =	vld.idx.msk [tilespmem:v2+s19+$0x0], $0xffff  }
0x2c2: {  	v7 =	vld [tilespmem:s17+$0x1B320]  }
0x2c3: {  	v5 =	vtrunc.f32 v5  }
0x2c4: {  	v5 =	vcvt.f32.s32 v5;
	v3 =	vmul.f32 v4, v3;
	_ =	sdelay $0x1  }
0x2c5: {  	vm13 =	vlt.s32 v5, $0xFFF;
	v2 =	vmul.f32 v2, v3  }
0x2c6: {  	v4 =	vld [tilespmem:s17+$0x19CB0];
	v3 =	vnsel vm13, $0xFFF, v5  }
0x2c7: {  	[tilespmem:s17+$0x1C080] =	vst v2  }
0x2c8: {  	v2 =	vld.idx.msk [tilespmem:v6+s6+$0x0], $0xffff  }
0x2c9: {  	v6 =	vld.idx.msk [tilespmem:v7+s6+$0x0], $0xffff  }
0x2ca: {  	v7 =	vld [tilespmem:s17+$0x1AA20]  }
0x2cb: {  	v4 =	vmul.f32 $2.909090880e+02, v4;
	v3 =	vld.idx.msk [tilespmem:v3+s19+$0x0], $0xffff  }
0x2cc: {  	v8 =	vld [tilespmem:s17+$0x1B330]  }
0x2cd: {  	v4 =	vtrunc.f32 v4  }
0x2ce: {  	v4 =	vcvt.f32.s32 v4;
	v2 =	vmul.f32 v6, v2;
	_ =	sdelay $0x1  }
0x2cf: {  	v5 =	vld [tilespmem:s17+$0x19CC0];
	vm14 =	vlt.s32 v4, $0xFFF;
	v2 =	vmul.f32 v3, v2  }
0x2d0: {  	v4 =	vnsel vm14, $0xFFF, v4  }
0x2d1: {  	[tilespmem:s17+$0x1C090] =	vst v2  }
0x2d2: {  	v2 =	vld.idx.msk [tilespmem:v7+s6+$0x0], $0xffff  }
0x2d3: {  	v3 =	vld.idx.msk [tilespmem:v8+s6+$0x0], $0xffff  }
0x2d4: {  	v5 =	vmul.f32 $2.909090880e+02, v5;
	v6 =	vld [tilespmem:s17+$0x1AA30]  }
0x2d5: {  	v4 =	vld.idx.msk [tilespmem:v4+s19+$0x0], $0xffff  }
0x2d6: {  	v5 =	vtrunc.f32 v5;
	v7 =	vld [tilespmem:s17+$0x1B340]  }
0x2d7: {  	v5 =	vcvt.f32.s32 v5  }
0x2d8: {  	v2 =	vmul.f32 v3, v2  }
0x2d9: {  	vm15 =	vlt.s32 v5, $0xFFF  }
0x2da: {  	s28 =	simm.s32 $0x40;
	v3 =	vnsel vm15, $0xFFF, v5;
	v2 =	vmul.f32 v4, v2  }
0x2db: {  	v4 =	vld [tilespmem:s28+$0x19C90]  }
0x2dc: {  	v10 =	vld [tilespmem:s28+$0x19CA0];
	[tilespmem:s17+$0x1C0A0] =	vst v2  }
0x2dd: {  	v8 =	vld.idx.msk [tilespmem:v6+s6+$0x0], $0xffff  }
0x2de: {  	v9 =	vld.idx.msk [tilespmem:v7+s6+$0x0], $0xffff  }
0x2df: {  	v7 =	vld.idx.msk [tilespmem:v3+s19+$0x0], $0xffff  }
0x2e0: {  	v2 =	vmul.f32 $2.909090880e+02, v4;
	v4 =	vld [tilespmem:s28+$0x19CB0]  }
0x2e1: {  	v5 =	vld [tilespmem:s28+$0x1AA00];
	v3 =	vmul.f32 $2.909090880e+02, v10  }
0x2e2: {  	v6 =	vld [tilespmem:s28+$0x1B310];
	v2 =	vtrunc.f32 v2  }
0x2e3: {  	s25 =	simm.s32 $0x200;
	v10 =	vcvt.f32.s32 v2;
	v2 =	vtrunc.f32 v3;
	v3 =	vld [tilespmem:s28+$0x19CC0]  }
.LBB2_14:
0x2e4: {  	p1 =	sne.s32 s25, $0x500;
	v8 =	vmul.f32 v9, v8;
	s29 =	smov.u32 s25;
	s25 =	sadd.s32 $0x100, s25  }
0x2e5: {  	vm0 =	vlt.s32 v10, $0xFFF;
	v4 =	vmul.f32 $2.909090880e+02, v4  }
0x2e6: {  	v9 =	vnsel vm0, $0xFFF, v10;
	v7 =	vmul.f32 v7, v8  }
0x2e7: {  	v4 =	vtrunc.f32 v4  }
0x2e8: {  	v4 =	vcvt.f32.s32 v4;
	v3 =	vmul.f32 $2.909090880e+02, v3;
	[tilespmem:s17+$0x1C0B0] =	vst v7;
	s17 =	smov.u32 s28  }
0x2e9: {  	v5 =	vld.idx.msk [tilespmem:v5+s6+$0x0], $0xffff  }
0x2ea: {  	v6 =	vld.idx.msk [tilespmem:v6+s6+$0x0], $0xffff;
	vm0 =	vlt.s32 v4, $0xFFF;
	v3 =	vtrunc.f32 v3  }
0x2eb: {  	v7 =	vld.idx.msk [tilespmem:v9+s19+$0x0], $0xffff;
	v4 =	vnsel vm0, $0xFFF, v4;
	v3 =	vcvt.f32.s32 v3;
	_ =	sdelay $0x1  }
0x2ec: {  	v8 =	vld [tilespmem:s17+$0x1AA10];
	vm0 =	vlt.s32 v3, $0xFFF  }
0x2ed: {  	v9 =	vld [tilespmem:s17+$0x1B320];
	v3 =	vnsel vm0, $0xFFF, v3;
	_ =	sdelay $0x1  }
0x2ee: {  	v2 =	vcvt.f32.s32 v2;
	v5 =	vmul.f32 v6, v5;
	_ =	sdelay $0x1  }
0x2ef: {  	vm0 =	vlt.s32 v2, $0xFFF;
	v5 =	vmul.f32 v7, v5  }
0x2f0: {  	v2 =	vnsel vm0, $0xFFF, v2  }
0x2f1: {  	[tilespmem:s17+$0x1C080] =	vst v5  }
0x2f2: {  	v5 =	vld.idx.msk [tilespmem:v8+s6+$0x0], $0xffff  }
0x2f3: {  	v6 =	vld.idx.msk [tilespmem:v9+s6+$0x0], $0xffff;
	_ =	sdelay $0x1  }
0x2f4: {  	v2 =	vld.idx.msk [tilespmem:v2+s19+$0x0], $0xffff  }
0x2f5: {  	v7 =	vld [tilespmem:s17+$0x1AA20]  }
0x2f6: {  	v8 =	vld [tilespmem:s17+$0x1B330];
	_ =	sdelay $0x1  }
0x2f7: {  	v5 =	vmul.f32 v6, v5;
	_ =	sdelay $0x1  }
0x2f8: {  	v2 =	vmul.f32 v2, v5;
	_ =	sdelay $0x1  }
0x2f9: {  	[tilespmem:s17+$0x1C090] =	vst v2  }
0x2fa: {  	v2 =	vld.idx.msk [tilespmem:v7+s6+$0x0], $0xffff  }
0x2fb: {  	v5 =	vld.idx.msk [tilespmem:v8+s6+$0x0], $0xffff;
	_ =	sdelay $0x1  }
0x2fc: {  	v4 =	vld.idx.msk [tilespmem:v4+s19+$0x0], $0xffff  }
0x2fd: {  	v6 =	vld [tilespmem:s17+$0x1AA30]  }
0x2fe: {  	v7 =	vld [tilespmem:s17+$0x1B340];
	_ =	sdelay $0x1  }
0x2ff: {  	v2 =	vmul.f32 v5, v2;
	_ =	sdelay $0x1  }
0x300: {  	s28 =	sshra.s32 s29, $0x2;
	v2 =	vmul.f32 v4, v2  }
0x301: {  	v4 =	vld [tilespmem:s28+$0x19C90]  }
0x302: {  	v10 =	vld [tilespmem:s28+$0x19CA0];
	[tilespmem:s17+$0x1C0A0] =	vst v2  }
0x303: {  	v8 =	vld.idx.msk [tilespmem:v6+s6+$0x0], $0xffff  }
0x304: {  	v9 =	vld.idx.msk [tilespmem:v7+s6+$0x0], $0xffff  }
.Ltmp10:
0x305: {  	v7 =	vld.idx.msk [tilespmem:v3+s19+$0x0], $0xffff;
	(pc) =	sbr.rel @p1 .LBB2_14-.Ltmp10, $4  }
0x306: {  	v2 =	vmul.f32 $2.909090880e+02, v4;
	v4 =	vld [tilespmem:s28+$0x19CB0]  }
0x307: {  	v5 =	vld [tilespmem:s28+$0x1AA00];
	v3 =	vmul.f32 $2.909090880e+02, v10  }
0x308: {  	v6 =	vld [tilespmem:s28+$0x1B310];
	v2 =	vtrunc.f32 v2  }
0x309: {  	v10 =	vcvt.f32.s32 v2;
	v2 =	vtrunc.f32 v3;
	v3 =	vld [tilespmem:s28+$0x19CC0]  }
0x30a: {  	_ = 	snop  }
0x30b: {  	v8 =	vmul.f32 v9, v8;
	_ =	sdelay $0x1  }
0x30c: {  	vm0 =	vlt.s32 v10, $0xFFF;
	v7 =	vmul.f32 v7, v8  }
0x30d: {  	v54 =	vnsel vm0, $0xFFF, v10  }
0x30e: {  	[tilespmem:s17+$0x1C0B0] =	vst v7  }
0x30f: {  	v5 =	vld.idx.msk [tilespmem:v5+s6+$0x0], $0xffff  }
0x310: {  	v6 =	vld.idx.msk [tilespmem:v6+s6+$0x0], $0xffff  }
0x311: {  	v55 =	vld [tilespmem:s28+$0x1AA10]  }
0x312: {  	v7 =	vld.idx.msk [tilespmem:v54+s19+$0x0], $0xffff  }
0x313: {  	v56 =	vld [tilespmem:s28+$0x1B320];
	_ =	sdelay $0x1  }
0x314: {  	v2 =	vcvt.f32.s32 v2;
	v5 =	vmul.f32 v6, v5;
	_ =	sdelay $0x1  }
0x315: {  	vm13 =	vlt.s32 v2, $0xFFF;
	v5 =	vmul.f32 v7, v5  }
0x316: {  	v2 =	vnsel vm13, $0xFFF, v2  }
0x317: {  	[tilespmem:s28+$0x1C080] =	vst v5  }
0x318: {  	v5 =	vld.idx.msk [tilespmem:v55+s6+$0x0], $0xffff  }
0x319: {  	v57 =	vld.idx.msk [tilespmem:v56+s6+$0x0], $0xffff  }
0x31a: {  	v58 =	vld [tilespmem:s28+$0x1AA20]  }
0x31b: {  	v4 =	vmul.f32 $2.909090880e+02, v4;
	v2 =	vld.idx.msk [tilespmem:v2+s19+$0x0], $0xffff  }
0x31c: {  	v59 =	vld [tilespmem:s28+$0x1B330]  }
0x31d: {  	v4 =	vtrunc.f32 v4  }
0x31e: {  	v4 =	vcvt.f32.s32 v4;
	v5 =	vmul.f32 v57, v5;
	_ =	sdelay $0x1  }
0x31f: {  	vm14 =	vlt.s32 v4, $0xFFF;
	v2 =	vmul.f32 v2, v5  }
0x320: {  	v4 =	vnsel vm14, $0xFFF, v4  }
0x321: {  	[tilespmem:s28+$0x1C090] =	vst v2  }
0x322: {  	v2 =	vld.idx.msk [tilespmem:v58+s6+$0x0], $0xffff  }
0x323: {  	v60 =	vld.idx.msk [tilespmem:v59+s6+$0x0], $0xffff  }
0x324: {  	v61 =	vld [tilespmem:s28+$0x1AA30]  }
0x325: {  	v3 =	vmul.f32 $2.909090880e+02, v3;
	v4 =	vld.idx.msk [tilespmem:v4+s19+$0x0], $0xffff  }
0x326: {  	v62 =	vld [tilespmem:s28+$0x1B340]  }
0x327: {  	v3 =	vtrunc.f32 v3  }
0x328: {  	v3 =	vcvt.f32.s32 v3;
	v2 =	vmul.f32 v60, v2;
	_ =	sdelay $0x1  }
0x329: {  	vm15 =	vlt.s32 v3, $0xFFF;
	v2 =	vmul.f32 v4, v2  }
0x32a: {  	v3 =	vnsel vm15, $0xFFF, v3  }
0x32b: {  	[tilespmem:s28+$0x1C0A0] =	vst v2  }
0x32c: {  	v2 =	vld.idx.msk [tilespmem:v61+s6+$0x0], $0xffff  }
0x32d: {  	v63 =	vld.idx.msk [tilespmem:v62+s6+$0x0], $0xffff;
	_ =	sdelay $0x1  }
0x32e: {  	v3 =	vld.idx.msk [tilespmem:v3+s19+$0x0], $0xffff;
	_ =	sdelay $0x2  }
0x32f: {  	v2 =	vmul.f32 v63, v2;
	_ =	sdelay $0x1  }
0x330: {  	v2 =	vmul.f32 v3, v2;
	_ =	sdelay $0x1  }
0x331: {  	s29 =	simm.s32 $0x1C080;
	[tilespmem:s28+$0x1C0B0] =	vst v2  }
0x332: {  	[spmem:s5] =	stream.indirect.scatter.add.f32 [tilespmem:s29], [sflag:$0x5], $0x1, s15, s20, $0xb8;
	[tilespmem:$0x1DD00] =	vst v63  }
.LBB2_16:
0x333: {  	_ =	swait.ge [sflag:s22], $0x190  }
.Ltmp11:
0x334: {  	[sflag:s22] =	ssyncset.done $0x0;
	(pc) =	sbr.rel @p0 .LBB2_22-.Ltmp11, $4  }
0x335: {  	[sflag:s22] =	ssyncadd.s32 $0xFFFFFE70  }
0x336: {  	_ =	swait.ge [sflag:s22], $0x190  }
0x337: {  	[sflag:s22] =	ssyncset.done $0x0  }
0x338: {  	[sflag:s22] =	ssyncadd.s32 $0xFFFFFE70  }
0x339: {  	s17 =	smul.u32 $0x60, s8;
	_ =	sdelay $0x1  }
0x33a: {  	s17 =	sadd.s32 s4, s17  }
0x33b: {  	s17 =	smul.u32 $0x320, s17;
	_ =	sdelay $0x1  }
0x33c: {  	s17 =	sshrl.u32 s17, $0x3  }
0x33d: {  	s28 =	simm.s32 $0x0;
	s25 =	sadd.s32 s1, s17  }
0x33e: {  	[tilespmem:s9], [sflag:$0x1] =	stream.linear.gather [hbm4b:s25+s28], $0x320, $0x38;
	[tilespmem:$0x1DD00] =	vst v63  }
0x33f: {  	s29 =	sadd.s32 s2, s17  }
0x340: {  	[tilespmem:s10], [sflag:$0x1] =	stream.linear.gather [hbm4b:s29+s28], $0x190, $0x38;
	[tilespmem:$0x1DD00] =	vst v63  }
0x341: {  	s25 =	sadd.s32 $0x32, s29  }
0x342: {  	[tilespmem:s12], [sflag:$0x1] =	stream.linear.gather [hbm4b:s25+s28], $0x190, $0x38;
	[tilespmem:$0x1DD00] =	vst v63  }
0x343: {  	s17 =	sadd.s32 s3, s17  }
0x344: {  	[tilespmem:s13], [sflag:$0x1] =	stream.linear.gather [hbm4b:s17+s28], $0x320, $0x38;
	[tilespmem:$0x1DD00] =	vst v63  }
0x345: {  	_ =	swait.ge [sflag:s23], $0x320  }
0x346: {  	[sflag:s23] =	ssyncset.done $0x0  }
0x347: {  	[sflag:s23] =	ssyncadd.s32 $0xFFFFFCE0  }
0x348: {  	_ =	swait.ge [sflag:s23], $0x190  }
0x349: {  	[sflag:s23] =	ssyncset.done $0x0  }
0x34a: {  	[sflag:s23] =	ssyncadd.s32 $0xFFFFFE70  }
0x34b: {  	_ =	swait.ge [sflag:s23], $0x190  }
0x34c: {  	[sflag:s23] =	ssyncset.done $0x0  }
0x34d: {  	[sflag:s23] =	ssyncadd.s32 $0xFFFFFE70  }
0x34e: {  	_ =	swait.ge [sflag:s23], $0x320  }
0x34f: {  	[sflag:s23] =	ssyncset.done $0x0  }
0x350: {  	s17 =	simm.s32 $0x0;
	[sflag:s23] =	ssyncadd.s32 $0xFFFFFCE0  }
0x351: {  	v2 =	vld [tilespmem:s17+$0x19E80];
	_ =	sdelay $0x4  }
0x352: {  	v3 =	vld [tilespmem:s17+$0x1A600];
	v2 =	vmul.f32 $2.909090880e+02, v2  }
0x353: {  	v4 =	vld [tilespmem:s17+$0x1B500]  }
0x354: {  	v2 =	vtrunc.f32 v2  }
0x355: {  	v2 =	vcvt.f32.s32 v2;
	_ =	sdelay $0x1  }
0x356: {  	vm0 =	vlt.s32 v2, $0xFFF  }
0x357: {  	v5 =	vld [tilespmem:s17+$0x19E90];
	v2 =	vnsel vm0, $0xFFF, v2;
	_ =	sdelay $0x1  }
0x358: {  	v3 =	vld.idx.msk [tilespmem:v3+s6+$0x0], $0xffff  }
0x359: {  	v4 =	vld.idx.msk [tilespmem:v4+s6+$0x0], $0xffff  }
0x35a: {  	v6 =	vld [tilespmem:s17+$0x1A610]  }
0x35b: {  	v5 =	vmul.f32 $2.909090880e+02, v5;
	v2 =	vld.idx.msk [tilespmem:v2+s19+$0x0], $0xffff  }
0x35c: {  	v7 =	vld [tilespmem:s17+$0x1B510]  }
0x35d: {  	v5 =	vtrunc.f32 v5  }
0x35e: {  	v5 =	vcvt.f32.s32 v5;
	v3 =	vmul.f32 v4, v3;
	_ =	sdelay $0x1  }
0x35f: {  	vm13 =	vlt.s32 v5, $0xFFF;
	v2 =	vmul.f32 v2, v3  }
0x360: {  	v4 =	vld [tilespmem:s17+$0x19EA0];
	v3 =	vnsel vm13, $0xFFF, v5  }
0x361: {  	[tilespmem:s17+$0x1BC80] =	vst v2  }
0x362: {  	v2 =	vld.idx.msk [tilespmem:v6+s6+$0x0], $0xffff  }
0x363: {  	v6 =	vld.idx.msk [tilespmem:v7+s6+$0x0], $0xffff  }
0x364: {  	v7 =	vld [tilespmem:s17+$0x1A620]  }
0x365: {  	v4 =	vmul.f32 $2.909090880e+02, v4;
	v3 =	vld.idx.msk [tilespmem:v3+s19+$0x0], $0xffff  }
0x366: {  	v8 =	vld [tilespmem:s17+$0x1B520]  }
0x367: {  	v4 =	vtrunc.f32 v4  }
0x368: {  	v4 =	vcvt.f32.s32 v4;
	v2 =	vmul.f32 v6, v2;
	_ =	sdelay $0x1  }
0x369: {  	v5 =	vld [tilespmem:s17+$0x19EB0];
	vm14 =	vlt.s32 v4, $0xFFF;
	v2 =	vmul.f32 v3, v2  }
0x36a: {  	v4 =	vnsel vm14, $0xFFF, v4  }
0x36b: {  	[tilespmem:s17+$0x1BC90] =	vst v2  }
0x36c: {  	v2 =	vld.idx.msk [tilespmem:v7+s6+$0x0], $0xffff  }
0x36d: {  	v3 =	vld.idx.msk [tilespmem:v8+s6+$0x0], $0xffff  }
0x36e: {  	v5 =	vmul.f32 $2.909090880e+02, v5;
	v6 =	vld [tilespmem:s17+$0x1A630]  }
0x36f: {  	v4 =	vld.idx.msk [tilespmem:v4+s19+$0x0], $0xffff  }
0x370: {  	v5 =	vtrunc.f32 v5;
	v7 =	vld [tilespmem:s17+$0x1B530]  }
0x371: {  	v5 =	vcvt.f32.s32 v5  }
0x372: {  	v2 =	vmul.f32 v3, v2  }
0x373: {  	vm15 =	vlt.s32 v5, $0xFFF  }
0x374: {  	s28 =	simm.s32 $0x40;
	v3 =	vnsel vm15, $0xFFF, v5;
	v2 =	vmul.f32 v4, v2  }
0x375: {  	v4 =	vld [tilespmem:s28+$0x19E80]  }
0x376: {  	v10 =	vld [tilespmem:s28+$0x19E90];
	[tilespmem:s17+$0x1BCA0] =	vst v2  }
0x377: {  	v8 =	vld.idx.msk [tilespmem:v6+s6+$0x0], $0xffff  }
0x378: {  	v9 =	vld.idx.msk [tilespmem:v7+s6+$0x0], $0xffff  }
0x379: {  	v7 =	vld.idx.msk [tilespmem:v3+s19+$0x0], $0xffff  }
0x37a: {  	v2 =	vmul.f32 $2.909090880e+02, v4;
	v4 =	vld [tilespmem:s28+$0x19EA0]  }
0x37b: {  	v5 =	vld [tilespmem:s28+$0x1A600];
	v3 =	vmul.f32 $2.909090880e+02, v10  }
0x37c: {  	v6 =	vld [tilespmem:s28+$0x1B500];
	v2 =	vtrunc.f32 v2  }
0x37d: {  	s25 =	simm.s32 $0x200;
	v10 =	vcvt.f32.s32 v2;
	v2 =	vtrunc.f32 v3;
	v3 =	vld [tilespmem:s28+$0x19EB0]  }
.LBB2_18:
0x37e: {  	p0 =	sne.s32 s25, $0x500;
	v8 =	vmul.f32 v9, v8;
	s29 =	smov.u32 s25;
	s25 =	sadd.s32 $0x100, s25  }
0x37f: {  	vm0 =	vlt.s32 v10, $0xFFF;
	v4 =	vmul.f32 $2.909090880e+02, v4  }
0x380: {  	v9 =	vnsel vm0, $0xFFF, v10;
	v7 =	vmul.f32 v7, v8  }
0x381: {  	v4 =	vtrunc.f32 v4  }
0x382: {  	v4 =	vcvt.f32.s32 v4;
	v3 =	vmul.f32 $2.909090880e+02, v3;
	[tilespmem:s17+$0x1BCB0] =	vst v7;
	s17 =	smov.u32 s28  }
0x383: {  	v5 =	vld.idx.msk [tilespmem:v5+s6+$0x0], $0xffff  }
0x384: {  	v6 =	vld.idx.msk [tilespmem:v6+s6+$0x0], $0xffff;
	vm0 =	vlt.s32 v4, $0xFFF;
	v3 =	vtrunc.f32 v3  }
0x385: {  	v7 =	vld.idx.msk [tilespmem:v9+s19+$0x0], $0xffff;
	v4 =	vnsel vm0, $0xFFF, v4;
	v3 =	vcvt.f32.s32 v3;
	_ =	sdelay $0x1  }
0x386: {  	v8 =	vld [tilespmem:s17+$0x1A610];
	vm0 =	vlt.s32 v3, $0xFFF  }
0x387: {  	v9 =	vld [tilespmem:s17+$0x1B510];
	v3 =	vnsel vm0, $0xFFF, v3;
	_ =	sdelay $0x1  }
0x388: {  	v2 =	vcvt.f32.s32 v2;
	v5 =	vmul.f32 v6, v5;
	_ =	sdelay $0x1  }
0x389: {  	vm0 =	vlt.s32 v2, $0xFFF;
	v5 =	vmul.f32 v7, v5  }
0x38a: {  	v2 =	vnsel vm0, $0xFFF, v2  }
0x38b: {  	[tilespmem:s17+$0x1BC80] =	vst v5  }
0x38c: {  	v5 =	vld.idx.msk [tilespmem:v8+s6+$0x0], $0xffff  }
0x38d: {  	v6 =	vld.idx.msk [tilespmem:v9+s6+$0x0], $0xffff;
	_ =	sdelay $0x1  }
0x38e: {  	v2 =	vld.idx.msk [tilespmem:v2+s19+$0x0], $0xffff  }
0x38f: {  	v7 =	vld [tilespmem:s17+$0x1A620]  }
0x390: {  	v8 =	vld [tilespmem:s17+$0x1B520];
	_ =	sdelay $0x1  }
0x391: {  	v5 =	vmul.f32 v6, v5;
	_ =	sdelay $0x1  }
0x392: {  	v2 =	vmul.f32 v2, v5;
	_ =	sdelay $0x1  }
0x393: {  	[tilespmem:s17+$0x1BC90] =	vst v2  }
0x394: {  	v2 =	vld.idx.msk [tilespmem:v7+s6+$0x0], $0xffff  }
0x395: {  	v5 =	vld.idx.msk [tilespmem:v8+s6+$0x0], $0xffff;
	_ =	sdelay $0x1  }
0x396: {  	v4 =	vld.idx.msk [tilespmem:v4+s19+$0x0], $0xffff  }
0x397: {  	v6 =	vld [tilespmem:s17+$0x1A630]  }
0x398: {  	v7 =	vld [tilespmem:s17+$0x1B530];
	_ =	sdelay $0x1  }
0x399: {  	v2 =	vmul.f32 v5, v2;
	_ =	sdelay $0x1  }
0x39a: {  	s28 =	sshra.s32 s29, $0x2;
	v2 =	vmul.f32 v4, v2  }
0x39b: {  	v4 =	vld [tilespmem:s28+$0x19E80]  }
0x39c: {  	v10 =	vld [tilespmem:s28+$0x19E90];
	[tilespmem:s17+$0x1BCA0] =	vst v2  }
0x39d: {  	v8 =	vld.idx.msk [tilespmem:v6+s6+$0x0], $0xffff  }
0x39e: {  	v9 =	vld.idx.msk [tilespmem:v7+s6+$0x0], $0xffff  }
.Ltmp12:
0x39f: {  	v7 =	vld.idx.msk [tilespmem:v3+s19+$0x0], $0xffff;
	(pc) =	sbr.rel @p0 .LBB2_18-.Ltmp12, $4  }
0x3a0: {  	v2 =	vmul.f32 $2.909090880e+02, v4;
	v4 =	vld [tilespmem:s28+$0x19EA0]  }
0x3a1: {  	v5 =	vld [tilespmem:s28+$0x1A600];
	v3 =	vmul.f32 $2.909090880e+02, v10  }
0x3a2: {  	v6 =	vld [tilespmem:s28+$0x1B500];
	v2 =	vtrunc.f32 v2  }
0x3a3: {  	v10 =	vcvt.f32.s32 v2;
	v2 =	vtrunc.f32 v3;
	v3 =	vld [tilespmem:s28+$0x19EB0]  }
0x3a4: {  	_ = 	snop  }
0x3a5: {  	v8 =	vmul.f32 v9, v8;
	_ =	sdelay $0x1  }
0x3a6: {  	vm0 =	vlt.s32 v10, $0xFFF;
	v7 =	vmul.f32 v7, v8  }
0x3a7: {  	v9 =	vnsel vm0, $0xFFF, v10  }
0x3a8: {  	[tilespmem:s17+$0x1BCB0] =	vst v7  }
0x3a9: {  	v5 =	vld.idx.msk [tilespmem:v5+s6+$0x0], $0xffff  }
0x3aa: {  	v6 =	vld.idx.msk [tilespmem:v6+s6+$0x0], $0xffff  }
0x3ab: {  	v8 =	vld [tilespmem:s28+$0x1A610]  }
0x3ac: {  	v7 =	vld.idx.msk [tilespmem:v9+s19+$0x0], $0xffff  }
0x3ad: {  	v9 =	vld [tilespmem:s28+$0x1B510];
	_ =	sdelay $0x1  }
0x3ae: {  	v2 =	vcvt.f32.s32 v2;
	v5 =	vmul.f32 v6, v5;
	_ =	sdelay $0x1  }
0x3af: {  	vm9 =	vlt.s32 v2, $0xFFF;
	v5 =	vmul.f32 v7, v5  }
0x3b0: {  	v2 =	vnsel vm9, $0xFFF, v2  }
0x3b1: {  	[tilespmem:s28+$0x1BC80] =	vst v5  }
0x3b2: {  	v5 =	vld.idx.msk [tilespmem:v8+s6+$0x0], $0xffff  }
0x3b3: {  	v6 =	vld.idx.msk [tilespmem:v9+s6+$0x0], $0xffff  }
0x3b4: {  	v7 =	vld [tilespmem:s28+$0x1A620]  }
0x3b5: {  	v4 =	vmul.f32 $2.909090880e+02, v4;
	v2 =	vld.idx.msk [tilespmem:v2+s19+$0x0], $0xffff  }
0x3b6: {  	v8 =	vld [tilespmem:s28+$0x1B520]  }
0x3b7: {  	v4 =	vtrunc.f32 v4  }
0x3b8: {  	v4 =	vcvt.f32.s32 v4;
	v5 =	vmul.f32 v6, v5;
	_ =	sdelay $0x1  }
0x3b9: {  	vm10 =	vlt.s32 v4, $0xFFF;
	v2 =	vmul.f32 v2, v5  }
0x3ba: {  	v4 =	vnsel vm10, $0xFFF, v4  }
0x3bb: {  	[tilespmem:s28+$0x1BC90] =	vst v2  }
0x3bc: {  	v2 =	vld.idx.msk [tilespmem:v7+s6+$0x0], $0xffff  }
0x3bd: {  	v5 =	vld.idx.msk [tilespmem:v8+s6+$0x0], $0xffff  }
0x3be: {  	v6 =	vld [tilespmem:s28+$0x1A630]  }
0x3bf: {  	v3 =	vmul.f32 $2.909090880e+02, v3;
	v4 =	vld.idx.msk [tilespmem:v4+s19+$0x0], $0xffff  }
0x3c0: {  	v7 =	vld [tilespmem:s28+$0x1B530]  }
0x3c1: {  	v3 =	vtrunc.f32 v3  }
0x3c2: {  	v3 =	vcvt.f32.s32 v3;
	v2 =	vmul.f32 v5, v2;
	_ =	sdelay $0x1  }
0x3c3: {  	vm11 =	vlt.s32 v3, $0xFFF;
	v2 =	vmul.f32 v4, v2  }
0x3c4: {  	v3 =	vnsel vm11, $0xFFF, v3  }
0x3c5: {  	[tilespmem:s28+$0x1BCA0] =	vst v2  }
0x3c6: {  	v2 =	vld.idx.msk [tilespmem:v6+s6+$0x0], $0xffff  }
0x3c7: {  	v4 =	vld.idx.msk [tilespmem:v7+s6+$0x0], $0xffff;
	_ =	sdelay $0x1  }
0x3c8: {  	v3 =	vld.idx.msk [tilespmem:v3+s19+$0x0], $0xffff;
	_ =	sdelay $0x2  }
0x3c9: {  	v2 =	vmul.f32 v4, v2;
	_ =	sdelay $0x1  }
0x3ca: {  	v2 =	vmul.f32 v3, v2;
	_ =	sdelay $0x1  }
0x3cb: {  	s29 =	simm.s32 $0x1BC80;
	s17 =	simm.s32 $0x0;
	[tilespmem:s28+$0x1BCB0] =	vst v2  }
0x3cc: {  	[spmem:s5] =	stream.indirect.scatter.add.f32 [tilespmem:s29], [sflag:$0x6], $0x1, s24, s20, $0xb8;
	[tilespmem:$0x1DD00] =	vst v63  }
0x3cd: {  	v2 =	vld [tilespmem:s17+$0x1A010];
	_ =	sdelay $0x4  }
0x3ce: {  	v3 =	vld [tilespmem:s17+$0x1AC00];
	v2 =	vmul.f32 $2.909090880e+02, v2  }
0x3cf: {  	v4 =	vld [tilespmem:s17+$0x1B690]  }
0x3d0: {  	v2 =	vtrunc.f32 v2  }
0x3d1: {  	v2 =	vcvt.f32.s32 v2;
	_ =	sdelay $0x1  }
0x3d2: {  	vm12 =	vlt.s32 v2, $0xFFF  }
0x3d3: {  	v5 =	vld [tilespmem:s17+$0x1A020];
	v2 =	vnsel vm12, $0xFFF, v2;
	_ =	sdelay $0x1  }
0x3d4: {  	v3 =	vld.idx.msk [tilespmem:v3+s6+$0x0], $0xffff  }
0x3d5: {  	v4 =	vld.idx.msk [tilespmem:v4+s6+$0x0], $0xffff  }
0x3d6: {  	v6 =	vld [tilespmem:s17+$0x1AC10]  }
0x3d7: {  	v5 =	vmul.f32 $2.909090880e+02, v5;
	v2 =	vld.idx.msk [tilespmem:v2+s19+$0x0], $0xffff  }
0x3d8: {  	v7 =	vld [tilespmem:s17+$0x1B6A0]  }
0x3d9: {  	v5 =	vtrunc.f32 v5  }
0x3da: {  	v5 =	vcvt.f32.s32 v5;
	v3 =	vmul.f32 v4, v3;
	_ =	sdelay $0x1  }
0x3db: {  	vm13 =	vlt.s32 v5, $0xFFF;
	v2 =	vmul.f32 v2, v3  }
0x3dc: {  	v4 =	vld [tilespmem:s17+$0x1A030];
	v3 =	vnsel vm13, $0xFFF, v5  }
0x3dd: {  	[tilespmem:s17+$0x1C280] =	vst v2  }
0x3de: {  	v2 =	vld.idx.msk [tilespmem:v6+s6+$0x0], $0xffff  }
0x3df: {  	v6 =	vld.idx.msk [tilespmem:v7+s6+$0x0], $0xffff  }
0x3e0: {  	v7 =	vld [tilespmem:s17+$0x1AC20]  }
0x3e1: {  	v4 =	vmul.f32 $2.909090880e+02, v4;
	v3 =	vld.idx.msk [tilespmem:v3+s19+$0x0], $0xffff  }
0x3e2: {  	v8 =	vld [tilespmem:s17+$0x1B6B0]  }
0x3e3: {  	v4 =	vtrunc.f32 v4  }
0x3e4: {  	v4 =	vcvt.f32.s32 v4;
	v2 =	vmul.f32 v6, v2;
	_ =	sdelay $0x1  }
0x3e5: {  	v5 =	vld [tilespmem:s17+$0x1A040];
	vm14 =	vlt.s32 v4, $0xFFF;
	v2 =	vmul.f32 v3, v2  }
0x3e6: {  	v4 =	vnsel vm14, $0xFFF, v4  }
0x3e7: {  	[tilespmem:s17+$0x1C290] =	vst v2  }
0x3e8: {  	v2 =	vld.idx.msk [tilespmem:v7+s6+$0x0], $0xffff  }
0x3e9: {  	v3 =	vld.idx.msk [tilespmem:v8+s6+$0x0], $0xffff  }
0x3ea: {  	v5 =	vmul.f32 $2.909090880e+02, v5;
	v6 =	vld [tilespmem:s17+$0x1AC30]  }
0x3eb: {  	v4 =	vld.idx.msk [tilespmem:v4+s19+$0x0], $0xffff  }
0x3ec: {  	v5 =	vtrunc.f32 v5;
	v7 =	vld [tilespmem:s17+$0x1B6C0]  }
0x3ed: {  	v5 =	vcvt.f32.s32 v5  }
0x3ee: {  	v2 =	vmul.f32 v3, v2  }
0x3ef: {  	vm15 =	vlt.s32 v5, $0xFFF  }
0x3f0: {  	s28 =	simm.s32 $0x40;
	v3 =	vnsel vm15, $0xFFF, v5;
	v2 =	vmul.f32 v4, v2  }
0x3f1: {  	v4 =	vld [tilespmem:s28+$0x1A010]  }
0x3f2: {  	v10 =	vld [tilespmem:s28+$0x1A020];
	[tilespmem:s17+$0x1C2A0] =	vst v2  }
0x3f3: {  	v8 =	vld.idx.msk [tilespmem:v6+s6+$0x0], $0xffff  }
0x3f4: {  	v9 =	vld.idx.msk [tilespmem:v7+s6+$0x0], $0xffff  }
0x3f5: {  	v7 =	vld.idx.msk [tilespmem:v3+s19+$0x0], $0xffff  }
0x3f6: {  	v2 =	vmul.f32 $2.909090880e+02, v4;
	v4 =	vld [tilespmem:s28+$0x1A030]  }
0x3f7: {  	v5 =	vld [tilespmem:s28+$0x1AC00];
	v3 =	vmul.f32 $2.909090880e+02, v10  }
0x3f8: {  	v6 =	vld [tilespmem:s28+$0x1B690];
	v2 =	vtrunc.f32 v2  }
0x3f9: {  	s25 =	simm.s32 $0x200;
	v10 =	vcvt.f32.s32 v2;
	v2 =	vtrunc.f32 v3;
	v3 =	vld [tilespmem:s28+$0x1A040]  }
.LBB2_20:
0x3fa: {  	p0 =	sne.s32 s25, $0x500;
	v8 =	vmul.f32 v9, v8;
	s29 =	smov.u32 s25;
	s25 =	sadd.s32 $0x100, s25  }
0x3fb: {  	vm0 =	vlt.s32 v10, $0xFFF;
	v4 =	vmul.f32 $2.909090880e+02, v4  }
0x3fc: {  	v9 =	vnsel vm0, $0xFFF, v10;
	v7 =	vmul.f32 v7, v8  }
0x3fd: {  	v4 =	vtrunc.f32 v4  }
0x3fe: {  	v4 =	vcvt.f32.s32 v4;
	v3 =	vmul.f32 $2.909090880e+02, v3;
	[tilespmem:s17+$0x1C2B0] =	vst v7;
	s17 =	smov.u32 s28  }
0x3ff: {  	v5 =	vld.idx.msk [tilespmem:v5+s6+$0x0], $0xffff  }
0x400: {  	v6 =	vld.idx.msk [tilespmem:v6+s6+$0x0], $0xffff;
	vm0 =	vlt.s32 v4, $0xFFF;
	v3 =	vtrunc.f32 v3  }
0x401: {  	v7 =	vld.idx.msk [tilespmem:v9+s19+$0x0], $0xffff;
	v4 =	vnsel vm0, $0xFFF, v4;
	v3 =	vcvt.f32.s32 v3;
	_ =	sdelay $0x1  }
0x402: {  	v8 =	vld [tilespmem:s17+$0x1AC10];
	vm0 =	vlt.s32 v3, $0xFFF  }
0x403: {  	v9 =	vld [tilespmem:s17+$0x1B6A0];
	v3 =	vnsel vm0, $0xFFF, v3;
	_ =	sdelay $0x1  }
0x404: {  	v2 =	vcvt.f32.s32 v2;
	v5 =	vmul.f32 v6, v5;
	_ =	sdelay $0x1  }
0x405: {  	vm0 =	vlt.s32 v2, $0xFFF;
	v5 =	vmul.f32 v7, v5  }
0x406: {  	v2 =	vnsel vm0, $0xFFF, v2  }
0x407: {  	[tilespmem:s17+$0x1C280] =	vst v5  }
0x408: {  	v5 =	vld.idx.msk [tilespmem:v8+s6+$0x0], $0xffff  }
0x409: {  	v6 =	vld.idx.msk [tilespmem:v9+s6+$0x0], $0xffff;
	_ =	sdelay $0x1  }
0x40a: {  	v2 =	vld.idx.msk [tilespmem:v2+s19+$0x0], $0xffff  }
0x40b: {  	v7 =	vld [tilespmem:s17+$0x1AC20]  }
0x40c: {  	v8 =	vld [tilespmem:s17+$0x1B6B0];
	_ =	sdelay $0x1  }
0x40d: {  	v5 =	vmul.f32 v6, v5;
	_ =	sdelay $0x1  }
0x40e: {  	v2 =	vmul.f32 v2, v5;
	_ =	sdelay $0x1  }
0x40f: {  	[tilespmem:s17+$0x1C290] =	vst v2  }
0x410: {  	v2 =	vld.idx.msk [tilespmem:v7+s6+$0x0], $0xffff  }
0x411: {  	v5 =	vld.idx.msk [tilespmem:v8+s6+$0x0], $0xffff;
	_ =	sdelay $0x1  }
0x412: {  	v4 =	vld.idx.msk [tilespmem:v4+s19+$0x0], $0xffff  }
0x413: {  	v6 =	vld [tilespmem:s17+$0x1AC30]  }
0x414: {  	v7 =	vld [tilespmem:s17+$0x1B6C0];
	_ =	sdelay $0x1  }
0x415: {  	v2 =	vmul.f32 v5, v2;
	_ =	sdelay $0x1  }
0x416: {  	s28 =	sshra.s32 s29, $0x2;
	v2 =	vmul.f32 v4, v2  }
0x417: {  	v4 =	vld [tilespmem:s28+$0x1A010]  }
0x418: {  	v10 =	vld [tilespmem:s28+$0x1A020];
	[tilespmem:s17+$0x1C2A0] =	vst v2  }
0x419: {  	v8 =	vld.idx.msk [tilespmem:v6+s6+$0x0], $0xffff  }
0x41a: {  	v9 =	vld.idx.msk [tilespmem:v7+s6+$0x0], $0xffff  }
.Ltmp13:
0x41b: {  	v7 =	vld.idx.msk [tilespmem:v3+s19+$0x0], $0xffff;
	(pc) =	sbr.rel @p0 .LBB2_20-.Ltmp13, $4  }
0x41c: {  	v2 =	vmul.f32 $2.909090880e+02, v4;
	v4 =	vld [tilespmem:s28+$0x1A030]  }
0x41d: {  	v5 =	vld [tilespmem:s28+$0x1AC00];
	v3 =	vmul.f32 $2.909090880e+02, v10  }
0x41e: {  	v6 =	vld [tilespmem:s28+$0x1B690];
	v2 =	vtrunc.f32 v2  }
0x41f: {  	v10 =	vcvt.f32.s32 v2;
	v2 =	vtrunc.f32 v3;
	v3 =	vld [tilespmem:s28+$0x1A040]  }
0x420: {  	_ = 	snop  }
0x421: {  	v8 =	vmul.f32 v9, v8;
	_ =	sdelay $0x1  }
0x422: {  	vm0 =	vlt.s32 v10, $0xFFF;
	v7 =	vmul.f32 v7, v8  }
0x423: {  	v54 =	vnsel vm0, $0xFFF, v10  }
0x424: {  	[tilespmem:s17+$0x1C2B0] =	vst v7  }
0x425: {  	v5 =	vld.idx.msk [tilespmem:v5+s6+$0x0], $0xffff  }
0x426: {  	v6 =	vld.idx.msk [tilespmem:v6+s6+$0x0], $0xffff  }
0x427: {  	v55 =	vld [tilespmem:s28+$0x1AC10]  }
0x428: {  	v7 =	vld.idx.msk [tilespmem:v54+s19+$0x0], $0xffff  }
0x429: {  	v56 =	vld [tilespmem:s28+$0x1B6A0];
	_ =	sdelay $0x1  }
0x42a: {  	v2 =	vcvt.f32.s32 v2;
	v5 =	vmul.f32 v6, v5;
	_ =	sdelay $0x1  }
0x42b: {  	vm13 =	vlt.s32 v2, $0xFFF;
	v5 =	vmul.f32 v7, v5  }
0x42c: {  	v2 =	vnsel vm13, $0xFFF, v2  }
0x42d: {  	[tilespmem:s28+$0x1C280] =	vst v5  }
0x42e: {  	v5 =	vld.idx.msk [tilespmem:v55+s6+$0x0], $0xffff  }
0x42f: {  	v57 =	vld.idx.msk [tilespmem:v56+s6+$0x0], $0xffff  }
0x430: {  	v58 =	vld [tilespmem:s28+$0x1AC20]  }
0x431: {  	v4 =	vmul.f32 $2.909090880e+02, v4;
	v2 =	vld.idx.msk [tilespmem:v2+s19+$0x0], $0xffff  }
0x432: {  	v59 =	vld [tilespmem:s28+$0x1B6B0]  }
0x433: {  	v4 =	vtrunc.f32 v4  }
0x434: {  	v4 =	vcvt.f32.s32 v4;
	v5 =	vmul.f32 v57, v5;
	_ =	sdelay $0x1  }
0x435: {  	vm14 =	vlt.s32 v4, $0xFFF;
	v2 =	vmul.f32 v2, v5  }
0x436: {  	v4 =	vnsel vm14, $0xFFF, v4  }
0x437: {  	[tilespmem:s28+$0x1C290] =	vst v2  }
0x438: {  	v2 =	vld.idx.msk [tilespmem:v58+s6+$0x0], $0xffff  }
0x439: {  	v60 =	vld.idx.msk [tilespmem:v59+s6+$0x0], $0xffff  }
0x43a: {  	v61 =	vld [tilespmem:s28+$0x1AC30]  }
0x43b: {  	v3 =	vmul.f32 $2.909090880e+02, v3;
	v4 =	vld.idx.msk [tilespmem:v4+s19+$0x0], $0xffff  }
0x43c: {  	v62 =	vld [tilespmem:s28+$0x1B6C0]  }
0x43d: {  	v3 =	vtrunc.f32 v3  }
0x43e: {  	v3 =	vcvt.f32.s32 v3;
	v2 =	vmul.f32 v60, v2;
	_ =	sdelay $0x1  }
0x43f: {  	vm15 =	vlt.s32 v3, $0xFFF;
	v2 =	vmul.f32 v4, v2  }
0x440: {  	v3 =	vnsel vm15, $0xFFF, v3  }
0x441: {  	[tilespmem:s28+$0x1C2A0] =	vst v2  }
0x442: {  	v2 =	vld.idx.msk [tilespmem:v61+s6+$0x0], $0xffff  }
0x443: {  	v63 =	vld.idx.msk [tilespmem:v62+s6+$0x0], $0xffff;
	_ =	sdelay $0x1  }
0x444: {  	v3 =	vld.idx.msk [tilespmem:v3+s19+$0x0], $0xffff;
	_ =	sdelay $0x2  }
0x445: {  	v2 =	vmul.f32 v63, v2  }
.Ltmp14:
0x446: {  	_ = 	snop;
	(pc) =	sbr.rel .LBB2_22-.Ltmp14, $3  }
0x447: {  	v2 =	vmul.f32 v3, v2;
	_ =	sdelay $0x1  }
0x448: {  	s29 =	simm.s32 $0x1C280;
	[tilespmem:s28+$0x1C2B0] =	vst v2  }
0x449: {  	[spmem:s5] =	stream.indirect.scatter.add.f32 [tilespmem:s29], [sflag:$0x6], $0x1, s26, s20, $0xb8;
	[tilespmem:$0x1DD00] =	vst v63  }
.LBB2_24:
0x44a: {  	_ =	sfence.sel $0x180000  }
0x44b: {  	[bflag:$0x0] =	sbarrier.arrive $0xFFFF  }
0x44c: {  	_ =	strace $0x90000047  }
0x44d: {  	s0 =	stileid.u32;
	[bflag:$0x2] =	sbarrier.arrive $0xFFFF  }
0x44e: {  	p0 =	sne.s32 s0, $0x0;
	s0 =	rddreg [dreg:$0x6]  }
0x44f: {  	s0 =	sadd.s32 @!p0 $0x100000, s0  }
0x450: {  	[sflag:s0] =	ssyncadd.tile.s32 @!p0 $0x1;
	_ =	shalt  }
.Lfunc_end2:
_tile_overlayer_lowered:
.L_overlay_start_2:
0x451: {  	(tag) =	ssettag $0x2  }
0x452: {  	s0 =	rddreg [dreg:$0x0];
	s2 =	stileid.u32  }
0x453: {  	s1 =	rddreg [dreg:$0x1];
	p0 =	sne.s32 s2, $0x0  }
0x454: {  	s3 =	rddreg [dreg:$0x2];
	[bflag:$0x3] =	sbarrier.arrive $0xFFFF;
	s2 =	simm.s32 @!p0 $0x1C07  }
0x455: {  	[timem:s3], [sflag:s2] =	dma.local @!p0 [hbm:s0], s1  }
0x456: {  	s0 =	simm.s32 @!p0 $0x7  }
0x457: {  	_ =	swait.ge @!p0 [sflag:s0], s1  }
0x458: {  	s1 =	ssub.s32 @!p0 $0x0, s1;
	[sflag:s0] =	ssyncset.done @!p0 $0x0  }
0x459: {  	[sflag:s0] =	ssyncadd.s32 @!p0 s1  }
0x45a: {  	[bflag:$0x3] =	sbarrier.arrive $0xFFFF  }
0x45b: {  	_ =	shalt  }

// kernel: kernel.7.cloned.1.call-start
scs
__scs_entry_jumppad:
0x0: {  	(pc) =	sbr.rel $0x88, $3  }
0x1: {  	(tag) =	ssettag $0x0;
	lr =	simm.s32 $0x1  }
0x2: {  	[smem:$0x3F9D] =	sst lr;
	_ =	strace $0xD0000000  }
0x3: {  	_ = 	snop  }
0x4: {  	_ = 	snop  }
0x5: {  	_ = 	snop  }
0x6: {  	_ = 	snop  }
0x7: {  	_ = 	snop  }
__scs_overlays_trampoline_lowered:
0x8: {  	[smem:$0x3FAC] =	sst s0  }
0x9: {  	[smem:$0x3FAD] =	sst s1  }
0xa: {  	[smem:$0x3FAE] =	sst s2  }
0xb: {  	[smem:$0x3FAF] =	sst s3  }
0xc: {  	[smem:$0x3FB0] =	sst s4  }
0xd: {  	[smem:$0x3FB1] =	sst s5  }
0xe: {  	[smem:$0x3FB2] =	sst s6  }
0xf: {  	[smem:$0x3FB3] =	sst s7  }
0x10: {  	[smem:$0x3FB4] =	sst s8  }
0x11: {  	[smem:$0x3FB5] =	sst s9;
	s0 =	simm.s32 @!p0 $0x0  }
0x12: {  	s1 =	sld [smem:$0x3F9B];
	s0 =	simm.s32 @p0 $0x1  }
0x13: {  	[smem:$0x3FB6] =	sst s0;
	s0 =	simm.s32 @!p1 $0x0  }
0x14: {  	s2 =	sld [smem:$0x3F9A];
	s0 =	simm.s32 @p1 $0x1  }
0x15: {  	[smem:$0x3FB7] =	sst s0;
	s0 =	simm.s32 @!p2 $0x0  }
0x16: {  	s3 =	sld [smem:$0x3FDB];
	s0 =	simm.s32 @p2 $0x1  }
0x17: {  	s4 =	simm.s32 $0x1BF5;
	[smem:$0x3FB9] =	sst s0  }
0x18: {  	s0 =	sld [smem:$0x3F9C];
	_ =	swait.ge [sflag:s4], $0x0  }
0x19: {  	s7 =	sld [smem:$0x3F9D]  }
0x1a: {  	s8 =	sadd.s32 $0xFFFFE003, lr  }
0x1b: {  	s9 =	sadd.s32 $0xFFFFFEF7, lr;
	s5 =	simm.s32 $0xFFFFFFFF;
	p2 =	slt.u32 s8, $0xFFFFF086  }
0x1c: {  	p1 =	slt.u32 s9, $0xF7A;
	s5 =	simm.s32 @!p2 $0x0  }
0x1d: {  	s5 =	simm.s32 @p1 $0x1;
	p0 =	seq.s32 s7, s2  }
0x1e: {  	s7 =	smul.u32 @!p0 $0xF7A, s2;
	p2 =	seq.s32 @!p0 s5, $0x0  }
0x1f: {  	s9 =	smul.u32 $0xF7A, s1;
	s8 =	simm.s32 @!p0 $0x1BF5;
	p2 =	por !p2, p0  }
0x20: {  	[sflag:s8] =	ssyncset.s32 @!p0 $0xFFFFF086;
	s6 =	sadd.s32 @!p0 s3, s7;
	s7 =	simm.s32 @!p0 $0x108  }
0x21: {  	s3 =	sadd.s32 s3, s9;
	s6 =	sadd.s32 @!p0 $0x88, s6;
	s7 =	simm.s32 @p2 $0x1082  }
0x22: {  	[simem:s7], [sflag:s8] =	dma.local @!p0 [hbm:s6], $0xF7A  }
0x23: {  	s9 =	sor.u32 $0xD0000000, s2;
	s6 =	simm.s32 $0x108;
	_ =	swait.ge @!p0 [sflag:s8], $0x0  }
0x24: {  	s3 =	sadd.s32 $0x88, s3;
	s6 =	simm.s32 @!p1 $0x1082;
	[sflag:s4] =	ssyncset.s32 $0xFFFFF086  }
0x25: {  	[simem:s6], [sflag:s4] =	dma.local [hbm:s3], $0xF7A  }
0x26: {  	[smem:$0x3F9D] =	sst s1;
	(tag) =	ssettag s2;
	_ =	strace s9  }
0x27: {  	s1 =	sld [smem:$0x3FAD]  }
0x28: {  	s2 =	sld [smem:$0x3FAE]  }
0x29: {  	s4 =	sld [smem:$0x3FB0]  }
0x2a: {  	p0 =	seq.s32 s5, $0x0;
	s5 =	sld [smem:$0x3FB1]  }
0x2b: {  	s6 =	sld [smem:$0x3FB2]  }
0x2c: {  	s7 =	sld [smem:$0x3FB3]  }
0x2d: {  	s3 =	simm.s32 $0x108;
	s8 =	sld [smem:$0x3FB4]  }
0x2e: {  	s3 =	simm.s32 @!p0 $0x1082;
	s9 =	sld [smem:$0x3FB5]  }
0x2f: {  	lr =	sadd.s32 s0, s3;
	s0 =	sld [smem:$0x3FAC]  }
0x30: {  	s3 =	sld [smem:$0x3FAF]  }
0x31: {  	[smem:$0x3FB8] =	sst s10  }
0x32: {  	s10 =	sld [smem:$0x3FB6];
	_ =	sdelay $0x3  }
0x33: {  	p0 =	seq.s32 s10, $0x1;
	s10 =	sld [smem:$0x3FB8];
	_ =	sdelay $0x3  }
0x34: {  	[smem:$0x3FB8] =	sst s10  }
0x35: {  	s10 =	sld [smem:$0x3FB7];
	_ =	sdelay $0x3  }
0x36: {  	p1 =	seq.s32 s10, $0x1;
	s10 =	sld [smem:$0x3FB8];
	_ =	sdelay $0x3  }
0x37: {  	[smem:$0x3FB8] =	sst s10  }
0x38: {  	s10 =	sld [smem:$0x3FB9]  }
0x39: {  	_ = 	snop;
	(pc) =	sbr.ind lr, $3  }
0x3a: {  	_ = 	snop  }
0x3b: {  	_ = 	snop  }
0x3c: {  	p2 =	seq.s32 s10, $0x1;
	s10 =	sld [smem:$0x3FB8]  }
0x3d: {  	_ =	shalt  }
0x3e: {  	_ =	shalt  }
0x3f: {  	_ =	shalt  }
0x40: {  	_ =	shalt  }
0x41: {  	_ =	shalt  }
0x42: {  	_ =	shalt  }
0x43: {  	_ =	shalt  }
0x44: {  	_ =	shalt  }
0x45: {  	_ =	shalt  }
0x46: {  	_ =	shalt  }
0x47: {  	_ =	shalt  }
0x48: {  	_ =	shalt  }
0x49: {  	_ =	shalt  }
0x4a: {  	_ =	shalt  }
0x4b: {  	_ =	shalt  }
0x4c: {  	_ =	shalt  }
0x4d: {  	_ =	shalt  }
0x4e: {  	_ =	shalt  }
0x4f: {  	_ =	shalt  }
0x50: {  	_ =	shalt  }
0x51: {  	_ =	shalt  }
0x52: {  	_ =	shalt  }
0x53: {  	_ =	shalt  }
0x54: {  	_ =	shalt  }
0x55: {  	_ =	shalt  }
0x56: {  	_ =	shalt  }
0x57: {  	_ =	shalt  }
0x58: {  	_ =	shalt  }
0x59: {  	_ =	shalt  }
0x5a: {  	_ =	shalt  }
0x5b: {  	_ =	shalt  }
0x5c: {  	_ =	shalt  }
0x5d: {  	_ =	shalt  }
0x5e: {  	_ =	shalt  }
0x5f: {  	_ =	shalt  }
0x60: {  	_ =	shalt  }
0x61: {  	_ =	shalt  }
0x62: {  	_ =	shalt  }
0x63: {  	_ =	shalt  }
0x64: {  	_ =	shalt  }
0x65: {  	_ =	shalt  }
0x66: {  	_ =	shalt  }
0x67: {  	_ =	shalt  }
0x68: {  	_ =	shalt  }
0x69: {  	_ =	shalt  }
0x6a: {  	_ =	shalt  }
0x6b: {  	_ =	shalt  }
0x6c: {  	_ =	shalt  }
0x6d: {  	_ =	shalt  }
0x6e: {  	_ =	shalt  }
0x6f: {  	_ =	shalt  }
0x70: {  	_ =	shalt  }
0x71: {  	_ =	shalt  }
0x72: {  	_ =	shalt  }
0x73: {  	_ =	shalt  }
0x74: {  	_ =	shalt  }
0x75: {  	_ =	shalt  }
0x76: {  	_ =	shalt  }
0x77: {  	_ =	shalt  }
0x78: {  	_ =	shalt  }
0x79: {  	_ =	shalt  }
0x7a: {  	_ =	shalt  }
0x7b: {  	_ =	shalt  }
0x7c: {  	_ =	shalt  }
0x7d: {  	_ =	shalt  }
0x7e: {  	_ =	shalt  }
0x7f: {  	_ =	shalt  }
0x80: {  	_ =	shalt  }
0x81: {  	_ =	shalt  }
0x82: {  	_ =	shalt  }
0x83: {  	_ =	shalt  }
0x84: {  	_ =	shalt  }
0x85: {  	_ =	shalt  }
0x86: {  	_ =	shalt  }
0x87: {  	_ =	shalt  }
.Lfunc_end0:
.L_simem_size_0:
called_computation.1_lowered:
.L_overlay_start_0:
0x88: {  	s2 =	sld [smem:$0x3FD9]  }
0x89: {  	s3 =	sld [smem:$0x3FFE];
	_ =	sdelay $0x1  }
0x8a: {  	s1 =	srdreg.scid  }
0x8b: {  	s0 =	sand.u32 $0x1, s1  }
0x8c: {  	s17 =	sshll.u32 s0, $0xA;
	s2 =	sadd.s32 s3, s2  }
0x8d: {  	s2 =	sadd.s32 s2, s17  }
0x8e: {  	[smem:$0x3FC4] =	sst s2  }
0x8f: {  	_ = 	snop  }
0x90: {  	s2 =	sld [smem:$0x3FD0];
	(tm) =	ssettm $0x1  }
0x91: {  	s18 =	sld [smem:$0x3FFB];
	_ =	sdelay $0x3  }
0x92: {  	_ =	strace s18  }
0x93: {  	s3 =	sld [smem:$0x3FFC];
	_ =	sdelay $0x3  }
0x94: {  	_ =	strace s3  }
0x95: {  	s3 =	sld [smem:$0x3FFD];
	_ =	sdelay $0x3  }
0x96: {  	_ =	strace s3  }
0x97: {  	_ =	strace $0x8FFFFFFF  }
0x98: {  	s19 =	sld [smem:$0x3FDB];
	_ =	sdelay $0x1  }
0x99: {  	s4 =	simm.s32 $_scs_section_size  }
0x9a: {  	s5 =	simm.s32 $_size__tile_overlayer_lowered;
	s6 =	simm.s32 $_tile_overlayer_lowered  }
0x9b: {  	s22 =	simm.s32 $0x1BFF;
	s21 =	sshll.u32 s6, $0x1;
	s3 =	sadd.s32 s4, s19  }
0x9c: {  	s7 =	simm.s32 $0x0;
	s20 =	sshll.u32 s5, $0x1;
	s5 =	sadd.s32 s21, s3  }
0x9d: {  	[timem:s7], [sflag:s22] =	dma.local [hbm:s5], s20  }
0x9e: {  	_ =	swait.ge [sflag:s22], s20  }
0x9f: {  	s4 =	ssub.s32 $0x0, s20;
	[sflag:s22] =	ssyncset.done $0x0  }
0xa0: {  	[sflag:s22] =	ssyncadd.s32 s4;
	_ =	sdelay $0x1  }
0xa1: {  	s23 =	simm.s32 $0x1B8B  }
0xa2: {  	_ =	swait.ge [sflag:s23], $0x1  }
0xa3: {  	[sflag:s23] =	ssyncset.done $0x0  }
0xa4: {  	s25 =	simm.s32 $0x1B8E;
	s24 =	sld [smem:$0x3FFE];
	[sflag:s23] =	ssyncadd.s32 $0xFFFFFFFF  }
0xa5: {  	s26 =	simm.s32 $execute0_lowered;
	[smem:$0x3FD2] =	sst s25  }
0xa6: {  	s5 =	sshll.u32 s26, $0x1;
	_ =	strace $0x80000049;
	[dreg:$0x1] =	wrdreg $0xFFFFFFFF  }
0xa7: {  	s28 =	simm.s32 $_size_execute0_lowered;
	s3 =	sadd.s32 s3, s5;
	[dreg:$0x0] =	wrdreg $0x0  }
0xa8: {  	s5 =	sshll.u32 s28, $0x1;
	[dreg:$0x2] =	wrdreg s3  }
0xa9: {  	[dreg:$0x3] =	wrdreg s5  }
0xaa: {  	[dreg:$0x4] =	wrdreg $0xC0  }
0xab: {  	_ =	task [dreg:s7], $0x5FFFF  }
0xac: {  	[dreg:$0x1] =	wrdreg $0xFFFFFFFF  }
0xad: {  	[dreg:$0x0] =	wrdreg $0x60  }
0xae: {  	[dreg:$0x2] =	wrdreg s24  }
0xaf: {  	[dreg:$0x3] =	wrdreg s2  }
0xb0: {  	[dreg:$0x4] =	wrdreg $0x9  }
0xb1: {  	_ =	task.clear_ibuf [dreg:s7], $0x5FFFF;
	_ =	strace $0x90000049  }
0xb2: {  	s29 =	simm.s32 $0x9;
	_ =	strace $0x8000004B  }
0xb3: {  	_ =	swait.ge [sflag:s29], $0x1  }
0xb4: {  	[sflag:s29] =	ssyncadd.s32 $0xFFFFFFFF  }
0xb5: {  	_ =	strace $0x9000004B  }
0xb6: {  	_ =	sfence  }
0xb7: {  	s30 =	sld [smem:$0x0];
	_ =	sdelay $0x2  }
0xb8: {  	s31 =	sshll.u32 s1, $0xD;
	s1 =	sshrl.u32 s1, $0x2  }
0xb9: {  	s3 =	sand.u32 $0x4000, s31;
	s1 =	sadd.s32 s1, s30  }
0xba: {  	s0 =	sor.u32 s3, s0;
	s1 =	sshll.u32 s1, $0x11  }
0xbb: {  	s0 =	sor.u32 s1, s0  }
0xbc: {  	s0 =	sadd.s32 $0x8F2B, s0  }
0xbd: {  	[sflag:s0] =	ssyncadd.remote.s32 $0x1  }
0xbe: {  	_ =	sfence.sel $0xFFFF  }
0xbf: {  	[dreg:$0x0] =	wrdreg $0xFFFFFFFF;
	(pc) =	sbr.abs _section_cstart, $3  }
0xc0: {  	[dreg:$0x1] =	wrdreg $0xFFFFFFFF  }
0xc1: {  	_ =	task.clear_ibuf [dreg:s7], $0x2FFFF;
	_ =	strace $0x9FFFFFFF  }
0xc2: {  	(tm) =	ssettm $0x7FFFFFFF  }
0xc3: {  	_ =	shalt  }
tec
execute0_lowered:
.L_overlay_start_1:
0x0: {  	(tag) =	ssettag $0x1  }
0x1: {  	s1 =	srdreg.scid;
	s4 =	rddreg [dreg:$0x0]  }
0x2: {  	s0 =	stileid.u32;
	s5 =	rddreg [dreg:$0x1];
	s2 =	simm.s32 $0x0  }
0x3: {  	s8 =	simm.s32 $0xC80;
	s3 =	sand.u32 $0x1, s1;
	s31 =	sshll.u32 s0, $0x1  }
0x4: {  	s9 =	simm.s32 $0x0;
	s1 =	sor.u32 s3, s31;
	s3 =	ssub.s32 $0x2, s3  }
0x5: {  	[smem:$0x7FF] =	sst s2;
	s6 =	smul.u32 $0x188, s1;
	s7 =	sshrl.u32 s3, $0x1  }
0x6: {  	s1 =	rddreg [dreg:$0x2];
	_ =	strace $0x8000004A;
	s7 =	ssub.s32 s3, s7  }
0x7: {  	s4 =	sadd.s32 s6, s4;
	s5 =	sadd.s32 s5, s6;
	s6 =	smax.u32 s7, $0x1  }
0x8: {  	s7 =	simm.s32 $0x1;
	s3 =	sadd.s32 $0xC00, s4;
	s4 =	sadd.s32 $0x3E00, s4  }
.LBB2_1:
0x9: {  	[tilespmem:s2], [sflag:$0x1] =	stream.linear.gather [hbm4b:s3+s2], $0xC40, $0x38;
	[tilespmem:$0x1900] =	vst v63  }
0xa: {  	_ =	swait.ge [sflag:s7], $0xC40  }
0xb: {  	[sflag:s7] =	ssyncset.done $0x0  }
0xc: {  	[sflag:s7] =	ssyncadd.s32 $0xFFFFF3C0  }
0xd: {  	[tilespmem:s8], [sflag:$0x1] =	stream.linear.gather [hbm4b:s4+s2], $0xC40, $0x38;
	[tilespmem:$0x1900] =	vst v63  }
0xe: {  	_ =	swait.ge [sflag:s7], $0xC40  }
0xf: {  	[sflag:s7] =	ssyncset.done $0x0  }
0x10: {  	s10 =	simm.s32 $0x0;
	[sflag:s7] =	ssyncadd.s32 $0xFFFFF3C0  }
0x11: {  	s11 =	simm.s32 $0x40;
	v0 =	vld [tilespmem:s10+$0xC80]  }
.LBB2_2:
0x12: {  	p0 =	sne.s32 s11, $0x30C0;
	v1 =	vld [tilespmem:s10+$0x0];
	_ =	sdelay $0x2  }
.Ltmp0:
0x13: {  	(pc) =	sbr.rel @p0 .LBB2_2-.Ltmp0, $4  }
0x14: {  	_ = 	snop  }
0x15: {  	v1 =	vadd.f32 v0, v1  }
0x16: {  	s12 =	sshra.s32 s11, $0x2  }
0x17: {  	s11 =	sadd.s32 $0x40, s11;
	v0 =	vld [tilespmem:s12+$0xC80];
	[tilespmem:s10+$0x0] =	vst v1;
	s10 =	smov.u32 s12  }
0x18: {  	v1 =	vld [tilespmem:s10+$0x0];
	_ =	sdelay $0x4  }
0x19: {  	s9 =	sadd.s32 $0x1, s9;
	v0 =	vadd.f32 v0, v1  }
0x1a: {  	p0 =	sne.s32 s9, s6  }
.Ltmp1:
0x1b: {  	[tilespmem:s10+$0x0] =	vst v0;
	(pc) =	sbr.rel @p0 .LBB2_1-.Ltmp1, $4  }
0x1c: {  	[hbm4b:s5+s2] =	stream.linear.scatter [tilespmem:s2], [sflag:$0x1], $0xC40, $0x38;
	[tilespmem:$0x1900] =	vst v63  }
0x1d: {  	_ =	swait.ge [sflag:s7], $0xC40  }
0x1e: {  	[sflag:s7] =	ssyncset.done $0x0  }
0x1f: {  	[sflag:s7] =	ssyncadd.s32 $0xFFFFF3C0  }
0x20: {  	_ =	sfence.sel $0x180000  }
0x21: {  	[bflag:$0x0] =	sbarrier.arrive $0xFFFF  }
0x22: {  	p0 =	sne.s32 s0, $0x0;
	_ =	strace $0x9000004A  }
0x23: {  	s0 =	sadd.s32 @!p0 $0x100000, s1;
	[bflag:$0x2] =	sbarrier.arrive $0xFFFF  }
0x24: {  	[sflag:s0] =	ssyncadd.tile.s32 @!p0 $0x1;
	_ =	shalt  }
.Lfunc_end2:
_tile_overlayer_lowered:
.L_overlay_start_2:
0x25: {  	(tag) =	ssettag $0x2  }
0x26: {  	s0 =	rddreg [dreg:$0x0];
	s2 =	stileid.u32  }
0x27: {  	s1 =	rddreg [dreg:$0x1];
	p0 =	sne.s32 s2, $0x0  }
0x28: {  	s3 =	rddreg [dreg:$0x2];
	[bflag:$0x3] =	sbarrier.arrive $0xFFFF;
	s2 =	simm.s32 @!p0 $0x1C01  }
0x29: {  	[timem:s3], [sflag:s2] =	dma.local @!p0 [hbm:s0], s1  }
0x2a: {  	s0 =	simm.s32 @!p0 $0x1  }
0x2b: {  	_ =	swait.ge @!p0 [sflag:s0], s1  }
0x2c: {  	s1 =	ssub.s32 @!p0 $0x0, s1;
	[sflag:s0] =	ssyncset.done @!p0 $0x0  }
0x2d: {  	[sflag:s0] =	ssyncadd.s32 @!p0 s1  }
0x2e: {  	[bflag:$0x3] =	sbarrier.arrive $0xFFFF  }
0x2f: {  	_ =	shalt  }

</sc_bundles>
